<compile_context>
chip_gen: v7x
topology: tpu7x:2x2x1
jax: 0.10.2.dev20260603
libtpu: 0.0.44.dev20260713+nightly
codegen_flags: <defaults>
</compile_context>

<pallas_src>
import dataclasses
import functools

import jax
import jax.numpy as jnp
import numpy as np
from jax.experimental import pallas as pl
from jax.experimental.pallas import tpu as pltpu
from jax.experimental.pallas import tpu_sc as plsc

_L = 16


@functools.cache
def _make_lookup(B0, B1, N, V, D, dtype, scale):
    mesh = plsc.VectorSubcoreMesh(core_axis_name="core", subcore_axis_name="subcore")
    cp = pltpu.CompilerParams(use_tc_tiling_on_sc=True)
    if "needs_layout_passes" in pltpu.CompilerParams.__dataclass_fields__:
        cp = dataclasses.replace(cp, needs_layout_passes=False)

    P = D + 1
    n_full = N // _L
    tail = N % _L

    @functools.partial(
        pl.kernel,
        out_type=jax.ShapeDtypeStruct((B0, B1, D, N), dtype),
        mesh=mesh,
        scratch_types=[pltpu.VMEM((V * P,), dtype)],
        compiler_params=cp,
    )
    def lookup(table_hbm, idx_hbm, out_hbm, tab_vmem):
        pltpu.sync_copy(table_hbm, tab_vmem.at[pl.ds(V, V * D)])

        @pl.loop(0, V)
        def _(r):
            for h in range(D // _L):
                src = pl.ds(V + r * D + h * _L, _L)
                tab_vmem[pl.ds(r * P + h * _L, _L)] = tab_vmem[src] * scale

        def grp(i_vmem, o_vmem, v0):
            idxv = i_vmem[0, 0, pl.ds(v0, _L)]
            addrs = idxv * P
            for d in range(D):
                vals = plsc.load_gather(tab_vmem, [addrs + d])
                o_vmem[0, 0, d, pl.ds(v0, _L)] = vals

        def body(i_vmem, o_vmem):
            @plsc.parallel_loop(0, n_full, unroll=2)
            def _(g):
                grp(i_vmem, o_vmem, g * _L)

            if tail:
                grp(i_vmem, o_vmem, N - _L)

        pltpu.emit_pipeline(
            body,
            grid=(B0 * B1,),
            in_specs=[pl.BlockSpec((1, 1, N), index_map=lambda i: (i, 0, 0))],
            out_specs=[
                pl.BlockSpec(
                    (1, 1, D, N), index_map=lambda i: (i // B1, i % B1, 0, 0)
                )
            ],
            core_axis_name=("core", "subcore"),
            dimension_semantics=(pltpu.PARALLEL,),
        )(idx_hbm, out_hbm)

    return lookup


def kernel(x, table):
    V, D = table.shape
    B0, B1, N = x.shape
    scale = float(np.sqrt(D).astype(np.float32))
    idx = x.reshape(B0 * B1, 1, N)
    out = _make_lookup(B0, B1, N, V, D, table.dtype, scale)(
        table.reshape(V * D), idx
    )
    return jnp.swapaxes(out, 2, 3)

# --- scband reference (transcript-rebuilt; emitter-appended) ---
"""Pipeline reference for scband-embedding-62302795596710 (READ-ONLY COPY).

The authoritative reference and input builder live on the scoring server;
editing this copy changes nothing except your own understanding.
"""

import jax, jax.numpy as jnp
import numpy as np


def setup_inputs(seed: int = 0) -> dict:
    key = jax.random.key(seed)
    k1, k2 = jax.random.split(key)
    x = jax.random.randint(k1, (64, 20, 1000), 0, 1000, dtype=jnp.int32)
    table = jax.random.normal(k2, (1000, 32), dtype=jnp.float32)
    return {"x": x, "table": table}


def reference(x, table):
    # Embedding lookup: table[x] with scale sqrt(dim_emb)
    dim_emb = table.shape[1]
    emb = jnp.take(table, x, axis=0)
    return emb * np.sqrt(dim_emb).astype(np.float32)

if __name__ == "__main__":
    import jax
    _d = setup_inputs()
    print(jax.jit(kernel)(*tuple(_d.values())))

</pallas_src>

<mosaic_0001>
#map = affine_map<(d0, d1) -> (0)>
#map1 = affine_map<(d0, d1) -> (0, 0, 0)>
#map2 = affine_map<(d0, d1) -> (0, 0, 0, 0)>
module attributes {stable_mosaic.version = 14 : i64} {
  func.func @lookup(%arg0: i32, %arg1: i32, %arg2: memref<32000xf32, #tpu.memory_space<hbm>>, %arg3: memref<1280x1x1000xi32, #tpu.memory_space<hbm>>, %arg4: memref<64x20x32x1000xf32, #tpu.memory_space<hbm>>, %arg5: memref<33000xf32, #tpu.memory_space<vmem>>) attributes {dimension_semantics = [#tpu.dimension_semantics<core_parallel>, #tpu.dimension_semantics<subcore_parallel>], iteration_bounds = array<i64: 2, 16>, scalar_prefetch = 0 : i64, scratch_operands = 1 : i64, tpu.core_type = #tpu.core_type<sc_vector_subcore>, window_params = [{transform_indices = #map}, {transform_indices = #map1}, {transform_indices = #map2}]} {
    "tpu.region"() ({
      %run_scoped3A = tpu.sem_alloc : memref<!tpu.dma_semaphore, #tpu.memory_space<semaphore_mem>>
      %dma_start3A = arith.constant 1000 : i32
      %dma_start3A_11 = tpu.memref_slice %arg5[%dma_start3A] : memref<33000xf32, #tpu.memory_space<vmem>> -> memref<32000xf32, #tpu.memory_space<vmem>>
      %dma_start3A_12 = arith.constant 1000 : i32
      %dma_start3A_13 = tpu.memref_slice %arg5[%dma_start3A_12] : memref<33000xf32, #tpu.memory_space<vmem>> -> memref<32000xf32, #tpu.memory_space<vmem>>
      tpu.enqueue_dma source(%arg2 : memref<32000xf32, #tpu.memory_space<hbm>>) target(%dma_start3A_13 : memref<32000xf32, #tpu.memory_space<vmem>>) target_semaphore(%run_scoped3A : memref<!tpu.dma_semaphore, #tpu.memory_space<semaphore_mem>>)
      %dma_wait3A = arith.constant 1000 : i32
      %dma_wait3A_14 = tpu.memref_slice %arg5[%dma_wait3A] : memref<33000xf32, #tpu.memory_space<vmem>> -> memref<32000xf32, #tpu.memory_space<vmem>>
      %dma_wait3A_15 = arith.constant 1000 : i32
      %dma_wait3A_16 = tpu.memref_slice %arg5[%dma_wait3A_15] : memref<33000xf32, #tpu.memory_space<vmem>> -> memref<32000xf32, #tpu.memory_space<vmem>>
      tpu.wait_dma2 semaphore(%run_scoped3A : memref<!tpu.dma_semaphore, #tpu.memory_space<semaphore_mem>>) src(%arg2 : memref<32000xf32, #tpu.memory_space<hbm>>) dst(%dma_wait3A_16 : memref<32000xf32, #tpu.memory_space<vmem>>)
      tpu.yield
    }) : () -> ()
    %scan3A = arith.constant 0 : i32
    %scan3A_0 = arith.constant 1000 : i32
    %scan3A_1 = arith.addi %scan3A, %scan3A_0 : i32
    %scan3A_2 = arith.constant 1 : i32
    scf.for %scan3A_11 = %scan3A to %scan3A_1 step %scan3A_2  : i32 {
      %mul3A_12 = arith.constant 1 : i32
      %mul3A_13 = arith.muli %scan3A_11, %mul3A_12 : i32
      %add3A_14 = arith.constant 0 : i32
      %add3A_15 = arith.addi %add3A_14, %mul3A_13 : i32
      %mul3A_16 = arith.constant 32 : i32
      %mul3A_17 = arith.muli %add3A_15, %mul3A_16 : i32
      %add3A_18 = arith.constant 1000 : i32
      %add3A_19 = arith.addi %add3A_18, %mul3A_17 : i32
      %add3A_20 = arith.constant 0 : i32
      %add3A_21 = arith.addi %add3A_19, %add3A_20 : i32
      %get3A = arith.index_cast %add3A_21 : i32 to index
      %get3A_22 = tpu.vector_load %arg5[%get3A] {strides = array<i32>} : memref<33000xf32, #tpu.memory_space<vmem>>, vector<16xf32>,
      %mul3A_23 = arith.constant 5.65685415 : f32
      %mul3A_24 = vector.broadcast %mul3A_23 : f32 to vector<16xf32>
      %mul3A_25 = arith.mulf %get3A_22, %mul3A_24 : vector<16xf32>
      %mul3A_26 = arith.constant 33 : i32
      %mul3A_27 = arith.muli %add3A_15, %mul3A_26 : i32
      %add3A_28 = arith.constant 0 : i32
      %add3A_29 = arith.addi %mul3A_27, %add3A_28 : i32
      %swap3A = arith.index_cast %add3A_29 : i32 to index
      %swap3A_30 = tpu.vector_load %arg5[%swap3A] {strides = array<i32>} : memref<33000xf32, #tpu.memory_space<vmem>>, vector<16xf32>,
      tpu.vector_store %arg5[%swap3A], %mul3A_25 {strides = array<i32>} : memref<33000xf32, #tpu.memory_space<vmem>>, vector<16xf32>,
      %mul3A_31 = arith.constant 32 : i32
      %mul3A_32 = arith.muli %add3A_15, %mul3A_31 : i32
      %add3A_33 = arith.constant 1000 : i32
      %add3A_34 = arith.addi %add3A_33, %mul3A_32 : i32
      %add3A_35 = arith.constant 16 : i32
      %add3A_36 = arith.addi %add3A_34, %add3A_35 : i32
      %get3A_37 = arith.index_cast %add3A_36 : i32 to index
      %get3A_38 = tpu.vector_load %arg5[%get3A_37] {strides = array<i32>} : memref<33000xf32, #tpu.memory_space<vmem>>, vector<16xf32>,
      %mul3A_39 = arith.constant 5.65685415 : f32
      %mul3A_40 = vector.broadcast %mul3A_39 : f32 to vector<16xf32>
      %mul3A_41 = arith.mulf %get3A_38, %mul3A_40 : vector<16xf32>
      %mul3A_42 = arith.constant 33 : i32
      %mul3A_43 = arith.muli %add3A_15, %mul3A_42 : i32
      %add3A_44 = arith.constant 16 : i32
      %add3A_45 = arith.addi %mul3A_43, %add3A_44 : i32
      %swap3A_46 = arith.index_cast %add3A_45 : i32 to index
      %swap3A_47 = tpu.vector_load %arg5[%swap3A_46] {strides = array<i32>} : memref<33000xf32, #tpu.memory_space<vmem>>, vector<16xf32>,
      tpu.vector_store %arg5[%swap3A_46], %mul3A_41 {strides = array<i32>} : memref<33000xf32, #tpu.memory_space<vmem>>, vector<16xf32>,
    }
    %scan3A_3 = arith.constant 1000 : i32
    %mul3A = arith.constant 1 : i32
    %mul3A_4 = arith.muli %arg1, %mul3A : i32
    %add3A = arith.constant 0 : i32
    %add3A_5 = arith.addi %add3A, %mul3A_4 : i32
    %mul3A_6 = arith.constant 16 : i32
    %mul3A_7 = arith.muli %arg0, %mul3A_6 : i32
    %add3A_8 = arith.addi %add3A_5, %mul3A_7 : i32
    %mul3A_9 = arith.constant 40 : i32
    %mul3A_10 = arith.muli %add3A_8, %mul3A_9 : i32
    "tpu.region"() ({
      %run_scoped3A = memref.alloca() : memref<2x1x1x1000xi32, #tpu.memory_space<vmem>>
      %run_scoped3A_11 = tpu.sem_alloc : memref<2x!tpu.dma_semaphore, #tpu.memory_space<semaphore_mem>>
      %run_scoped3A_12 = memref.alloca() : memref<2x1x1x32x1000xf32, #tpu.memory_space<vmem>>
      %run_scoped3A_13 = tpu.sem_alloc : memref<2x!tpu.dma_semaphore, #tpu.memory_space<semaphore_mem>>
      %add3A_14 = arith.constant 0 : i32
      %add3A_15 = arith.addi %add3A_14, %mul3A_10 : i32
      %select_n3A = arith.constant true
      %select_n3A_16 = arith.constant 0 : i32
      %select_n3A_17 = arith.constant -1 : i32
      %select_n3A_18 = arith.select %select_n3A, %select_n3A_17, %select_n3A_16 : i32
      %eq3A = arith.constant -1 : i32
      %eq3A_19 = arith.cmpi eq, %select_n3A_18, %eq3A : i32
      %select_n3A_20 = arith.constant 39 : i32
      %select_n3A_21 = arith.select %eq3A_19, %select_n3A_20, %select_n3A_18 : i32
      %add3A_22 = arith.addi %select_n3A_21, %mul3A_10 : i32
      %select_n3A_23 = arith.constant true
      %select_n3A_24 = arith.constant 0 : i32
      %select_n3A_25 = arith.constant 1 : i32
      %select_n3A_26 = arith.select %select_n3A_23, %select_n3A_25, %select_n3A_24 : i32
      %eq3A_27 = arith.constant 40 : i32
      %eq3A_28 = arith.cmpi eq, %select_n3A_26, %eq3A_27 : i32
      %select_n3A_29 = arith.constant 0 : i32
      %select_n3A_30 = arith.select %eq3A_28, %select_n3A_29, %select_n3A_26 : i32
      %add3A_31 = arith.addi %select_n3A_30, %mul3A_10 : i32
      %add3A_32 = arith.constant 1 : i32
      %add3A_33 = arith.addi %select_n3A_30, %add3A_32 : i32
      %select_n3A_34 = arith.constant true
      %select_n3A_35 = arith.select %select_n3A_34, %add3A_33, %select_n3A_30 : i32
      %eq3A_36 = arith.constant 40 : i32
      %eq3A_37 = arith.cmpi eq, %select_n3A_35, %eq3A_36 : i32
      %select_n3A_38 = arith.constant 0 : i32
      %select_n3A_39 = arith.select %eq3A_37, %select_n3A_38, %select_n3A_35 : i32
      %add3A_40 = arith.addi %select_n3A_39, %mul3A_10 : i32
      "tpu.trace_start"() <{level = 10 : i32, message = "ep_initialize_0"}> : () -> ()
      %rem3A = arith.constant 0 : i32
      %rem3A_41 = arith.constant 2 : i32
      %rem3A_42 = arith.remui %rem3A, %rem3A_41 : i32
      %mul3A_43 = arith.constant 1 : i32
      %mul3A_44 = arith.muli %mul3A_43, %add3A_15 : i32
      %dma_start3A = arith.constant 0 : i32
      %dma_start3A_45 = arith.constant 0 : i32
      %dma_start3A_46 = arith.constant 0 : i32
      %dma_start3A_47 = tpu.memref_slice %run_scoped3A[%rem3A_42, %dma_start3A, %dma_start3A_45, %dma_start3A_46] : memref<2x1x1x1000xi32, #tpu.memory_space<vmem>> -> memref<1x1x1x1000xi32, #tpu.memory_space<vmem>>
      %dma_start3A_48 = tpu.memref_squeeze %dma_start3A_47 : memref<1x1x1x1000xi32, #tpu.memory_space<vmem>> -> memref<1x1x1000xi32, #tpu.memory_space<vmem>>
      %dma_start3A_49 = arith.constant 0 : i32
      %dma_start3A_50 = arith.constant 0 : i32
      %dma_start3A_51 = tpu.memref_slice %arg3[%mul3A_44, %dma_start3A_49, %dma_start3A_50] : memref<1280x1x1000xi32, #tpu.memory_space<hbm>> -> memref<1x1x1000xi32, #tpu.memory_space<hbm>>
      %dma_start3A_52 = tpu.memref_slice %run_scoped3A_11[%rem3A_42] : memref<2x!tpu.dma_semaphore, #tpu.memory_space<semaphore_mem>> -> memref<1x!tpu.dma_semaphore, #tpu.memory_space<semaphore_mem>>
      %dma_start3A_53 = tpu.memref_squeeze %dma_start3A_52 : memref<1x!tpu.dma_semaphore, #tpu.memory_space<semaphore_mem>> -> memref<!tpu.dma_semaphore, #tpu.memory_space<semaphore_mem>>
      %dma_start3A_54 = arith.constant 0 : i32
      %dma_start3A_55 = arith.constant 0 : i32
      %dma_start3A_56 = arith.constant 0 : i32
      %dma_start3A_57 = tpu.memref_slice %run_scoped3A[%rem3A_42, %dma_start3A_54, %dma_start3A_55, %dma_start3A_56] : memref<2x1x1x1000xi32, #tpu.memory_space<vmem>> -> memref<1x1x1x1000xi32, #tpu.memory_space<vmem>>
      %dma_start3A_58 = tpu.memref_squeeze %dma_start3A_57 : memref<1x1x1x1000xi32, #tpu.memory_space<vmem>> -> memref<1x1x1000xi32, #tpu.memory_space<vmem>>
      %dma_start3A_59 = arith.constant 0 : i32
      %dma_start3A_60 = arith.constant 0 : i32
      %dma_start3A_61 = tpu.memref_slice %arg3[%mul3A_44, %dma_start3A_59, %dma_start3A_60] : memref<1280x1x1000xi32, #tpu.memory_space<hbm>> -> memref<1x1x1000xi32, #tpu.memory_space<hbm>>
      tpu.enqueue_dma source(%dma_start3A_61 : memref<1x1x1000xi32, #tpu.memory_space<hbm>>) target(%dma_start3A_58 : memref<1x1x1000xi32, #tpu.memory_space<vmem>>) target_semaphore(%dma_start3A_53 : memref<!tpu.dma_semaphore, #tpu.memory_space<semaphore_mem>>)
      %add3A_62 = arith.constant 0 : i32
      %add3A_63 = arith.constant 1 : i32
      %add3A_64 = arith.addi %add3A_62, %add3A_63 : i32
      %select_n3A_65 = arith.constant true
      %select_n3A_66 = arith.constant 0 : i32
      %select_n3A_67 = arith.select %select_n3A_65, %add3A_64, %select_n3A_66 : i32
      "tpu.trace_stop"() : () -> ()
      %scan3A_68 = arith.constant 0 : i32
      %scan3A_69 = arith.constant 0 : i32
      %scan3A_70 = arith.constant 0 : i32
      %scan3A_71 = arith.constant 0 : i32
      %scan3A_72 = arith.constant 0 : i32
      %scan3A_73 = arith.constant 40 : i32
      %scan3A_74 = arith.addi %scan3A_72, %scan3A_73 : i32
      %scan3A_75 = arith.constant 1 : i32
      %scan3A_76:5 = scf.for %scan3A_172 = %scan3A_72 to %scan3A_74 step %scan3A_75 iter_args(%scan3A_173 = %select_n3A_67, %scan3A_174 = %scan3A_68, %scan3A_175 = %scan3A_69, %scan3A_176 = %scan3A_70, %scan3A_177 = %scan3A_71) -> (i32, i32, i32, i32, i32)  : i32 {
        %eq3A_178 = arith.constant 0 : i32
        %eq3A_179 = arith.cmpi eq, %scan3A_172, %eq3A_178 : i32
        %eq3A_180 = arith.constant 39 : i32
        %eq3A_181 = arith.cmpi eq, %scan3A_172, %eq3A_180 : i32
        %add3A_182 = arith.addi %scan3A_177, %mul3A_10 : i32
        %sub3A_183 = arith.constant 1 : i32
        %sub3A_184 = arith.subi %scan3A_177, %sub3A_183 : i32
        %select_n3A_185 = arith.constant true
        %select_n3A_186 = arith.select %select_n3A_185, %sub3A_184, %scan3A_177 : i32
        %eq3A_187 = arith.constant -1 : i32
        %eq3A_188 = arith.cmpi eq, %select_n3A_186, %eq3A_187 : i32
        %select_n3A_189 = arith.constant 39 : i32
        %select_n3A_190 = arith.select %eq3A_188, %select_n3A_189, %select_n3A_186 : i32
        %add3A_191 = arith.addi %select_n3A_190, %mul3A_10 : i32
        %add3A_192 = arith.constant 1 : i32
        %add3A_193 = arith.addi %scan3A_177, %add3A_192 : i32
        %select_n3A_194 = arith.constant true
        %select_n3A_195 = arith.select %select_n3A_194, %add3A_193, %scan3A_177 : i32
        %eq3A_196 = arith.constant 40 : i32
        %eq3A_197 = arith.cmpi eq, %select_n3A_195, %eq3A_196 : i32
        %select_n3A_198 = arith.constant 0 : i32
        %select_n3A_199 = arith.select %eq3A_197, %select_n3A_198, %select_n3A_195 : i32
        %add3A_200 = arith.addi %select_n3A_199, %mul3A_10 : i32
        %add3A_201 = arith.constant 1 : i32
        %add3A_202 = arith.addi %select_n3A_199, %add3A_201 : i32
        %select_n3A_203 = arith.constant true
        %select_n3A_204 = arith.select %select_n3A_203, %add3A_202, %select_n3A_199 : i32
        %eq3A_205 = arith.constant 40 : i32
        %eq3A_206 = arith.cmpi eq, %select_n3A_204, %eq3A_205 : i32
        %select_n3A_207 = arith.constant 0 : i32
        %select_n3A_208 = arith.select %eq3A_206, %select_n3A_207, %select_n3A_204 : i32
        %add3A_209 = arith.addi %select_n3A_208, %mul3A_10 : i32
        %ne3A_210 = arith.cmpi ne, %add3A_182, %add3A_200 : i32
        %or3A = arith.constant false
        %or3A_211 = arith.ori %or3A, %ne3A_210 : i1
        %or3A_212 = arith.constant false
        %or3A_213 = arith.ori %or3A_211, %or3A_212 : i1
        %or3A_214 = arith.constant false
        %or3A_215 = arith.ori %or3A_213, %or3A_214 : i1
        %ge3A = arith.constant 39 : i32
        %ge3A_216 = arith.cmpi sge, %scan3A_172, %ge3A : i32
        %not3A = arith.constant true
        %not3A_217 = arith.xori %ge3A_216, %not3A : i1
        %and3A_218 = arith.andi %or3A_215, %not3A_217 : i1
        %convert_element_type3A = arith.extui %and3A_218 : i1 to i32
        %cond3A = arith.constant 0 : i32
        %cond3A_219 = arith.cmpi ne, %convert_element_type3A, %cond3A : i32
        scf.if %cond3A_219 {
          "tpu.trace_start"() <{level = 10 : i32, message = "ep_copy_in"}> : () -> ()
          %rem3A_1261 = arith.constant 2 : i32
          %rem3A_1262 = arith.remui %scan3A_173, %rem3A_1261 : i32
          %mul3A_1263 = arith.constant 1 : i32
          %mul3A_1264 = arith.muli %mul3A_1263, %add3A_200 : i32
          %dma_start3A_1265 = arith.constant 0 : i32
          %dma_start3A_1266 = arith.constant 0 : i32
          %dma_start3A_1267 = arith.constant 0 : i32
          %dma_start3A_1268 = tpu.memref_slice %run_scoped3A[%rem3A_1262, %dma_start3A_1265, %dma_start3A_1266, %dma_start3A_1267] : memref<2x1x1x1000xi32, #tpu.memory_space<vmem>> -> memref<1x1x1x1000xi32, #tpu.memory_space<vmem>>
          %dma_start3A_1269 = tpu.memref_squeeze %dma_start3A_1268 : memref<1x1x1x1000xi32, #tpu.memory_space<vmem>> -> memref<1x1x1000xi32, #tpu.memory_space<vmem>>
          %dma_start3A_1270 = arith.constant 0 : i32
          %dma_start3A_1271 = arith.constant 0 : i32
          %dma_start3A_1272 = tpu.memref_slice %arg3[%mul3A_1264, %dma_start3A_1270, %dma_start3A_1271] : memref<1280x1x1000xi32, #tpu.memory_space<hbm>> -> memref<1x1x1000xi32, #tpu.memory_space<hbm>>
          %dma_start3A_1273 = tpu.memref_slice %run_scoped3A_11[%rem3A_1262] : memref<2x!tpu.dma_semaphore, #tpu.memory_space<semaphore_mem>> -> memref<1x!tpu.dma_semaphore, #tpu.memory_space<semaphore_mem>>
          %dma_start3A_1274 = tpu.memref_squeeze %dma_start3A_1273 : memref<1x!tpu.dma_semaphore, #tpu.memory_space<semaphore_mem>> -> memref<!tpu.dma_semaphore, #tpu.memory_space<semaphore_mem>>
          %dma_start3A_1275 = arith.constant 0 : i32
          %dma_start3A_1276 = arith.constant 0 : i32
          %dma_start3A_1277 = arith.constant 0 : i32
          %dma_start3A_1278 = tpu.memref_slice %run_scoped3A[%rem3A_1262, %dma_start3A_1275, %dma_start3A_1276, %dma_start3A_1277] : memref<2x1x1x1000xi32, #tpu.memory_space<vmem>> -> memref<1x1x1x1000xi32, #tpu.memory_space<vmem>>
          %dma_start3A_1279 = tpu.memref_squeeze %dma_start3A_1278 : memref<1x1x1x1000xi32, #tpu.memory_space<vmem>> -> memref<1x1x1000xi32, #tpu.memory_space<vmem>>
          %dma_start3A_1280 = arith.constant 0 : i32
          %dma_start3A_1281 = arith.constant 0 : i32
          %dma_start3A_1282 = tpu.memref_slice %arg3[%mul3A_1264, %dma_start3A_1280, %dma_start3A_1281] : memref<1280x1x1000xi32, #tpu.memory_space<hbm>> -> memref<1x1x1000xi32, #tpu.memory_space<hbm>>
          tpu.enqueue_dma source(%dma_start3A_1282 : memref<1x1x1000xi32, #tpu.memory_space<hbm>>) target(%dma_start3A_1279 : memref<1x1x1000xi32, #tpu.memory_space<vmem>>) target_semaphore(%dma_start3A_1274 : memref<!tpu.dma_semaphore, #tpu.memory_space<semaphore_mem>>)
          "tpu.trace_stop"() : () -> ()
        } else {
        }
        %and3A_220 = arith.constant true
        %and3A_221 = arith.andi %and3A_218, %and3A_220 : i1
        %add3A_222 = arith.constant 1 : i32
        %add3A_223 = arith.addi %scan3A_173, %add3A_222 : i32
        %select_n3A_224 = arith.select %and3A_221, %add3A_223, %scan3A_173 : i32
        %jit3A_225 = arith.constant 20 : i32
        %div3A_226 = arith.divsi %add3A_182, %jit3A_225 : i32
        %sign3A_227 = arith.constant 0 : i32
        %sign3A_228 = arith.cmpi sgt, %add3A_182, %sign3A_227 : i32
        %sign3A_229 = arith.extui %sign3A_228 : i1 to i32
        %sign3A_230 = arith.constant 0 : i32
        %sign3A_231 = arith.cmpi slt, %add3A_182, %sign3A_230 : i32
        %sign3A_232 = arith.extui %sign3A_231 : i1 to i32
        %sign3A_233 = arith.subi %sign3A_229, %sign3A_232 : i32
        %sign3A_234 = arith.constant 0 : i32
        %sign3A_235 = arith.cmpi sgt, %jit3A_225, %sign3A_234 : i32
        %sign3A_236 = arith.extui %sign3A_235 : i1 to i32
        %sign3A_237 = arith.constant 0 : i32
        %sign3A_238 = arith.cmpi slt, %jit3A_225, %sign3A_237 : i32
        %sign3A_239 = arith.extui %sign3A_238 : i1 to i32
        %sign3A_240 = arith.subi %sign3A_236, %sign3A_239 : i32
        %ne3A_241 = arith.cmpi ne, %sign3A_233, %sign3A_240 : i32
        %rem3A_242 = arith.remsi %add3A_182, %jit3A_225 : i32
        %ne3A_243 = arith.constant 0 : i32
        %ne3A_244 = arith.cmpi ne, %rem3A_242, %ne3A_243 : i32
        %and3A_245 = arith.andi %ne3A_241, %ne3A_244 : i1
        %sub3A_246 = arith.constant 1 : i32
        %sub3A_247 = arith.subi %div3A_226, %sub3A_246 : i32
        %select_n3A_248 = arith.select %and3A_245, %sub3A_247, %div3A_226 : i32
        %jit3A_249 = arith.constant 20 : i32
        %eq3A_250 = arith.constant 0 : i32
        %eq3A_251 = arith.cmpi eq, %jit3A_249, %eq3A_250 : i32
        %jit3A_252 = arith.constant 1 : i32
        %select_n3A_253 = arith.select %eq3A_251, %jit3A_252, %jit3A_249 : i32
        %rem3A_254 = arith.remsi %add3A_182, %select_n3A_253 : i32
        %ne3A_255 = arith.constant 0 : i32
        %ne3A_256 = arith.cmpi ne, %rem3A_254, %ne3A_255 : i32
        %lt3A_257 = arith.constant 0 : i32
        %lt3A_258 = arith.cmpi slt, %rem3A_254, %lt3A_257 : i32
        %lt3A_259 = arith.constant 0 : i32
        %lt3A_260 = arith.cmpi slt, %select_n3A_253, %lt3A_259 : i32
        %ne3A_261 = arith.xori %lt3A_258, %lt3A_260 : i1
        %and3A_262 = arith.andi %ne3A_261, %ne3A_256 : i1
        %add3A_263 = arith.addi %rem3A_254, %select_n3A_253 : i32
        %select_n3A_264 = arith.select %and3A_262, %add3A_263, %rem3A_254 : i32
        %jit3A_265 = arith.constant 20 : i32
        %div3A_266 = arith.divsi %add3A_200, %jit3A_265 : i32
        %sign3A_267 = arith.constant 0 : i32
        %sign3A_268 = arith.cmpi sgt, %add3A_200, %sign3A_267 : i32
        %sign3A_269 = arith.extui %sign3A_268 : i1 to i32
        %sign3A_270 = arith.constant 0 : i32
        %sign3A_271 = arith.cmpi slt, %add3A_200, %sign3A_270 : i32
        %sign3A_272 = arith.extui %sign3A_271 : i1 to i32
        %sign3A_273 = arith.subi %sign3A_269, %sign3A_272 : i32
        %sign3A_274 = arith.constant 0 : i32
        %sign3A_275 = arith.cmpi sgt, %jit3A_265, %sign3A_274 : i32
        %sign3A_276 = arith.extui %sign3A_275 : i1 to i32
        %sign3A_277 = arith.constant 0 : i32
        %sign3A_278 = arith.cmpi slt, %jit3A_265, %sign3A_277 : i32
        %sign3A_279 = arith.extui %sign3A_278 : i1 to i32
        %sign3A_280 = arith.subi %sign3A_276, %sign3A_279 : i32
        %ne3A_281 = arith.cmpi ne, %sign3A_273, %sign3A_280 : i32
        %rem3A_282 = arith.remsi %add3A_200, %jit3A_265 : i32
        %ne3A_283 = arith.constant 0 : i32
        %ne3A_284 = arith.cmpi ne, %rem3A_282, %ne3A_283 : i32
        %and3A_285 = arith.andi %ne3A_281, %ne3A_284 : i1
        %sub3A_286 = arith.constant 1 : i32
        %sub3A_287 = arith.subi %div3A_266, %sub3A_286 : i32
        %select_n3A_288 = arith.select %and3A_285, %sub3A_287, %div3A_266 : i32
        %jit3A_289 = arith.constant 20 : i32
        %eq3A_290 = arith.constant 0 : i32
        %eq3A_291 = arith.cmpi eq, %jit3A_289, %eq3A_290 : i32
        %jit3A_292 = arith.constant 1 : i32
        %select_n3A_293 = arith.select %eq3A_291, %jit3A_292, %jit3A_289 : i32
        %rem3A_294 = arith.remsi %add3A_200, %select_n3A_293 : i32
        %ne3A_295 = arith.constant 0 : i32
        %ne3A_296 = arith.cmpi ne, %rem3A_294, %ne3A_295 : i32
        %lt3A_297 = arith.constant 0 : i32
        %lt3A_298 = arith.cmpi slt, %rem3A_294, %lt3A_297 : i32
        %lt3A_299 = arith.constant 0 : i32
        %lt3A_300 = arith.cmpi slt, %select_n3A_293, %lt3A_299 : i32
        %ne3A_301 = arith.xori %lt3A_298, %lt3A_300 : i1
        %and3A_302 = arith.andi %ne3A_301, %ne3A_296 : i1
        %add3A_303 = arith.addi %rem3A_294, %select_n3A_293 : i32
        %select_n3A_304 = arith.select %and3A_302, %add3A_303, %rem3A_294 : i32
        %ne3A_305 = arith.cmpi ne, %select_n3A_248, %select_n3A_288 : i32
        %ne3A_306 = arith.cmpi ne, %select_n3A_264, %select_n3A_304 : i32
        %or3A_307 = arith.constant false
        %or3A_308 = arith.ori %or3A_307, %ne3A_305 : i1
        %or3A_309 = arith.ori %or3A_308, %ne3A_306 : i1
        %or3A_310 = arith.constant false
        %or3A_311 = arith.ori %or3A_309, %or3A_310 : i1
        %or3A_312 = arith.constant false
        %or3A_313 = arith.ori %or3A_311, %or3A_312 : i1
        %ge3A_314 = arith.constant 39 : i32
        %ge3A_315 = arith.cmpi sge, %scan3A_172, %ge3A_314 : i32
        %not3A_316 = arith.constant true
        %not3A_317 = arith.xori %ge3A_315, %not3A_316 : i1
        %and3A_318 = arith.andi %or3A_313, %not3A_317 : i1
        %ne3A_319 = arith.cmpi ne, %add3A_182, %add3A_191 : i32
        %or3A_320 = arith.constant false
        %or3A_321 = arith.ori %or3A_320, %ne3A_319 : i1
        %or3A_322 = arith.constant false
        %or3A_323 = arith.ori %or3A_321, %or3A_322 : i1
        %or3A_324 = arith.constant false
        %or3A_325 = arith.ori %or3A_323, %or3A_324 : i1
        %or3A_326 = arith.ori %or3A_325, %eq3A_179 : i1
        %convert_element_type3A_327 = arith.extui %or3A_326 : i1 to i32
        %cond3A_328 = arith.constant 0 : i32
        %cond3A_329 = arith.cmpi ne, %convert_element_type3A_327, %cond3A_328 : i32
        scf.if %cond3A_329 {
          "tpu.trace_start"() <{level = 10 : i32, message = "ep_wait_in"}> : () -> ()
          %mul3A_1261 = arith.constant 1 : i32
          %mul3A_1262 = arith.muli %mul3A_1261, %add3A_182 : i32
          %rem3A_1263 = arith.constant 2 : i32
          %rem3A_1264 = arith.remui %scan3A_174, %rem3A_1263 : i32
          %dma_wait3A_1265 = arith.constant 0 : i32
          %dma_wait3A_1266 = arith.constant 0 : i32
          %dma_wait3A_1267 = arith.constant 0 : i32
          %dma_wait3A_1268 = tpu.memref_slice %run_scoped3A[%rem3A_1264, %dma_wait3A_1265, %dma_wait3A_1266, %dma_wait3A_1267] : memref<2x1x1x1000xi32, #tpu.memory_space<vmem>> -> memref<1x1x1x1000xi32, #tpu.memory_space<vmem>>
          %dma_wait3A_1269 = tpu.memref_squeeze %dma_wait3A_1268 : memref<1x1x1x1000xi32, #tpu.memory_space<vmem>> -> memref<1x1x1000xi32, #tpu.memory_space<vmem>>
          %dma_wait3A_1270 = arith.constant 0 : i32
          %dma_wait3A_1271 = arith.constant 0 : i32
          %dma_wait3A_1272 = tpu.memref_slice %arg3[%mul3A_1262, %dma_wait3A_1270, %dma_wait3A_1271] : memref<1280x1x1000xi32, #tpu.memory_space<hbm>> -> memref<1x1x1000xi32, #tpu.memory_space<hbm>>
          %dma_wait3A_1273 = tpu.memref_slice %run_scoped3A_11[%rem3A_1264] : memref<2x!tpu.dma_semaphore, #tpu.memory_space<semaphore_mem>> -> memref<1x!tpu.dma_semaphore, #tpu.memory_space<semaphore_mem>>
          %dma_wait3A_1274 = tpu.memref_squeeze %dma_wait3A_1273 : memref<1x!tpu.dma_semaphore, #tpu.memory_space<semaphore_mem>> -> memref<!tpu.dma_semaphore, #tpu.memory_space<semaphore_mem>>
          %dma_wait3A_1275 = arith.constant 0 : i32
          %dma_wait3A_1276 = arith.constant 0 : i32
          %dma_wait3A_1277 = arith.constant 0 : i32
          %dma_wait3A_1278 = tpu.memref_slice %run_scoped3A[%rem3A_1264, %dma_wait3A_1275, %dma_wait3A_1276, %dma_wait3A_1277] : memref<2x1x1x1000xi32, #tpu.memory_space<vmem>> -> memref<1x1x1x1000xi32, #tpu.memory_space<vmem>>
          %dma_wait3A_1279 = tpu.memref_squeeze %dma_wait3A_1278 : memref<1x1x1x1000xi32, #tpu.memory_space<vmem>> -> memref<1x1x1000xi32, #tpu.memory_space<vmem>>
          %dma_wait3A_1280 = arith.constant 0 : i32
          %dma_wait3A_1281 = arith.constant 0 : i32
          %dma_wait3A_1282 = tpu.memref_slice %arg3[%mul3A_1262, %dma_wait3A_1280, %dma_wait3A_1281] : memref<1280x1x1000xi32, #tpu.memory_space<hbm>> -> memref<1x1x1000xi32, #tpu.memory_space<hbm>>
          tpu.wait_dma2 semaphore(%dma_wait3A_1274 : memref<!tpu.dma_semaphore, #tpu.memory_space<semaphore_mem>>) src(%dma_wait3A_1282 : memref<1x1x1000xi32, #tpu.memory_space<hbm>>) dst(%dma_wait3A_1279 : memref<1x1x1000xi32, #tpu.memory_space<vmem>>)
          "tpu.trace_stop"() : () -> ()
        } else {
        }
        %jit3A_330 = arith.constant 20 : i32
        %div3A_331 = arith.divsi %add3A_182, %jit3A_330 : i32
        %sign3A_332 = arith.constant 0 : i32
        %sign3A_333 = arith.cmpi sgt, %add3A_182, %sign3A_332 : i32
        %sign3A_334 = arith.extui %sign3A_333 : i1 to i32
        %sign3A_335 = arith.constant 0 : i32
        %sign3A_336 = arith.cmpi slt, %add3A_182, %sign3A_335 : i32
        %sign3A_337 = arith.extui %sign3A_336 : i1 to i32
        %sign3A_338 = arith.subi %sign3A_334, %sign3A_337 : i32
        %sign3A_339 = arith.constant 0 : i32
        %sign3A_340 = arith.cmpi sgt, %jit3A_330, %sign3A_339 : i32
        %sign3A_341 = arith.extui %sign3A_340 : i1 to i32
        %sign3A_342 = arith.constant 0 : i32
        %sign3A_343 = arith.cmpi slt, %jit3A_330, %sign3A_342 : i32
        %sign3A_344 = arith.extui %sign3A_343 : i1 to i32
        %sign3A_345 = arith.subi %sign3A_341, %sign3A_344 : i32
        %ne3A_346 = arith.cmpi ne, %sign3A_338, %sign3A_345 : i32
        %rem3A_347 = arith.remsi %add3A_182, %jit3A_330 : i32
        %ne3A_348 = arith.constant 0 : i32
        %ne3A_349 = arith.cmpi ne, %rem3A_347, %ne3A_348 : i32
        %and3A_350 = arith.andi %ne3A_346, %ne3A_349 : i1
        %sub3A_351 = arith.constant 1 : i32
        %sub3A_352 = arith.subi %div3A_331, %sub3A_351 : i32
        %select_n3A_353 = arith.select %and3A_350, %sub3A_352, %div3A_331 : i32
        %jit3A_354 = arith.constant 20 : i32
        %eq3A_355 = arith.constant 0 : i32
        %eq3A_356 = arith.cmpi eq, %jit3A_354, %eq3A_355 : i32
        %jit3A_357 = arith.constant 1 : i32
        %select_n3A_358 = arith.select %eq3A_356, %jit3A_357, %jit3A_354 : i32
        %rem3A_359 = arith.remsi %add3A_182, %select_n3A_358 : i32
        %ne3A_360 = arith.constant 0 : i32
        %ne3A_361 = arith.cmpi ne, %rem3A_359, %ne3A_360 : i32
        %lt3A_362 = arith.constant 0 : i32
        %lt3A_363 = arith.cmpi slt, %rem3A_359, %lt3A_362 : i32
        %lt3A_364 = arith.constant 0 : i32
        %lt3A_365 = arith.cmpi slt, %select_n3A_358, %lt3A_364 : i32
        %ne3A_366 = arith.xori %lt3A_363, %lt3A_365 : i1
        %and3A_367 = arith.andi %ne3A_366, %ne3A_361 : i1
        %add3A_368 = arith.addi %rem3A_359, %select_n3A_358 : i32
        %select_n3A_369 = arith.select %and3A_367, %add3A_368, %rem3A_359 : i32
        %jit3A_370 = arith.constant 20 : i32
        %div3A_371 = arith.divsi %add3A_191, %jit3A_370 : i32
        %sign3A_372 = arith.constant 0 : i32
        %sign3A_373 = arith.cmpi sgt, %add3A_191, %sign3A_372 : i32
        %sign3A_374 = arith.extui %sign3A_373 : i1 to i32
        %sign3A_375 = arith.constant 0 : i32
        %sign3A_376 = arith.cmpi slt, %add3A_191, %sign3A_375 : i32
        %sign3A_377 = arith.extui %sign3A_376 : i1 to i32
        %sign3A_378 = arith.subi %sign3A_374, %sign3A_377 : i32
        %sign3A_379 = arith.constant 0 : i32
        %sign3A_380 = arith.cmpi sgt, %jit3A_370, %sign3A_379 : i32
        %sign3A_381 = arith.extui %sign3A_380 : i1 to i32
        %sign3A_382 = arith.constant 0 : i32
        %sign3A_383 = arith.cmpi slt, %jit3A_370, %sign3A_382 : i32
        %sign3A_384 = arith.extui %sign3A_383 : i1 to i32
        %sign3A_385 = arith.subi %sign3A_381, %sign3A_384 : i32
        %ne3A_386 = arith.cmpi ne, %sign3A_378, %sign3A_385 : i32
        %rem3A_387 = arith.remsi %add3A_191, %jit3A_370 : i32
        %ne3A_388 = arith.constant 0 : i32
        %ne3A_389 = arith.cmpi ne, %rem3A_387, %ne3A_388 : i32
        %and3A_390 = arith.andi %ne3A_386, %ne3A_389 : i1
        %sub3A_391 = arith.constant 1 : i32
        %sub3A_392 = arith.subi %div3A_371, %sub3A_391 : i32
        %select_n3A_393 = arith.select %and3A_390, %sub3A_392, %div3A_371 : i32
        %jit3A_394 = arith.constant 20 : i32
        %eq3A_395 = arith.constant 0 : i32
        %eq3A_396 = arith.cmpi eq, %jit3A_394, %eq3A_395 : i32
        %jit3A_397 = arith.constant 1 : i32
        %select_n3A_398 = arith.select %eq3A_396, %jit3A_397, %jit3A_394 : i32
        %rem3A_399 = arith.remsi %add3A_191, %select_n3A_398 : i32
        %ne3A_400 = arith.constant 0 : i32
        %ne3A_401 = arith.cmpi ne, %rem3A_399, %ne3A_400 : i32
        %lt3A_402 = arith.constant 0 : i32
        %lt3A_403 = arith.cmpi slt, %rem3A_399, %lt3A_402 : i32
        %lt3A_404 = arith.constant 0 : i32
        %lt3A_405 = arith.cmpi slt, %select_n3A_398, %lt3A_404 : i32
        %ne3A_406 = arith.xori %lt3A_403, %lt3A_405 : i1
        %and3A_407 = arith.andi %ne3A_406, %ne3A_401 : i1
        %add3A_408 = arith.addi %rem3A_399, %select_n3A_398 : i32
        %select_n3A_409 = arith.select %and3A_407, %add3A_408, %rem3A_399 : i32
        %ne3A_410 = arith.cmpi ne, %select_n3A_353, %select_n3A_393 : i32
        %ne3A_411 = arith.cmpi ne, %select_n3A_369, %select_n3A_409 : i32
        %or3A_412 = arith.constant false
        %or3A_413 = arith.ori %or3A_412, %ne3A_410 : i1
        %or3A_414 = arith.ori %or3A_413, %ne3A_411 : i1
        %or3A_415 = arith.constant false
        %or3A_416 = arith.ori %or3A_414, %or3A_415 : i1
        %or3A_417 = arith.constant false
        %or3A_418 = arith.ori %or3A_416, %or3A_417 : i1
        %or3A_419 = arith.ori %or3A_418, %eq3A_179 : i1
        %convert_element_type3A_420 = arith.extui %or3A_419 : i1 to i32
        %cond3A_421 = arith.constant 0 : i32
        %cond3A_422 = arith.cmpi ne, %convert_element_type3A_420, %cond3A_421 : i32
        scf.if %cond3A_422 {
        } else {
        }
        %rem3A_423 = arith.constant 2 : i32
        %rem3A_424 = arith.remui %scan3A_174, %rem3A_423 : i32
        %rem3A_425 = arith.constant 2 : i32
        %rem3A_426 = arith.remui %scan3A_175, %rem3A_425 : i32
        %parallel_loop3A = arith.constant 0 : i32
        %parallel_loop3A_427 = arith.constant 62 : i32
        %parallel_loop3A_428 = arith.constant 1 : i32
        "tpu.trace_start"() <{level = 10 : i32, message = "ep_run_kernel"}> : () -> ()
        scf.for %parallel_loop3A_1261 = %parallel_loop3A to %parallel_loop3A_427 step %parallel_loop3A_428  : i32 {
          %parallel_loop3A_1262 = arith.constant 16 : i32
          %parallel_loop3A_1263 = arith.muli %parallel_loop3A_1261, %parallel_loop3A_1262 : i32
          %parallel_loop3A_1264 = arith.constant 0 : i32
          %parallel_loop3A_1265 = arith.constant 0 : i32
          %parallel_loop3A_1266 = arith.constant 0 : i32
          %parallel_loop3A_1267 = arith.constant 0 : i32
          %parallel_loop3A_1268 = arith.constant 0 : i32
          %parallel_loop3A_1269 = tpu.memref_slice %run_scoped3A[%rem3A_424, %parallel_loop3A_1266, %parallel_loop3A_1267, %parallel_loop3A_1268] : memref<2x1x1x1000xi32, #tpu.memory_space<vmem>> -> memref<1x1x1x1000xi32, #tpu.memory_space<vmem>>
          %parallel_loop3A_1270 = tpu.memref_squeeze %parallel_loop3A_1269 : memref<1x1x1x1000xi32, #tpu.memory_space<vmem>> -> memref<1x1x1000xi32, #tpu.memory_space<vmem>>
          %parallel_loop3A_1271 = arith.index_cast %parallel_loop3A_1264 : i32 to index
          %parallel_loop3A_1272 = arith.index_cast %parallel_loop3A_1265 : i32 to index
          %parallel_loop3A_1273 = arith.index_cast %parallel_loop3A_1263 : i32 to index
          %parallel_loop3A_1274 = tpu.vector_load %parallel_loop3A_1270[%parallel_loop3A_1271, %parallel_loop3A_1272, %parallel_loop3A_1273] {strides = array<i32>} : memref<1x1x1000xi32, #tpu.memory_space<vmem>>, vector<16xi32>,
          %parallel_loop3A_1275 = arith.constant 33 : i32
          %parallel_loop3A_1276 = vector.broadcast %parallel_loop3A_1275 : i32 to vector<16xi32>
          %parallel_loop3A_1277 = arith.muli %parallel_loop3A_1274, %parallel_loop3A_1276 : vector<16xi32>
          %parallel_loop3A_1278 = arith.constant 0 : i32
          %parallel_loop3A_1279 = vector.broadcast %parallel_loop3A_1278 : i32 to vector<16xi32>
          %parallel_loop3A_1280 = arith.addi %parallel_loop3A_1277, %parallel_loop3A_1279 : vector<16xi32>
          %parallel_loop3A_1281 = tpu.vector_load_idx %arg5[%parallel_loop3A_1280] : memref<33000xf32, #tpu.memory_space<vmem>>[vector<16xi32>], vector<16xf32>,
          %parallel_loop3A_1282 = arith.constant 0 : i32
          %parallel_loop3A_1283 = arith.constant 0 : i32
          %parallel_loop3A_1284 = arith.constant 0 : i32
          %parallel_loop3A_1285 = arith.constant 0 : i32
          %parallel_loop3A_1286 = arith.constant 0 : i32
          %parallel_loop3A_1287 = arith.constant 0 : i32
          %parallel_loop3A_1288 = arith.constant 0 : i32
          %parallel_loop3A_1289 = tpu.memref_slice %run_scoped3A_12[%rem3A_426, %parallel_loop3A_1285, %parallel_loop3A_1286, %parallel_loop3A_1287, %parallel_loop3A_1288] : memref<2x1x1x32x1000xf32, #tpu.memory_space<vmem>> -> memref<1x1x1x32x1000xf32, #tpu.memory_space<vmem>>
          %parallel_loop3A_1290 = tpu.memref_squeeze %parallel_loop3A_1289 : memref<1x1x1x32x1000xf32, #tpu.memory_space<vmem>> -> memref<1x1x32x1000xf32, #tpu.memory_space<vmem>>
          %parallel_loop3A_1291 = arith.index_cast %parallel_loop3A_1282 : i32 to index
          %parallel_loop3A_1292 = arith.index_cast %parallel_loop3A_1283 : i32 to index
          %parallel_loop3A_1293 = arith.index_cast %parallel_loop3A_1284 : i32 to index
          %parallel_loop3A_1294 = arith.index_cast %parallel_loop3A_1263 : i32 to index
          %parallel_loop3A_1295 = tpu.vector_load %parallel_loop3A_1290[%parallel_loop3A_1291, %parallel_loop3A_1292, %parallel_loop3A_1293, %parallel_loop3A_1294] {strides = array<i32>} : memref<1x1x32x1000xf32, #tpu.memory_space<vmem>>, vector<16xf32>,
          tpu.vector_store %parallel_loop3A_1290[%parallel_loop3A_1291, %parallel_loop3A_1292, %parallel_loop3A_1293, %parallel_loop3A_1294], %parallel_loop3A_1281 {strides = array<i32>} : memref<1x1x32x1000xf32, #tpu.memory_space<vmem>>, vector<16xf32>,
          %parallel_loop3A_1296 = arith.constant 1 : i32
          %parallel_loop3A_1297 = vector.broadcast %parallel_loop3A_1296 : i32 to vector<16xi32>
          %parallel_loop3A_1298 = arith.addi %parallel_loop3A_1277, %parallel_loop3A_1297 : vector<16xi32>
          %parallel_loop3A_1299 = tpu.vector_load_idx %arg5[%parallel_loop3A_1298] : memref<33000xf32, #tpu.memory_space<vmem>>[vector<16xi32>], vector<16xf32>,
          %parallel_loop3A_1300 = arith.constant 0 : i32
          %parallel_loop3A_1301 = arith.constant 0 : i32
          %parallel_loop3A_1302 = arith.constant 1 : i32
          %parallel_loop3A_1303 = arith.constant 0 : i32
          %parallel_loop3A_1304 = arith.constant 0 : i32
          %parallel_loop3A_1305 = arith.constant 0 : i32
          %parallel_loop3A_1306 = arith.constant 0 : i32
          %parallel_loop3A_1307 = tpu.memref_slice %run_scoped3A_12[%rem3A_426, %parallel_loop3A_1303, %parallel_loop3A_1304, %parallel_loop3A_1305, %parallel_loop3A_1306] : memref<2x1x1x32x1000xf32, #tpu.memory_space<vmem>> -> memref<1x1x1x32x1000xf32, #tpu.memory_space<vmem>>
          %parallel_loop3A_1308 = tpu.memref_squeeze %parallel_loop3A_1307 : memref<1x1x1x32x1000xf32, #tpu.memory_space<vmem>> -> memref<1x1x32x1000xf32, #tpu.memory_space<vmem>>
          %parallel_loop3A_1309 = arith.index_cast %parallel_loop3A_1300 : i32 to index
          %parallel_loop3A_1310 = arith.index_cast %parallel_loop3A_1301 : i32 to index
          %parallel_loop3A_1311 = arith.index_cast %parallel_loop3A_1302 : i32 to index
          %parallel_loop3A_1312 = arith.index_cast %parallel_loop3A_1263 : i32 to index
          %parallel_loop3A_1313 = tpu.vector_load %parallel_loop3A_1308[%parallel_loop3A_1309, %parallel_loop3A_1310, %parallel_loop3A_1311, %parallel_loop3A_1312] {strides = array<i32>} : memref<1x1x32x1000xf32, #tpu.memory_space<vmem>>, vector<16xf32>,
          tpu.vector_store %parallel_loop3A_1308[%parallel_loop3A_1309, %parallel_loop3A_1310, %parallel_loop3A_1311, %parallel_loop3A_1312], %parallel_loop3A_1299 {strides = array<i32>} : memref<1x1x32x1000xf32, #tpu.memory_space<vmem>>, vector<16xf32>,
          %parallel_loop3A_1314 = arith.constant 2 : i32
          %parallel_loop3A_1315 = vector.broadcast %parallel_loop3A_1314 : i32 to vector<16xi32>
          %parallel_loop3A_1316 = arith.addi %parallel_loop3A_1277, %parallel_loop3A_1315 : vector<16xi32>
          %parallel_loop3A_1317 = tpu.vector_load_idx %arg5[%parallel_loop3A_1316] : memref<33000xf32, #tpu.memory_space<vmem>>[vector<16xi32>], vector<16xf32>,
          %parallel_loop3A_1318 = arith.constant 0 : i32
          %parallel_loop3A_1319 = arith.constant 0 : i32
          %parallel_loop3A_1320 = arith.constant 2 : i32
          %parallel_loop3A_1321 = arith.constant 0 : i32
          %parallel_loop3A_1322 = arith.constant 0 : i32
          %parallel_loop3A_1323 = arith.constant 0 : i32
          %parallel_loop3A_1324 = arith.constant 0 : i32
          %parallel_loop3A_1325 = tpu.memref_slice %run_scoped3A_12[%rem3A_426, %parallel_loop3A_1321, %parallel_loop3A_1322, %parallel_loop3A_1323, %parallel_loop3A_1324] : memref<2x1x1x32x1000xf32, #tpu.memory_space<vmem>> -> memref<1x1x1x32x1000xf32, #tpu.memory_space<vmem>>
          %parallel_loop3A_1326 = tpu.memref_squeeze %parallel_loop3A_1325 : memref<1x1x1x32x1000xf32, #tpu.memory_space<vmem>> -> memref<1x1x32x1000xf32, #tpu.memory_space<vmem>>
          %parallel_loop3A_1327 = arith.index_cast %parallel_loop3A_1318 : i32 to index
          %parallel_loop3A_1328 = arith.index_cast %parallel_loop3A_1319 : i32 to index
          %parallel_loop3A_1329 = arith.index_cast %parallel_loop3A_1320 : i32 to index
          %parallel_loop3A_1330 = arith.index_cast %parallel_loop3A_1263 : i32 to index
          %parallel_loop3A_1331 = tpu.vector_load %parallel_loop3A_1326[%parallel_loop3A_1327, %parallel_loop3A_1328, %parallel_loop3A_1329, %parallel_loop3A_1330] {strides = array<i32>} : memref<1x1x32x1000xf32, #tpu.memory_space<vmem>>, vector<16xf32>,
          tpu.vector_store %parallel_loop3A_1326[%parallel_loop3A_1327, %parallel_loop3A_1328, %parallel_loop3A_1329, %parallel_loop3A_1330], %parallel_loop3A_1317 {strides = array<i32>} : memref<1x1x32x1000xf32, #tpu.memory_space<vmem>>, vector<16xf32>,
          %parallel_loop3A_1332 = arith.constant 3 : i32
          %parallel_loop3A_1333 = vector.broadcast %parallel_loop3A_1332 : i32 to vector<16xi32>
          %parallel_loop3A_1334 = arith.addi %parallel_loop3A_1277, %parallel_loop3A_1333 : vector<16xi32>
          %parallel_loop3A_1335 = tpu.vector_load_idx %arg5[%parallel_loop3A_1334] : memref<33000xf32, #tpu.memory_space<vmem>>[vector<16xi32>], vector<16xf32>,
          %parallel_loop3A_1336 = arith.constant 0 : i32
          %parallel_loop3A_1337 = arith.constant 0 : i32
          %parallel_loop3A_1338 = arith.constant 3 : i32
          %parallel_loop3A_1339 = arith.constant 0 : i32
          %parallel_loop3A_1340 = arith.constant 0 : i32
          %parallel_loop3A_1341 = arith.constant 0 : i32
          %parallel_loop3A_1342 = arith.constant 0 : i32
          %parallel_loop3A_1343 = tpu.memref_slice %run_scoped3A_12[%rem3A_426, %parallel_loop3A_1339, %parallel_loop3A_1340, %parallel_loop3A_1341, %parallel_loop3A_1342] : memref<2x1x1x32x1000xf32, #tpu.memory_space<vmem>> -> memref<1x1x1x32x1000xf32, #tpu.memory_space<vmem>>
          %parallel_loop3A_1344 = tpu.memref_squeeze %parallel_loop3A_1343 : memref<1x1x1x32x1000xf32, #tpu.memory_space<vmem>> -> memref<1x1x32x1000xf32, #tpu.memory_space<vmem>>
          %parallel_loop3A_1345 = arith.index_cast %parallel_loop3A_1336 : i32 to index
          %parallel_loop3A_1346 = arith.index_cast %parallel_loop3A_1337 : i32 to index
          %parallel_loop3A_1347 = arith.index_cast %parallel_loop3A_1338 : i32 to index
          %parallel_loop3A_1348 = arith.index_cast %parallel_loop3A_1263 : i32 to index
          %parallel_loop3A_1349 = tpu.vector_load %parallel_loop3A_1344[%parallel_loop3A_1345, %parallel_loop3A_1346, %parallel_loop3A_1347, %parallel_loop3A_1348] {strides = array<i32>} : memref<1x1x32x1000xf32, #tpu.memory_space<vmem>>, vector<16xf32>,
          tpu.vector_store %parallel_loop3A_1344[%parallel_loop3A_1345, %parallel_loop3A_1346, %parallel_loop3A_1347, %parallel_loop3A_1348], %parallel_loop3A_1335 {strides = array<i32>} : memref<1x1x32x1000xf32, #tpu.memory_space<vmem>>, vector<16xf32>,
          %parallel_loop3A_1350 = arith.constant 4 : i32
          %parallel_loop3A_1351 = vector.broadcast %parallel_loop3A_1350 : i32 to vector<16xi32>
          %parallel_loop3A_1352 = arith.addi %parallel_loop3A_1277, %parallel_loop3A_1351 : vector<16xi32>
          %parallel_loop3A_1353 = tpu.vector_load_idx %arg5[%parallel_loop3A_1352] : memref<33000xf32, #tpu.memory_space<vmem>>[vector<16xi32>], vector<16xf32>,
          %parallel_loop3A_1354 = arith.constant 0 : i32
          %parallel_loop3A_1355 = arith.constant 0 : i32
          %parallel_loop3A_1356 = arith.constant 4 : i32
          %parallel_loop3A_1357 = arith.constant 0 : i32
          %parallel_loop3A_1358 = arith.constant 0 : i32
          %parallel_loop3A_1359 = arith.constant 0 : i32
          %parallel_loop3A_1360 = arith.constant 0 : i32
          %parallel_loop3A_1361 = tpu.memref_slice %run_scoped3A_12[%rem3A_426, %parallel_loop3A_1357, %parallel_loop3A_1358, %parallel_loop3A_1359, %parallel_loop3A_1360] : memref<2x1x1x32x1000xf32, #tpu.memory_space<vmem>> -> memref<1x1x1x32x1000xf32, #tpu.memory_space<vmem>>
          %parallel_loop3A_1362 = tpu.memref_squeeze %parallel_loop3A_1361 : memref<1x1x1x32x1000xf32, #tpu.memory_space<vmem>> -> memref<1x1x32x1000xf32, #tpu.memory_space<vmem>>
          %parallel_loop3A_1363 = arith.index_cast %parallel_loop3A_1354 : i32 to index
          %parallel_loop3A_1364 = arith.index_cast %parallel_loop3A_1355 : i32 to index
          %parallel_loop3A_1365 = arith.index_cast %parallel_loop3A_1356 : i32 to index
          %parallel_loop3A_1366 = arith.index_cast %parallel_loop3A_1263 : i32 to index
          %parallel_loop3A_1367 = tpu.vector_load %parallel_loop3A_1362[%parallel_loop3A_1363, %parallel_loop3A_1364, %parallel_loop3A_1365, %parallel_loop3A_1366] {strides = array<i32>} : memref<1x1x32x1000xf32, #tpu.memory_space<vmem>>, vector<16xf32>,
          tpu.vector_store %parallel_loop3A_1362[%parallel_loop3A_1363, %parallel_loop3A_1364, %parallel_loop3A_1365, %parallel_loop3A_1366], %parallel_loop3A_1353 {strides = array<i32>} : memref<1x1x32x1000xf32, #tpu.memory_space<vmem>>, vector<16xf32>,
          %parallel_loop3A_1368 = arith.constant 5 : i32
          %parallel_loop3A_1369 = vector.broadcast %parallel_loop3A_1368 : i32 to vector<16xi32>
          %parallel_loop3A_1370 = arith.addi %parallel_loop3A_1277, %parallel_loop3A_1369 : vector<16xi32>
          %parallel_loop3A_1371 = tpu.vector_load_idx %arg5[%parallel_loop3A_1370] : memref<33000xf32, #tpu.memory_space<vmem>>[vector<16xi32>], vector<16xf32>,
          %parallel_loop3A_1372 = arith.constant 0 : i32
          %parallel_loop3A_1373 = arith.constant 0 : i32
          %parallel_loop3A_1374 = arith.constant 5 : i32
          %parallel_loop3A_1375 = arith.constant 0 : i32
          %parallel_loop3A_1376 = arith.constant 0 : i32
          %parallel_loop3A_1377 = arith.constant 0 : i32
          %parallel_loop3A_1378 = arith.constant 0 : i32
          %parallel_loop3A_1379 = tpu.memref_slice %run_scoped3A_12[%rem3A_426, %parallel_loop3A_1375, %parallel_loop3A_1376, %parallel_loop3A_1377, %parallel_loop3A_1378] : memref<2x1x1x32x1000xf32, #tpu.memory_space<vmem>> -> memref<1x1x1x32x1000xf32, #tpu.memory_space<vmem>>
          %parallel_loop3A_1380 = tpu.memref_squeeze %parallel_loop3A_1379 : memref<1x1x1x32x1000xf32, #tpu.memory_space<vmem>> -> memref<1x1x32x1000xf32, #tpu.memory_space<vmem>>
          %parallel_loop3A_1381 = arith.index_cast %parallel_loop3A_1372 : i32 to index
          %parallel_loop3A_1382 = arith.index_cast %parallel_loop3A_1373 : i32 to index
          %parallel_loop3A_1383 = arith.index_cast %parallel_loop3A_1374 : i32 to index
          %parallel_loop3A_1384 = arith.index_cast %parallel_loop3A_1263 : i32 to index
          %parallel_loop3A_1385 = tpu.vector_load %parallel_loop3A_1380[%parallel_loop3A_1381, %parallel_loop3A_1382, %parallel_loop3A_1383, %parallel_loop3A_1384] {strides = array<i32>} : memref<1x1x32x1000xf32, #tpu.memory_space<vmem>>, vector<16xf32>,
          tpu.vector_store %parallel_loop3A_1380[%parallel_loop3A_1381, %parallel_loop3A_1382, %parallel_loop3A_1383, %parallel_loop3A_1384], %parallel_loop3A_1371 {strides = array<i32>} : memref<1x1x32x1000xf32, #tpu.memory_space<vmem>>, vector<16xf32>,
          %parallel_loop3A_1386 = arith.constant 6 : i32
          %parallel_loop3A_1387 = vector.broadcast %parallel_loop3A_1386 : i32 to vector<16xi32>
          %parallel_loop3A_1388 = arith.addi %parallel_loop3A_1277, %parallel_loop3A_1387 : vector<16xi32>
          %parallel_loop3A_1389 = tpu.vector_load_idx %arg5[%parallel_loop3A_1388] : memref<33000xf32, #tpu.memory_space<vmem>>[vector<16xi32>], vector<16xf32>,
          %parallel_loop3A_1390 = arith.constant 0 : i32
          %parallel_loop3A_1391 = arith.constant 0 : i32
          %parallel_loop3A_1392 = arith.constant 6 : i32
          %parallel_loop3A_1393 = arith.constant 0 : i32
          %parallel_loop3A_1394 = arith.constant 0 : i32
          %parallel_loop3A_1395 = arith.constant 0 : i32
          %parallel_loop3A_1396 = arith.constant 0 : i32
          %parallel_loop3A_1397 = tpu.memref_slice %run_scoped3A_12[%rem3A_426, %parallel_loop3A_1393, %parallel_loop3A_1394, %parallel_loop3A_1395, %parallel_loop3A_1396] : memref<2x1x1x32x1000xf32, #tpu.memory_space<vmem>> -> memref<1x1x1x32x1000xf32, #tpu.memory_space<vmem>>
          %parallel_loop3A_1398 = tpu.memref_squeeze %parallel_loop3A_1397 : memref<1x1x1x32x1000xf32, #tpu.memory_space<vmem>> -> memref<1x1x32x1000xf32, #tpu.memory_space<vmem>>
          %parallel_loop3A_1399 = arith.index_cast %parallel_loop3A_1390 : i32 to index
          %parallel_loop3A_1400 = arith.index_cast %parallel_loop3A_1391 : i32 to index
          %parallel_loop3A_1401 = arith.index_cast %parallel_loop3A_1392 : i32 to index
          %parallel_loop3A_1402 = arith.index_cast %parallel_loop3A_1263 : i32 to index
          %parallel_loop3A_1403 = tpu.vector_load %parallel_loop3A_1398[%parallel_loop3A_1399, %parallel_loop3A_1400, %parallel_loop3A_1401, %parallel_loop3A_1402] {strides = array<i32>} : memref<1x1x32x1000xf32, #tpu.memory_space<vmem>>, vector<16xf32>,
          tpu.vector_store %parallel_loop3A_1398[%parallel_loop3A_1399, %parallel_loop3A_1400, %parallel_loop3A_1401, %parallel_loop3A_1402], %parallel_loop3A_1389 {strides = array<i32>} : memref<1x1x32x1000xf32, #tpu.memory_space<vmem>>, vector<16xf32>,
          %parallel_loop3A_1404 = arith.constant 7 : i32
          %parallel_loop3A_1405 = vector.broadcast %parallel_loop3A_1404 : i32 to vector<16xi32>
          %parallel_loop3A_1406 = arith.addi %parallel_loop3A_1277, %parallel_loop3A_1405 : vector<16xi32>
          %parallel_loop3A_1407 = tpu.vector_load_idx %arg5[%parallel_loop3A_1406] : memref<33000xf32, #tpu.memory_space<vmem>>[vector<16xi32>], vector<16xf32>,
          %parallel_loop3A_1408 = arith.constant 0 : i32
          %parallel_loop3A_1409 = arith.constant 0 : i32
          %parallel_loop3A_1410 = arith.constant 7 : i32
          %parallel_loop3A_1411 = arith.constant 0 : i32
          %parallel_loop3A_1412 = arith.constant 0 : i32
          %parallel_loop3A_1413 = arith.constant 0 : i32
          %parallel_loop3A_1414 = arith.constant 0 : i32
          %parallel_loop3A_1415 = tpu.memref_slice %run_scoped3A_12[%rem3A_426, %parallel_loop3A_1411, %parallel_loop3A_1412, %parallel_loop3A_1413, %parallel_loop3A_1414] : memref<2x1x1x32x1000xf32, #tpu.memory_space<vmem>> -> memref<1x1x1x32x1000xf32, #tpu.memory_space<vmem>>
          %parallel_loop3A_1416 = tpu.memref_squeeze %parallel_loop3A_1415 : memref<1x1x1x32x1000xf32, #tpu.memory_space<vmem>> -> memref<1x1x32x1000xf32, #tpu.memory_space<vmem>>
          %parallel_loop3A_1417 = arith.index_cast %parallel_loop3A_1408 : i32 to index
          %parallel_loop3A_1418 = arith.index_cast %parallel_loop3A_1409 : i32 to index
          %parallel_loop3A_1419 = arith.index_cast %parallel_loop3A_1410 : i32 to index
          %parallel_loop3A_1420 = arith.index_cast %parallel_loop3A_1263 : i32 to index
          %parallel_loop3A_1421 = tpu.vector_load %parallel_loop3A_1416[%parallel_loop3A_1417, %parallel_loop3A_1418, %parallel_loop3A_1419, %parallel_loop3A_1420] {strides = array<i32>} : memref<1x1x32x1000xf32, #tpu.memory_space<vmem>>, vector<16xf32>,
          tpu.vector_store %parallel_loop3A_1416[%parallel_loop3A_1417, %parallel_loop3A_1418, %parallel_loop3A_1419, %parallel_loop3A_1420], %parallel_loop3A_1407 {strides = array<i32>} : memref<1x1x32x1000xf32, #tpu.memory_space<vmem>>, vector<16xf32>,
          %parallel_loop3A_1422 = arith.constant 8 : i32
          %parallel_loop3A_1423 = vector.broadcast %parallel_loop3A_1422 : i32 to vector<16xi32>
          %parallel_loop3A_1424 = arith.addi %parallel_loop3A_1277, %parallel_loop3A_1423 : vector<16xi32>
          %parallel_loop3A_1425 = tpu.vector_load_idx %arg5[%parallel_loop3A_1424] : memref<33000xf32, #tpu.memory_space<vmem>>[vector<16xi32>], vector<16xf32>,
          %parallel_loop3A_1426 = arith.constant 0 : i32
          %parallel_loop3A_1427 = arith.constant 0 : i32
          %parallel_loop3A_1428 = arith.constant 8 : i32
          %parallel_loop3A_1429 = arith.constant 0 : i32
          %parallel_loop3A_1430 = arith.constant 0 : i32
          %parallel_loop3A_1431 = arith.constant 0 : i32
          %parallel_loop3A_1432 = arith.constant 0 : i32
          %parallel_loop3A_1433 = tpu.memref_slice %run_scoped3A_12[%rem3A_426, %parallel_loop3A_1429, %parallel_loop3A_1430, %parallel_loop3A_1431, %parallel_loop3A_1432] : memref<2x1x1x32x1000xf32, #tpu.memory_space<vmem>> -> memref<1x1x1x32x1000xf32, #tpu.memory_space<vmem>>
          %parallel_loop3A_1434 = tpu.memref_squeeze %parallel_loop3A_1433 : memref<1x1x1x32x1000xf32, #tpu.memory_space<vmem>> -> memref<1x1x32x1000xf32, #tpu.memory_space<vmem>>
          %parallel_loop3A_1435 = arith.index_cast %parallel_loop3A_1426 : i32 to index
          %parallel_loop3A_1436 = arith.index_cast %parallel_loop3A_1427 : i32 to index
          %parallel_loop3A_1437 = arith.index_cast %parallel_loop3A_1428 : i32 to index
          %parallel_loop3A_1438 = arith.index_cast %parallel_loop3A_1263 : i32 to index
          %parallel_loop3A_1439 = tpu.vector_load %parallel_loop3A_1434[%parallel_loop3A_1435, %parallel_loop3A_1436, %parallel_loop3A_1437, %parallel_loop3A_1438] {strides = array<i32>} : memref<1x1x32x1000xf32, #tpu.memory_space<vmem>>, vector<16xf32>,
          tpu.vector_store %parallel_loop3A_1434[%parallel_loop3A_1435, %parallel_loop3A_1436, %parallel_loop3A_1437, %parallel_loop3A_1438], %parallel_loop3A_1425 {strides = array<i32>} : memref<1x1x32x1000xf32, #tpu.memory_space<vmem>>, vector<16xf32>,
          %parallel_loop3A_1440 = arith.constant 9 : i32
          %parallel_loop3A_1441 = vector.broadcast %parallel_loop3A_1440 : i32 to vector<16xi32>
          %parallel_loop3A_1442 = arith.addi %parallel_loop3A_1277, %parallel_loop3A_1441 : vector<16xi32>
          %parallel_loop3A_1443 = tpu.vector_load_idx %arg5[%parallel_loop3A_1442] : memref<33000xf32, #tpu.memory_space<vmem>>[vector<16xi32>], vector<16xf32>,
          %parallel_loop3A_1444 = arith.constant 0 : i32
          %parallel_loop3A_1445 = arith.constant 0 : i32
          %parallel_loop3A_1446 = arith.constant 9 : i32
          %parallel_loop3A_1447 = arith.constant 0 : i32
          %parallel_loop3A_1448 = arith.constant 0 : i32
          %parallel_loop3A_1449 = arith.constant 0 : i32
          %parallel_loop3A_1450 = arith.constant 0 : i32
          %parallel_loop3A_1451 = tpu.memref_slice %run_scoped3A_12[%rem3A_426, %parallel_loop3A_1447, %parallel_loop3A_1448, %parallel_loop3A_1449, %parallel_loop3A_1450] : memref<2x1x1x32x1000xf32, #tpu.memory_space<vmem>> -> memref<1x1x1x32x1000xf32, #tpu.memory_space<vmem>>
          %parallel_loop3A_1452 = tpu.memref_squeeze %parallel_loop3A_1451 : memref<1x1x1x32x1000xf32, #tpu.memory_space<vmem>> -> memref<1x1x32x1000xf32, #tpu.memory_space<vmem>>
          %parallel_loop3A_1453 = arith.index_cast %parallel_loop3A_1444 : i32 to index
          %parallel_loop3A_1454 = arith.index_cast %parallel_loop3A_1445 : i32 to index
          %parallel_loop3A_1455 = arith.index_cast %parallel_loop3A_1446 : i32 to index
          %parallel_loop3A_1456 = arith.index_cast %parallel_loop3A_1263 : i32 to index
          %parallel_loop3A_1457 = tpu.vector_load %parallel_loop3A_1452[%parallel_loop3A_1453, %parallel_loop3A_1454, %parallel_loop3A_1455, %parallel_loop3A_1456] {strides = array<i32>} : memref<1x1x32x1000xf32, #tpu.memory_space<vmem>>, vector<16xf32>,
          tpu.vector_store %parallel_loop3A_1452[%parallel_loop3A_1453, %parallel_loop3A_1454, %parallel_loop3A_1455, %parallel_loop3A_1456], %parallel_loop3A_1443 {strides = array<i32>} : memref<1x1x32x1000xf32, #tpu.memory_space<vmem>>, vector<16xf32>,
          %parallel_loop3A_1458 = arith.constant 10 : i32
          %parallel_loop3A_1459 = vector.broadcast %parallel_loop3A_1458 : i32 to vector<16xi32>
          %parallel_loop3A_1460 = arith.addi %parallel_loop3A_1277, %parallel_loop3A_1459 : vector<16xi32>
          %parallel_loop3A_1461 = tpu.vector_load_idx %arg5[%parallel_loop3A_1460] : memref<33000xf32, #tpu.memory_space<vmem>>[vector<16xi32>], vector<16xf32>,
          %parallel_loop3A_1462 = arith.constant 0 : i32
          %parallel_loop3A_1463 = arith.constant 0 : i32
          %parallel_loop3A_1464 = arith.constant 10 : i32
          %parallel_loop3A_1465 = arith.constant 0 : i32
          %parallel_loop3A_1466 = arith.constant 0 : i32
          %parallel_loop3A_1467 = arith.constant 0 : i32
          %parallel_loop3A_1468 = arith.constant 0 : i32
          %parallel_loop3A_1469 = tpu.memref_slice %run_scoped3A_12[%rem3A_426, %parallel_loop3A_1465, %parallel_loop3A_1466, %parallel_loop3A_1467, %parallel_loop3A_1468] : memref<2x1x1x32x1000xf32, #tpu.memory_space<vmem>> -> memref<1x1x1x32x1000xf32, #tpu.memory_space<vmem>>
          %parallel_loop3A_1470 = tpu.memref_squeeze %parallel_loop3A_1469 : memref<1x1x1x32x1000xf32, #tpu.memory_space<vmem>> -> memref<1x1x32x1000xf32, #tpu.memory_space<vmem>>
          %parallel_loop3A_1471 = arith.index_cast %parallel_loop3A_1462 : i32 to index
          %parallel_loop3A_1472 = arith.index_cast %parallel_loop3A_1463 : i32 to index
          %parallel_loop3A_1473 = arith.index_cast %parallel_loop3A_1464 : i32 to index
          %parallel_loop3A_1474 = arith.index_cast %parallel_loop3A_1263 : i32 to index
          %parallel_loop3A_1475 = tpu.vector_load %parallel_loop3A_1470[%parallel_loop3A_1471, %parallel_loop3A_1472, %parallel_loop3A_1473, %parallel_loop3A_1474] {strides = array<i32>} : memref<1x1x32x1000xf32, #tpu.memory_space<vmem>>, vector<16xf32>,
          tpu.vector_store %parallel_loop3A_1470[%parallel_loop3A_1471, %parallel_loop3A_1472, %parallel_loop3A_1473, %parallel_loop3A_1474], %parallel_loop3A_1461 {strides = array<i32>} : memref<1x1x32x1000xf32, #tpu.memory_space<vmem>>, vector<16xf32>,
          %parallel_loop3A_1476 = arith.constant 11 : i32
          %parallel_loop3A_1477 = vector.broadcast %parallel_loop3A_1476 : i32 to vector<16xi32>
          %parallel_loop3A_1478 = arith.addi %parallel_loop3A_1277, %parallel_loop3A_1477 : vector<16xi32>
          %parallel_loop3A_1479 = tpu.vector_load_idx %arg5[%parallel_loop3A_1478] : memref<33000xf32, #tpu.memory_space<vmem>>[vector<16xi32>], vector<16xf32>,
          %parallel_loop3A_1480 = arith.constant 0 : i32
          %parallel_loop3A_1481 = arith.constant 0 : i32
          %parallel_loop3A_1482 = arith.constant 11 : i32
          %parallel_loop3A_1483 = arith.constant 0 : i32
          %parallel_loop3A_1484 = arith.constant 0 : i32
          %parallel_loop3A_1485 = arith.constant 0 : i32
          %parallel_loop3A_1486 = arith.constant 0 : i32
          %parallel_loop3A_1487 = tpu.memref_slice %run_scoped3A_12[%rem3A_426, %parallel_loop3A_1483, %parallel_loop3A_1484, %parallel_loop3A_1485, %parallel_loop3A_1486] : memref<2x1x1x32x1000xf32, #tpu.memory_space<vmem>> -> memref<1x1x1x32x1000xf32, #tpu.memory_space<vmem>>
          %parallel_loop3A_1488 = tpu.memref_squeeze %parallel_loop3A_1487 : memref<1x1x1x32x1000xf32, #tpu.memory_space<vmem>> -> memref<1x1x32x1000xf32, #tpu.memory_space<vmem>>
          %parallel_loop3A_1489 = arith.index_cast %parallel_loop3A_1480 : i32 to index
          %parallel_loop3A_1490 = arith.index_cast %parallel_loop3A_1481 : i32 to index
          %parallel_loop3A_1491 = arith.index_cast %parallel_loop3A_1482 : i32 to index
          %parallel_loop3A_1492 = arith.index_cast %parallel_loop3A_1263 : i32 to index
          %parallel_loop3A_1493 = tpu.vector_load %parallel_loop3A_1488[%parallel_loop3A_1489, %parallel_loop3A_1490, %parallel_loop3A_1491, %parallel_loop3A_1492] {strides = array<i32>} : memref<1x1x32x1000xf32, #tpu.memory_space<vmem>>, vector<16xf32>,
          tpu.vector_store %parallel_loop3A_1488[%parallel_loop3A_1489, %parallel_loop3A_1490, %parallel_loop3A_1491, %parallel_loop3A_1492], %parallel_loop3A_1479 {strides = array<i32>} : memref<1x1x32x1000xf32, #tpu.memory_space<vmem>>, vector<16xf32>,
          %parallel_loop3A_1494 = arith.constant 12 : i32
          %parallel_loop3A_1495 = vector.broadcast %parallel_loop3A_1494 : i32 to vector<16xi32>
          %parallel_loop3A_1496 = arith.addi %parallel_loop3A_1277, %parallel_loop3A_1495 : vector<16xi32>
          %parallel_loop3A_1497 = tpu.vector_load_idx %arg5[%parallel_loop3A_1496] : memref<33000xf32, #tpu.memory_space<vmem>>[vector<16xi32>], vector<16xf32>,
          %parallel_loop3A_1498 = arith.constant 0 : i32
          %parallel_loop3A_1499 = arith.constant 0 : i32
          %parallel_loop3A_1500 = arith.constant 12 : i32
          %parallel_loop3A_1501 = arith.constant 0 : i32
          %parallel_loop3A_1502 = arith.constant 0 : i32
          %parallel_loop3A_1503 = arith.constant 0 : i32
          %parallel_loop3A_1504 = arith.constant 0 : i32
          %parallel_loop3A_1505 = tpu.memref_slice %run_scoped3A_12[%rem3A_426, %parallel_loop3A_1501, %parallel_loop3A_1502, %parallel_loop3A_1503, %parallel_loop3A_1504] : memref<2x1x1x32x1000xf32, #tpu.memory_space<vmem>> -> memref<1x1x1x32x1000xf32, #tpu.memory_space<vmem>>
          %parallel_loop3A_1506 = tpu.memref_squeeze %parallel_loop3A_1505 : memref<1x1x1x32x1000xf32, #tpu.memory_space<vmem>> -> memref<1x1x32x1000xf32, #tpu.memory_space<vmem>>
          %parallel_loop3A_1507 = arith.index_cast %parallel_loop3A_1498 : i32 to index
          %parallel_loop3A_1508 = arith.index_cast %parallel_loop3A_1499 : i32 to index
          %parallel_loop3A_1509 = arith.index_cast %parallel_loop3A_1500 : i32 to index
          %parallel_loop3A_1510 = arith.index_cast %parallel_loop3A_1263 : i32 to index
          %parallel_loop3A_1511 = tpu.vector_load %parallel_loop3A_1506[%parallel_loop3A_1507, %parallel_loop3A_1508, %parallel_loop3A_1509, %parallel_loop3A_1510] {strides = array<i32>} : memref<1x1x32x1000xf32, #tpu.memory_space<vmem>>, vector<16xf32>,
          tpu.vector_store %parallel_loop3A_1506[%parallel_loop3A_1507, %parallel_loop3A_1508, %parallel_loop3A_1509, %parallel_loop3A_1510], %parallel_loop3A_1497 {strides = array<i32>} : memref<1x1x32x1000xf32, #tpu.memory_space<vmem>>, vector<16xf32>,
          %parallel_loop3A_1512 = arith.constant 13 : i32
          %parallel_loop3A_1513 = vector.broadcast %parallel_loop3A_1512 : i32 to vector<16xi32>
          %parallel_loop3A_1514 = arith.addi %parallel_loop3A_1277, %parallel_loop3A_1513 : vector<16xi32>
          %parallel_loop3A_1515 = tpu.vector_load_idx %arg5[%parallel_loop3A_1514] : memref<33000xf32, #tpu.memory_space<vmem>>[vector<16xi32>], vector<16xf32>,
          %parallel_loop3A_1516 = arith.constant 0 : i32
          %parallel_loop3A_1517 = arith.constant 0 : i32
          %parallel_loop3A_1518 = arith.constant 13 : i32
          %parallel_loop3A_1519 = arith.constant 0 : i32
          %parallel_loop3A_1520 = arith.constant 0 : i32
          %parallel_loop3A_1521 = arith.constant 0 : i32
          %parallel_loop3A_1522 = arith.constant 0 : i32
          %parallel_loop3A_1523 = tpu.memref_slice %run_scoped3A_12[%rem3A_426, %parallel_loop3A_1519, %parallel_loop3A_1520, %parallel_loop3A_1521, %parallel_loop3A_1522] : memref<2x1x1x32x1000xf32, #tpu.memory_space<vmem>> -> memref<1x1x1x32x1000xf32, #tpu.memory_space<vmem>>
          %parallel_loop3A_1524 = tpu.memref_squeeze %parallel_loop3A_1523 : memref<1x1x1x32x1000xf32, #tpu.memory_space<vmem>> -> memref<1x1x32x1000xf32, #tpu.memory_space<vmem>>
          %parallel_loop3A_1525 = arith.index_cast %parallel_loop3A_1516 : i32 to index
          %parallel_loop3A_1526 = arith.index_cast %parallel_loop3A_1517 : i32 to index
          %parallel_loop3A_1527 = arith.index_cast %parallel_loop3A_1518 : i32 to index
          %parallel_loop3A_1528 = arith.index_cast %parallel_loop3A_1263 : i32 to index
          %parallel_loop3A_1529 = tpu.vector_load %parallel_loop3A_1524[%parallel_loop3A_1525, %parallel_loop3A_1526, %parallel_loop3A_1527, %parallel_loop3A_1528] {strides = array<i32>} : memref<1x1x32x1000xf32, #tpu.memory_space<vmem>>, vector<16xf32>,
          tpu.vector_store %parallel_loop3A_1524[%parallel_loop3A_1525, %parallel_loop3A_1526, %parallel_loop3A_1527, %parallel_loop3A_1528], %parallel_loop3A_1515 {strides = array<i32>} : memref<1x1x32x1000xf32, #tpu.memory_space<vmem>>, vector<16xf32>,
          %parallel_loop3A_1530 = arith.constant 14 : i32
          %parallel_loop3A_1531 = vector.broadcast %parallel_loop3A_1530 : i32 to vector<16xi32>
          %parallel_loop3A_1532 = arith.addi %parallel_loop3A_1277, %parallel_loop3A_1531 : vector<16xi32>
          %parallel_loop3A_1533 = tpu.vector_load_idx %arg5[%parallel_loop3A_1532] : memref<33000xf32, #tpu.memory_space<vmem>>[vector<16xi32>], vector<16xf32>,
          %parallel_loop3A_1534 = arith.constant 0 : i32
          %parallel_loop3A_1535 = arith.constant 0 : i32
          %parallel_loop3A_1536 = arith.constant 14 : i32
          %parallel_loop3A_1537 = arith.constant 0 : i32
          %parallel_loop3A_1538 = arith.constant 0 : i32
          %parallel_loop3A_1539 = arith.constant 0 : i32
          %parallel_loop3A_1540 = arith.constant 0 : i32
          %parallel_loop3A_1541 = tpu.memref_slice %run_scoped3A_12[%rem3A_426, %parallel_loop3A_1537, %parallel_loop3A_1538, %parallel_loop3A_1539, %parallel_loop3A_1540] : memref<2x1x1x32x1000xf32, #tpu.memory_space<vmem>> -> memref<1x1x1x32x1000xf32, #tpu.memory_space<vmem>>
          %parallel_loop3A_1542 = tpu.memref_squeeze %parallel_loop3A_1541 : memref<1x1x1x32x1000xf32, #tpu.memory_space<vmem>> -> memref<1x1x32x1000xf32, #tpu.memory_space<vmem>>
          %parallel_loop3A_1543 = arith.index_cast %parallel_loop3A_1534 : i32 to index
          %parallel_loop3A_1544 = arith.index_cast %parallel_loop3A_1535 : i32 to index
          %parallel_loop3A_1545 = arith.index_cast %parallel_loop3A_1536 : i32 to index
          %parallel_loop3A_1546 = arith.index_cast %parallel_loop3A_1263 : i32 to index
          %parallel_loop3A_1547 = tpu.vector_load %parallel_loop3A_1542[%parallel_loop3A_1543, %parallel_loop3A_1544, %parallel_loop3A_1545, %parallel_loop3A_1546] {strides = array<i32>} : memref<1x1x32x1000xf32, #tpu.memory_space<vmem>>, vector<16xf32>,
          tpu.vector_store %parallel_loop3A_1542[%parallel_loop3A_1543, %parallel_loop3A_1544, %parallel_loop3A_1545, %parallel_loop3A_1546], %parallel_loop3A_1533 {strides = array<i32>} : memref<1x1x32x1000xf32, #tpu.memory_space<vmem>>, vector<16xf32>,
          %parallel_loop3A_1548 = arith.constant 15 : i32
          %parallel_loop3A_1549 = vector.broadcast %parallel_loop3A_1548 : i32 to vector<16xi32>
          %parallel_loop3A_1550 = arith.addi %parallel_loop3A_1277, %parallel_loop3A_1549 : vector<16xi32>
          %parallel_loop3A_1551 = tpu.vector_load_idx %arg5[%parallel_loop3A_1550] : memref<33000xf32, #tpu.memory_space<vmem>>[vector<16xi32>], vector<16xf32>,
          %parallel_loop3A_1552 = arith.constant 0 : i32
          %parallel_loop3A_1553 = arith.constant 0 : i32
          %parallel_loop3A_1554 = arith.constant 15 : i32
          %parallel_loop3A_1555 = arith.constant 0 : i32
          %parallel_loop3A_1556 = arith.constant 0 : i32
          %parallel_loop3A_1557 = arith.constant 0 : i32
          %parallel_loop3A_1558 = arith.constant 0 : i32
          %parallel_loop3A_1559 = tpu.memref_slice %run_scoped3A_12[%rem3A_426, %parallel_loop3A_1555, %parallel_loop3A_1556, %parallel_loop3A_1557, %parallel_loop3A_1558] : memref<2x1x1x32x1000xf32, #tpu.memory_space<vmem>> -> memref<1x1x1x32x1000xf32, #tpu.memory_space<vmem>>
          %parallel_loop3A_1560 = tpu.memref_squeeze %parallel_loop3A_1559 : memref<1x1x1x32x1000xf32, #tpu.memory_space<vmem>> -> memref<1x1x32x1000xf32, #tpu.memory_space<vmem>>
          %parallel_loop3A_1561 = arith.index_cast %parallel_loop3A_1552 : i32 to index
          %parallel_loop3A_1562 = arith.index_cast %parallel_loop3A_1553 : i32 to index
          %parallel_loop3A_1563 = arith.index_cast %parallel_loop3A_1554 : i32 to index
          %parallel_loop3A_1564 = arith.index_cast %parallel_loop3A_1263 : i32 to index
          %parallel_loop3A_1565 = tpu.vector_load %parallel_loop3A_1560[%parallel_loop3A_1561, %parallel_loop3A_1562, %parallel_loop3A_1563, %parallel_loop3A_1564] {strides = array<i32>} : memref<1x1x32x1000xf32, #tpu.memory_space<vmem>>, vector<16xf32>,
          tpu.vector_store %parallel_loop3A_1560[%parallel_loop3A_1561, %parallel_loop3A_1562, %parallel_loop3A_1563, %parallel_loop3A_1564], %parallel_loop3A_1551 {strides = array<i32>} : memref<1x1x32x1000xf32, #tpu.memory_space<vmem>>, vector<16xf32>,
          %parallel_loop3A_1566 = arith.constant 16 : i32
          %parallel_loop3A_1567 = vector.broadcast %parallel_loop3A_1566 : i32 to vector<16xi32>
          %parallel_loop3A_1568 = arith.addi %parallel_loop3A_1277, %parallel_loop3A_1567 : vector<16xi32>
          %parallel_loop3A_1569 = tpu.vector_load_idx %arg5[%parallel_loop3A_1568] : memref<33000xf32, #tpu.memory_space<vmem>>[vector<16xi32>], vector<16xf32>,
          %parallel_loop3A_1570 = arith.constant 0 : i32
          %parallel_loop3A_1571 = arith.constant 0 : i32
          %parallel_loop3A_1572 = arith.constant 16 : i32
          %parallel_loop3A_1573 = arith.constant 0 : i32
          %parallel_loop3A_1574 = arith.constant 0 : i32
          %parallel_loop3A_1575 = arith.constant 0 : i32
          %parallel_loop3A_1576 = arith.constant 0 : i32
          %parallel_loop3A_1577 = tpu.memref_slice %run_scoped3A_12[%rem3A_426, %parallel_loop3A_1573, %parallel_loop3A_1574, %parallel_loop3A_1575, %parallel_loop3A_1576] : memref<2x1x1x32x1000xf32, #tpu.memory_space<vmem>> -> memref<1x1x1x32x1000xf32, #tpu.memory_space<vmem>>
          %parallel_loop3A_1578 = tpu.memref_squeeze %parallel_loop3A_1577 : memref<1x1x1x32x1000xf32, #tpu.memory_space<vmem>> -> memref<1x1x32x1000xf32, #tpu.memory_space<vmem>>
          %parallel_loop3A_1579 = arith.index_cast %parallel_loop3A_1570 : i32 to index
          %parallel_loop3A_1580 = arith.index_cast %parallel_loop3A_1571 : i32 to index
          %parallel_loop3A_1581 = arith.index_cast %parallel_loop3A_1572 : i32 to index
          %parallel_loop3A_1582 = arith.index_cast %parallel_loop3A_1263 : i32 to index
          %parallel_loop3A_1583 = tpu.vector_load %parallel_loop3A_1578[%parallel_loop3A_1579, %parallel_loop3A_1580, %parallel_loop3A_1581, %parallel_loop3A_1582] {strides = array<i32>} : memref<1x1x32x1000xf32, #tpu.memory_space<vmem>>, vector<16xf32>,
          tpu.vector_store %parallel_loop3A_1578[%parallel_loop3A_1579, %parallel_loop3A_1580, %parallel_loop3A_1581, %parallel_loop3A_1582], %parallel_loop3A_1569 {strides = array<i32>} : memref<1x1x32x1000xf32, #tpu.memory_space<vmem>>, vector<16xf32>,
          %parallel_loop3A_1584 = arith.constant 17 : i32
          %parallel_loop3A_1585 = vector.broadcast %parallel_loop3A_1584 : i32 to vector<16xi32>
          %parallel_loop3A_1586 = arith.addi %parallel_loop3A_1277, %parallel_loop3A_1585 : vector<16xi32>
          %parallel_loop3A_1587 = tpu.vector_load_idx %arg5[%parallel_loop3A_1586] : memref<33000xf32, #tpu.memory_space<vmem>>[vector<16xi32>], vector<16xf32>,
          %parallel_loop3A_1588 = arith.constant 0 : i32
          %parallel_loop3A_1589 = arith.constant 0 : i32
          %parallel_loop3A_1590 = arith.constant 17 : i32
          %parallel_loop3A_1591 = arith.constant 0 : i32
          %parallel_loop3A_1592 = arith.constant 0 : i32
          %parallel_loop3A_1593 = arith.constant 0 : i32
          %parallel_loop3A_1594 = arith.constant 0 : i32
          %parallel_loop3A_1595 = tpu.memref_slice %run_scoped3A_12[%rem3A_426, %parallel_loop3A_1591, %parallel_loop3A_1592, %parallel_loop3A_1593, %parallel_loop3A_1594] : memref<2x1x1x32x1000xf32, #tpu.memory_space<vmem>> -> memref<1x1x1x32x1000xf32, #tpu.memory_space<vmem>>
          %parallel_loop3A_1596 = tpu.memref_squeeze %parallel_loop3A_1595 : memref<1x1x1x32x1000xf32, #tpu.memory_space<vmem>> -> memref<1x1x32x1000xf32, #tpu.memory_space<vmem>>
          %parallel_loop3A_1597 = arith.index_cast %parallel_loop3A_1588 : i32 to index
          %parallel_loop3A_1598 = arith.index_cast %parallel_loop3A_1589 : i32 to index
          %parallel_loop3A_1599 = arith.index_cast %parallel_loop3A_1590 : i32 to index
          %parallel_loop3A_1600 = arith.index_cast %parallel_loop3A_1263 : i32 to index
          %parallel_loop3A_1601 = tpu.vector_load %parallel_loop3A_1596[%parallel_loop3A_1597, %parallel_loop3A_1598, %parallel_loop3A_1599, %parallel_loop3A_1600] {strides = array<i32>} : memref<1x1x32x1000xf32, #tpu.memory_space<vmem>>, vector<16xf32>,
          tpu.vector_store %parallel_loop3A_1596[%parallel_loop3A_1597, %parallel_loop3A_1598, %parallel_loop3A_1599, %parallel_loop3A_1600], %parallel_loop3A_1587 {strides = array<i32>} : memref<1x1x32x1000xf32, #tpu.memory_space<vmem>>, vector<16xf32>,
          %parallel_loop3A_1602 = arith.constant 18 : i32
          %parallel_loop3A_1603 = vector.broadcast %parallel_loop3A_1602 : i32 to vector<16xi32>
          %parallel_loop3A_1604 = arith.addi %parallel_loop3A_1277, %parallel_loop3A_1603 : vector<16xi32>
          %parallel_loop3A_1605 = tpu.vector_load_idx %arg5[%parallel_loop3A_1604] : memref<33000xf32, #tpu.memory_space<vmem>>[vector<16xi32>], vector<16xf32>,
          %parallel_loop3A_1606 = arith.constant 0 : i32
          %parallel_loop3A_1607 = arith.constant 0 : i32
          %parallel_loop3A_1608 = arith.constant 18 : i32
          %parallel_loop3A_1609 = arith.constant 0 : i32
          %parallel_loop3A_1610 = arith.constant 0 : i32
          %parallel_loop3A_1611 = arith.constant 0 : i32
          %parallel_loop3A_1612 = arith.constant 0 : i32
          %parallel_loop3A_1613 = tpu.memref_slice %run_scoped3A_12[%rem3A_426, %parallel_loop3A_1609, %parallel_loop3A_1610, %parallel_loop3A_1611, %parallel_loop3A_1612] : memref<2x1x1x32x1000xf32, #tpu.memory_space<vmem>> -> memref<1x1x1x32x1000xf32, #tpu.memory_space<vmem>>
          %parallel_loop3A_1614 = tpu.memref_squeeze %parallel_loop3A_1613 : memref<1x1x1x32x1000xf32, #tpu.memory_space<vmem>> -> memref<1x1x32x1000xf32, #tpu.memory_space<vmem>>
          %parallel_loop3A_1615 = arith.index_cast %parallel_loop3A_1606 : i32 to index
          %parallel_loop3A_1616 = arith.index_cast %parallel_loop3A_1607 : i32 to index
          %parallel_loop3A_1617 = arith.index_cast %parallel_loop3A_1608 : i32 to index
          %parallel_loop3A_1618 = arith.index_cast %parallel_loop3A_1263 : i32 to index
          %parallel_loop3A_1619 = tpu.vector_load %parallel_loop3A_1614[%parallel_loop3A_1615, %parallel_loop3A_1616, %parallel_loop3A_1617, %parallel_loop3A_1618] {strides = array<i32>} : memref<1x1x32x1000xf32, #tpu.memory_space<vmem>>, vector<16xf32>,
          tpu.vector_store %parallel_loop3A_1614[%parallel_loop3A_1615, %parallel_loop3A_1616, %parallel_loop3A_1617, %parallel_loop3A_1618], %parallel_loop3A_1605 {strides = array<i32>} : memref<1x1x32x1000xf32, #tpu.memory_space<vmem>>, vector<16xf32>,
          %parallel_loop3A_1620 = arith.constant 19 : i32
          %parallel_loop3A_1621 = vector.broadcast %parallel_loop3A_1620 : i32 to vector<16xi32>
          %parallel_loop3A_1622 = arith.addi %parallel_loop3A_1277, %parallel_loop3A_1621 : vector<16xi32>
          %parallel_loop3A_1623 = tpu.vector_load_idx %arg5[%parallel_loop3A_1622] : memref<33000xf32, #tpu.memory_space<vmem>>[vector<16xi32>], vector<16xf32>,
          %parallel_loop3A_1624 = arith.constant 0 : i32
          %parallel_loop3A_1625 = arith.constant 0 : i32
          %parallel_loop3A_1626 = arith.constant 19 : i32
          %parallel_loop3A_1627 = arith.constant 0 : i32
          %parallel_loop3A_1628 = arith.constant 0 : i32
          %parallel_loop3A_1629 = arith.constant 0 : i32
          %parallel_loop3A_1630 = arith.constant 0 : i32
          %parallel_loop3A_1631 = tpu.memref_slice %run_scoped3A_12[%rem3A_426, %parallel_loop3A_1627, %parallel_loop3A_1628, %parallel_loop3A_1629, %parallel_loop3A_1630] : memref<2x1x1x32x1000xf32, #tpu.memory_space<vmem>> -> memref<1x1x1x32x1000xf32, #tpu.memory_space<vmem>>
          %parallel_loop3A_1632 = tpu.memref_squeeze %parallel_loop3A_1631 : memref<1x1x1x32x1000xf32, #tpu.memory_space<vmem>> -> memref<1x1x32x1000xf32, #tpu.memory_space<vmem>>
          %parallel_loop3A_1633 = arith.index_cast %parallel_loop3A_1624 : i32 to index
          %parallel_loop3A_1634 = arith.index_cast %parallel_loop3A_1625 : i32 to index
          %parallel_loop3A_1635 = arith.index_cast %parallel_loop3A_1626 : i32 to index
          %parallel_loop3A_1636 = arith.index_cast %parallel_loop3A_1263 : i32 to index
          %parallel_loop3A_1637 = tpu.vector_load %parallel_loop3A_1632[%parallel_loop3A_1633, %parallel_loop3A_1634, %parallel_loop3A_1635, %parallel_loop3A_1636] {strides = array<i32>} : memref<1x1x32x1000xf32, #tpu.memory_space<vmem>>, vector<16xf32>,
          tpu.vector_store %parallel_loop3A_1632[%parallel_loop3A_1633, %parallel_loop3A_1634, %parallel_loop3A_1635, %parallel_loop3A_1636], %parallel_loop3A_1623 {strides = array<i32>} : memref<1x1x32x1000xf32, #tpu.memory_space<vmem>>, vector<16xf32>,
          %parallel_loop3A_1638 = arith.constant 20 : i32
          %parallel_loop3A_1639 = vector.broadcast %parallel_loop3A_1638 : i32 to vector<16xi32>
          %parallel_loop3A_1640 = arith.addi %parallel_loop3A_1277, %parallel_loop3A_1639 : vector<16xi32>
          %parallel_loop3A_1641 = tpu.vector_load_idx %arg5[%parallel_loop3A_1640] : memref<33000xf32, #tpu.memory_space<vmem>>[vector<16xi32>], vector<16xf32>,
          %parallel_loop3A_1642 = arith.constant 0 : i32
          %parallel_loop3A_1643 = arith.constant 0 : i32
          %parallel_loop3A_1644 = arith.constant 20 : i32
          %parallel_loop3A_1645 = arith.constant 0 : i32
          %parallel_loop3A_1646 = arith.constant 0 : i32
          %parallel_loop3A_1647 = arith.constant 0 : i32
          %parallel_loop3A_1648 = arith.constant 0 : i32
          %parallel_loop3A_1649 = tpu.memref_slice %run_scoped3A_12[%rem3A_426, %parallel_loop3A_1645, %parallel_loop3A_1646, %parallel_loop3A_1647, %parallel_loop3A_1648] : memref<2x1x1x32x1000xf32, #tpu.memory_space<vmem>> -> memref<1x1x1x32x1000xf32, #tpu.memory_space<vmem>>
          %parallel_loop3A_1650 = tpu.memref_squeeze %parallel_loop3A_1649 : memref<1x1x1x32x1000xf32, #tpu.memory_space<vmem>> -> memref<1x1x32x1000xf32, #tpu.memory_space<vmem>>
          %parallel_loop3A_1651 = arith.index_cast %parallel_loop3A_1642 : i32 to index
          %parallel_loop3A_1652 = arith.index_cast %parallel_loop3A_1643 : i32 to index
          %parallel_loop3A_1653 = arith.index_cast %parallel_loop3A_1644 : i32 to index
          %parallel_loop3A_1654 = arith.index_cast %parallel_loop3A_1263 : i32 to index
          %parallel_loop3A_1655 = tpu.vector_load %parallel_loop3A_1650[%parallel_loop3A_1651, %parallel_loop3A_1652, %parallel_loop3A_1653, %parallel_loop3A_1654] {strides = array<i32>} : memref<1x1x32x1000xf32, #tpu.memory_space<vmem>>, vector<16xf32>,
          tpu.vector_store %parallel_loop3A_1650[%parallel_loop3A_1651, %parallel_loop3A_1652, %parallel_loop3A_1653, %parallel_loop3A_1654], %parallel_loop3A_1641 {strides = array<i32>} : memref<1x1x32x1000xf32, #tpu.memory_space<vmem>>, vector<16xf32>,
          %parallel_loop3A_1656 = arith.constant 21 : i32
          %parallel_loop3A_1657 = vector.broadcast %parallel_loop3A_1656 : i32 to vector<16xi32>
          %parallel_loop3A_1658 = arith.addi %parallel_loop3A_1277, %parallel_loop3A_1657 : vector<16xi32>
          %parallel_loop3A_1659 = tpu.vector_load_idx %arg5[%parallel_loop3A_1658] : memref<33000xf32, #tpu.memory_space<vmem>>[vector<16xi32>], vector<16xf32>,
          %parallel_loop3A_1660 = arith.constant 0 : i32
          %parallel_loop3A_1661 = arith.constant 0 : i32
          %parallel_loop3A_1662 = arith.constant 21 : i32
          %parallel_loop3A_1663 = arith.constant 0 : i32
          %parallel_loop3A_1664 = arith.constant 0 : i32
          %parallel_loop3A_1665 = arith.constant 0 : i32
          %parallel_loop3A_1666 = arith.constant 0 : i32
          %parallel_loop3A_1667 = tpu.memref_slice %run_scoped3A_12[%rem3A_426, %parallel_loop3A_1663, %parallel_loop3A_1664, %parallel_loop3A_1665, %parallel_loop3A_1666] : memref<2x1x1x32x1000xf32, #tpu.memory_space<vmem>> -> memref<1x1x1x32x1000xf32, #tpu.memory_space<vmem>>
          %parallel_loop3A_1668 = tpu.memref_squeeze %parallel_loop3A_1667 : memref<1x1x1x32x1000xf32, #tpu.memory_space<vmem>> -> memref<1x1x32x1000xf32, #tpu.memory_space<vmem>>
          %parallel_loop3A_1669 = arith.index_cast %parallel_loop3A_1660 : i32 to index
          %parallel_loop3A_1670 = arith.index_cast %parallel_loop3A_1661 : i32 to index
          %parallel_loop3A_1671 = arith.index_cast %parallel_loop3A_1662 : i32 to index
          %parallel_loop3A_1672 = arith.index_cast %parallel_loop3A_1263 : i32 to index
          %parallel_loop3A_1673 = tpu.vector_load %parallel_loop3A_1668[%parallel_loop3A_1669, %parallel_loop3A_1670, %parallel_loop3A_1671, %parallel_loop3A_1672] {strides = array<i32>} : memref<1x1x32x1000xf32, #tpu.memory_space<vmem>>, vector<16xf32>,
          tpu.vector_store %parallel_loop3A_1668[%parallel_loop3A_1669, %parallel_loop3A_1670, %parallel_loop3A_1671, %parallel_loop3A_1672], %parallel_loop3A_1659 {strides = array<i32>} : memref<1x1x32x1000xf32, #tpu.memory_space<vmem>>, vector<16xf32>,
          %parallel_loop3A_1674 = arith.constant 22 : i32
          %parallel_loop3A_1675 = vector.broadcast %parallel_loop3A_1674 : i32 to vector<16xi32>
          %parallel_loop3A_1676 = arith.addi %parallel_loop3A_1277, %parallel_loop3A_1675 : vector<16xi32>
          %parallel_loop3A_1677 = tpu.vector_load_idx %arg5[%parallel_loop3A_1676] : memref<33000xf32, #tpu.memory_space<vmem>>[vector<16xi32>], vector<16xf32>,
          %parallel_loop3A_1678 = arith.constant 0 : i32
          %parallel_loop3A_1679 = arith.constant 0 : i32
          %parallel_loop3A_1680 = arith.constant 22 : i32
          %parallel_loop3A_1681 = arith.constant 0 : i32
          %parallel_loop3A_1682 = arith.constant 0 : i32
          %parallel_loop3A_1683 = arith.constant 0 : i32
          %parallel_loop3A_1684 = arith.constant 0 : i32
          %parallel_loop3A_1685 = tpu.memref_slice %run_scoped3A_12[%rem3A_426, %parallel_loop3A_1681, %parallel_loop3A_1682, %parallel_loop3A_1683, %parallel_loop3A_1684] : memref<2x1x1x32x1000xf32, #tpu.memory_space<vmem>> -> memref<1x1x1x32x1000xf32, #tpu.memory_space<vmem>>
          %parallel_loop3A_1686 = tpu.memref_squeeze %parallel_loop3A_1685 : memref<1x1x1x32x1000xf32, #tpu.memory_space<vmem>> -> memref<1x1x32x1000xf32, #tpu.memory_space<vmem>>
          %parallel_loop3A_1687 = arith.index_cast %parallel_loop3A_1678 : i32 to index
          %parallel_loop3A_1688 = arith.index_cast %parallel_loop3A_1679 : i32 to index
          %parallel_loop3A_1689 = arith.index_cast %parallel_loop3A_1680 : i32 to index
          %parallel_loop3A_1690 = arith.index_cast %parallel_loop3A_1263 : i32 to index
          %parallel_loop3A_1691 = tpu.vector_load %parallel_loop3A_1686[%parallel_loop3A_1687, %parallel_loop3A_1688, %parallel_loop3A_1689, %parallel_loop3A_1690] {strides = array<i32>} : memref<1x1x32x1000xf32, #tpu.memory_space<vmem>>, vector<16xf32>,
          tpu.vector_store %parallel_loop3A_1686[%parallel_loop3A_1687, %parallel_loop3A_1688, %parallel_loop3A_1689, %parallel_loop3A_1690], %parallel_loop3A_1677 {strides = array<i32>} : memref<1x1x32x1000xf32, #tpu.memory_space<vmem>>, vector<16xf32>,
          %parallel_loop3A_1692 = arith.constant 23 : i32
          %parallel_loop3A_1693 = vector.broadcast %parallel_loop3A_1692 : i32 to vector<16xi32>
          %parallel_loop3A_1694 = arith.addi %parallel_loop3A_1277, %parallel_loop3A_1693 : vector<16xi32>
          %parallel_loop3A_1695 = tpu.vector_load_idx %arg5[%parallel_loop3A_1694] : memref<33000xf32, #tpu.memory_space<vmem>>[vector<16xi32>], vector<16xf32>,
          %parallel_loop3A_1696 = arith.constant 0 : i32
          %parallel_loop3A_1697 = arith.constant 0 : i32
          %parallel_loop3A_1698 = arith.constant 23 : i32
          %parallel_loop3A_1699 = arith.constant 0 : i32
          %parallel_loop3A_1700 = arith.constant 0 : i32
          %parallel_loop3A_1701 = arith.constant 0 : i32
          %parallel_loop3A_1702 = arith.constant 0 : i32
          %parallel_loop3A_1703 = tpu.memref_slice %run_scoped3A_12[%rem3A_426, %parallel_loop3A_1699, %parallel_loop3A_1700, %parallel_loop3A_1701, %parallel_loop3A_1702] : memref<2x1x1x32x1000xf32, #tpu.memory_space<vmem>> -> memref<1x1x1x32x1000xf32, #tpu.memory_space<vmem>>
          %parallel_loop3A_1704 = tpu.memref_squeeze %parallel_loop3A_1703 : memref<1x1x1x32x1000xf32, #tpu.memory_space<vmem>> -> memref<1x1x32x1000xf32, #tpu.memory_space<vmem>>
          %parallel_loop3A_1705 = arith.index_cast %parallel_loop3A_1696 : i32 to index
          %parallel_loop3A_1706 = arith.index_cast %parallel_loop3A_1697 : i32 to index
          %parallel_loop3A_1707 = arith.index_cast %parallel_loop3A_1698 : i32 to index
          %parallel_loop3A_1708 = arith.index_cast %parallel_loop3A_1263 : i32 to index
          %parallel_loop3A_1709 = tpu.vector_load %parallel_loop3A_1704[%parallel_loop3A_1705, %parallel_loop3A_1706, %parallel_loop3A_1707, %parallel_loop3A_1708] {strides = array<i32>} : memref<1x1x32x1000xf32, #tpu.memory_space<vmem>>, vector<16xf32>,
          tpu.vector_store %parallel_loop3A_1704[%parallel_loop3A_1705, %parallel_loop3A_1706, %parallel_loop3A_1707, %parallel_loop3A_1708], %parallel_loop3A_1695 {strides = array<i32>} : memref<1x1x32x1000xf32, #tpu.memory_space<vmem>>, vector<16xf32>,
          %parallel_loop3A_1710 = arith.constant 24 : i32
          %parallel_loop3A_1711 = vector.broadcast %parallel_loop3A_1710 : i32 to vector<16xi32>
          %parallel_loop3A_1712 = arith.addi %parallel_loop3A_1277, %parallel_loop3A_1711 : vector<16xi32>
          %parallel_loop3A_1713 = tpu.vector_load_idx %arg5[%parallel_loop3A_1712] : memref<33000xf32, #tpu.memory_space<vmem>>[vector<16xi32>], vector<16xf32>,
          %parallel_loop3A_1714 = arith.constant 0 : i32
          %parallel_loop3A_1715 = arith.constant 0 : i32
          %parallel_loop3A_1716 = arith.constant 24 : i32
          %parallel_loop3A_1717 = arith.constant 0 : i32
          %parallel_loop3A_1718 = arith.constant 0 : i32
          %parallel_loop3A_1719 = arith.constant 0 : i32
          %parallel_loop3A_1720 = arith.constant 0 : i32
          %parallel_loop3A_1721 = tpu.memref_slice %run_scoped3A_12[%rem3A_426, %parallel_loop3A_1717, %parallel_loop3A_1718, %parallel_loop3A_1719, %parallel_loop3A_1720] : memref<2x1x1x32x1000xf32, #tpu.memory_space<vmem>> -> memref<1x1x1x32x1000xf32, #tpu.memory_space<vmem>>
          %parallel_loop3A_1722 = tpu.memref_squeeze %parallel_loop3A_1721 : memref<1x1x1x32x1000xf32, #tpu.memory_space<vmem>> -> memref<1x1x32x1000xf32, #tpu.memory_space<vmem>>
          %parallel_loop3A_1723 = arith.index_cast %parallel_loop3A_1714 : i32 to index
          %parallel_loop3A_1724 = arith.index_cast %parallel_loop3A_1715 : i32 to index
          %parallel_loop3A_1725 = arith.index_cast %parallel_loop3A_1716 : i32 to index
          %parallel_loop3A_1726 = arith.index_cast %parallel_loop3A_1263 : i32 to index
          %parallel_loop3A_1727 = tpu.vector_load %parallel_loop3A_1722[%parallel_loop3A_1723, %parallel_loop3A_1724, %parallel_loop3A_1725, %parallel_loop3A_1726] {strides = array<i32>} : memref<1x1x32x1000xf32, #tpu.memory_space<vmem>>, vector<16xf32>,
          tpu.vector_store %parallel_loop3A_1722[%parallel_loop3A_1723, %parallel_loop3A_1724, %parallel_loop3A_1725, %parallel_loop3A_1726], %parallel_loop3A_1713 {strides = array<i32>} : memref<1x1x32x1000xf32, #tpu.memory_space<vmem>>, vector<16xf32>,
          %parallel_loop3A_1728 = arith.constant 25 : i32
          %parallel_loop3A_1729 = vector.broadcast %parallel_loop3A_1728 : i32 to vector<16xi32>
          %parallel_loop3A_1730 = arith.addi %parallel_loop3A_1277, %parallel_loop3A_1729 : vector<16xi32>
          %parallel_loop3A_1731 = tpu.vector_load_idx %arg5[%parallel_loop3A_1730] : memref<33000xf32, #tpu.memory_space<vmem>>[vector<16xi32>], vector<16xf32>,
          %parallel_loop3A_1732 = arith.constant 0 : i32
          %parallel_loop3A_1733 = arith.constant 0 : i32
          %parallel_loop3A_1734 = arith.constant 25 : i32
          %parallel_loop3A_1735 = arith.constant 0 : i32
          %parallel_loop3A_1736 = arith.constant 0 : i32
          %parallel_loop3A_1737 = arith.constant 0 : i32
          %parallel_loop3A_1738 = arith.constant 0 : i32
          %parallel_loop3A_1739 = tpu.memref_slice %run_scoped3A_12[%rem3A_426, %parallel_loop3A_1735, %parallel_loop3A_1736, %parallel_loop3A_1737, %parallel_loop3A_1738] : memref<2x1x1x32x1000xf32, #tpu.memory_space<vmem>> -> memref<1x1x1x32x1000xf32, #tpu.memory_space<vmem>>
          %parallel_loop3A_1740 = tpu.memref_squeeze %parallel_loop3A_1739 : memref<1x1x1x32x1000xf32, #tpu.memory_space<vmem>> -> memref<1x1x32x1000xf32, #tpu.memory_space<vmem>>
          %parallel_loop3A_1741 = arith.index_cast %parallel_loop3A_1732 : i32 to index
          %parallel_loop3A_1742 = arith.index_cast %parallel_loop3A_1733 : i32 to index
          %parallel_loop3A_1743 = arith.index_cast %parallel_loop3A_1734 : i32 to index
          %parallel_loop3A_1744 = arith.index_cast %parallel_loop3A_1263 : i32 to index
          %parallel_loop3A_1745 = tpu.vector_load %parallel_loop3A_1740[%parallel_loop3A_1741, %parallel_loop3A_1742, %parallel_loop3A_1743, %parallel_loop3A_1744] {strides = array<i32>} : memref<1x1x32x1000xf32, #tpu.memory_space<vmem>>, vector<16xf32>,
          tpu.vector_store %parallel_loop3A_1740[%parallel_loop3A_1741, %parallel_loop3A_1742, %parallel_loop3A_1743, %parallel_loop3A_1744], %parallel_loop3A_1731 {strides = array<i32>} : memref<1x1x32x1000xf32, #tpu.memory_space<vmem>>, vector<16xf32>,
          %parallel_loop3A_1746 = arith.constant 26 : i32
          %parallel_loop3A_1747 = vector.broadcast %parallel_loop3A_1746 : i32 to vector<16xi32>
          %parallel_loop3A_1748 = arith.addi %parallel_loop3A_1277, %parallel_loop3A_1747 : vector<16xi32>
          %parallel_loop3A_1749 = tpu.vector_load_idx %arg5[%parallel_loop3A_1748] : memref<33000xf32, #tpu.memory_space<vmem>>[vector<16xi32>], vector<16xf32>,
          %parallel_loop3A_1750 = arith.constant 0 : i32
          %parallel_loop3A_1751 = arith.constant 0 : i32
          %parallel_loop3A_1752 = arith.constant 26 : i32
          %parallel_loop3A_1753 = arith.constant 0 : i32
          %parallel_loop3A_1754 = arith.constant 0 : i32
          %parallel_loop3A_1755 = arith.constant 0 : i32
          %parallel_loop3A_1756 = arith.constant 0 : i32
          %parallel_loop3A_1757 = tpu.memref_slice %run_scoped3A_12[%rem3A_426, %parallel_loop3A_1753, %parallel_loop3A_1754, %parallel_loop3A_1755, %parallel_loop3A_1756] : memref<2x1x1x32x1000xf32, #tpu.memory_space<vmem>> -> memref<1x1x1x32x1000xf32, #tpu.memory_space<vmem>>
          %parallel_loop3A_1758 = tpu.memref_squeeze %parallel_loop3A_1757 : memref<1x1x1x32x1000xf32, #tpu.memory_space<vmem>> -> memref<1x1x32x1000xf32, #tpu.memory_space<vmem>>
          %parallel_loop3A_1759 = arith.index_cast %parallel_loop3A_1750 : i32 to index
          %parallel_loop3A_1760 = arith.index_cast %parallel_loop3A_1751 : i32 to index
          %parallel_loop3A_1761 = arith.index_cast %parallel_loop3A_1752 : i32 to index
          %parallel_loop3A_1762 = arith.index_cast %parallel_loop3A_1263 : i32 to index
          %parallel_loop3A_1763 = tpu.vector_load %parallel_loop3A_1758[%parallel_loop3A_1759, %parallel_loop3A_1760, %parallel_loop3A_1761, %parallel_loop3A_1762] {strides = array<i32>} : memref<1x1x32x1000xf32, #tpu.memory_space<vmem>>, vector<16xf32>,
          tpu.vector_store %parallel_loop3A_1758[%parallel_loop3A_1759, %parallel_loop3A_1760, %parallel_loop3A_1761, %parallel_loop3A_1762], %parallel_loop3A_1749 {strides = array<i32>} : memref<1x1x32x1000xf32, #tpu.memory_space<vmem>>, vector<16xf32>,
          %parallel_loop3A_1764 = arith.constant 27 : i32
          %parallel_loop3A_1765 = vector.broadcast %parallel_loop3A_1764 : i32 to vector<16xi32>
          %parallel_loop3A_1766 = arith.addi %parallel_loop3A_1277, %parallel_loop3A_1765 : vector<16xi32>
          %parallel_loop3A_1767 = tpu.vector_load_idx %arg5[%parallel_loop3A_1766] : memref<33000xf32, #tpu.memory_space<vmem>>[vector<16xi32>], vector<16xf32>,
          %parallel_loop3A_1768 = arith.constant 0 : i32
          %parallel_loop3A_1769 = arith.constant 0 : i32
          %parallel_loop3A_1770 = arith.constant 27 : i32
          %parallel_loop3A_1771 = arith.constant 0 : i32
          %parallel_loop3A_1772 = arith.constant 0 : i32
          %parallel_loop3A_1773 = arith.constant 0 : i32
          %parallel_loop3A_1774 = arith.constant 0 : i32
          %parallel_loop3A_1775 = tpu.memref_slice %run_scoped3A_12[%rem3A_426, %parallel_loop3A_1771, %parallel_loop3A_1772, %parallel_loop3A_1773, %parallel_loop3A_1774] : memref<2x1x1x32x1000xf32, #tpu.memory_space<vmem>> -> memref<1x1x1x32x1000xf32, #tpu.memory_space<vmem>>
          %parallel_loop3A_1776 = tpu.memref_squeeze %parallel_loop3A_1775 : memref<1x1x1x32x1000xf32, #tpu.memory_space<vmem>> -> memref<1x1x32x1000xf32, #tpu.memory_space<vmem>>
          %parallel_loop3A_1777 = arith.index_cast %parallel_loop3A_1768 : i32 to index
          %parallel_loop3A_1778 = arith.index_cast %parallel_loop3A_1769 : i32 to index
          %parallel_loop3A_1779 = arith.index_cast %parallel_loop3A_1770 : i32 to index
          %parallel_loop3A_1780 = arith.index_cast %parallel_loop3A_1263 : i32 to index
          %parallel_loop3A_1781 = tpu.vector_load %parallel_loop3A_1776[%parallel_loop3A_1777, %parallel_loop3A_1778, %parallel_loop3A_1779, %parallel_loop3A_1780] {strides = array<i32>} : memref<1x1x32x1000xf32, #tpu.memory_space<vmem>>, vector<16xf32>,
          tpu.vector_store %parallel_loop3A_1776[%parallel_loop3A_1777, %parallel_loop3A_1778, %parallel_loop3A_1779, %parallel_loop3A_1780], %parallel_loop3A_1767 {strides = array<i32>} : memref<1x1x32x1000xf32, #tpu.memory_space<vmem>>, vector<16xf32>,
          %parallel_loop3A_1782 = arith.constant 28 : i32
          %parallel_loop3A_1783 = vector.broadcast %parallel_loop3A_1782 : i32 to vector<16xi32>
          %parallel_loop3A_1784 = arith.addi %parallel_loop3A_1277, %parallel_loop3A_1783 : vector<16xi32>
          %parallel_loop3A_1785 = tpu.vector_load_idx %arg5[%parallel_loop3A_1784] : memref<33000xf32, #tpu.memory_space<vmem>>[vector<16xi32>], vector<16xf32>,
          %parallel_loop3A_1786 = arith.constant 0 : i32
          %parallel_loop3A_1787 = arith.constant 0 : i32
          %parallel_loop3A_1788 = arith.constant 28 : i32
          %parallel_loop3A_1789 = arith.constant 0 : i32
          %parallel_loop3A_1790 = arith.constant 0 : i32
          %parallel_loop3A_1791 = arith.constant 0 : i32
          %parallel_loop3A_1792 = arith.constant 0 : i32
          %parallel_loop3A_1793 = tpu.memref_slice %run_scoped3A_12[%rem3A_426, %parallel_loop3A_1789, %parallel_loop3A_1790, %parallel_loop3A_1791, %parallel_loop3A_1792] : memref<2x1x1x32x1000xf32, #tpu.memory_space<vmem>> -> memref<1x1x1x32x1000xf32, #tpu.memory_space<vmem>>
          %parallel_loop3A_1794 = tpu.memref_squeeze %parallel_loop3A_1793 : memref<1x1x1x32x1000xf32, #tpu.memory_space<vmem>> -> memref<1x1x32x1000xf32, #tpu.memory_space<vmem>>
          %parallel_loop3A_1795 = arith.index_cast %parallel_loop3A_1786 : i32 to index
          %parallel_loop3A_1796 = arith.index_cast %parallel_loop3A_1787 : i32 to index
          %parallel_loop3A_1797 = arith.index_cast %parallel_loop3A_1788 : i32 to index
          %parallel_loop3A_1798 = arith.index_cast %parallel_loop3A_1263 : i32 to index
          %parallel_loop3A_1799 = tpu.vector_load %parallel_loop3A_1794[%parallel_loop3A_1795, %parallel_loop3A_1796, %parallel_loop3A_1797, %parallel_loop3A_1798] {strides = array<i32>} : memref<1x1x32x1000xf32, #tpu.memory_space<vmem>>, vector<16xf32>,
          tpu.vector_store %parallel_loop3A_1794[%parallel_loop3A_1795, %parallel_loop3A_1796, %parallel_loop3A_1797, %parallel_loop3A_1798], %parallel_loop3A_1785 {strides = array<i32>} : memref<1x1x32x1000xf32, #tpu.memory_space<vmem>>, vector<16xf32>,
          %parallel_loop3A_1800 = arith.constant 29 : i32
          %parallel_loop3A_1801 = vector.broadcast %parallel_loop3A_1800 : i32 to vector<16xi32>
          %parallel_loop3A_1802 = arith.addi %parallel_loop3A_1277, %parallel_loop3A_1801 : vector<16xi32>
          %parallel_loop3A_1803 = tpu.vector_load_idx %arg5[%parallel_loop3A_1802] : memref<33000xf32, #tpu.memory_space<vmem>>[vector<16xi32>], vector<16xf32>,
          %parallel_loop3A_1804 = arith.constant 0 : i32
          %parallel_loop3A_1805 = arith.constant 0 : i32
          %parallel_loop3A_1806 = arith.constant 29 : i32
          %parallel_loop3A_1807 = arith.constant 0 : i32
          %parallel_loop3A_1808 = arith.constant 0 : i32
          %parallel_loop3A_1809 = arith.constant 0 : i32
          %parallel_loop3A_1810 = arith.constant 0 : i32
          %parallel_loop3A_1811 = tpu.memref_slice %run_scoped3A_12[%rem3A_426, %parallel_loop3A_1807, %parallel_loop3A_1808, %parallel_loop3A_1809, %parallel_loop3A_1810] : memref<2x1x1x32x1000xf32, #tpu.memory_space<vmem>> -> memref<1x1x1x32x1000xf32, #tpu.memory_space<vmem>>
          %parallel_loop3A_1812 = tpu.memref_squeeze %parallel_loop3A_1811 : memref<1x1x1x32x1000xf32, #tpu.memory_space<vmem>> -> memref<1x1x32x1000xf32, #tpu.memory_space<vmem>>
          %parallel_loop3A_1813 = arith.index_cast %parallel_loop3A_1804 : i32 to index
          %parallel_loop3A_1814 = arith.index_cast %parallel_loop3A_1805 : i32 to index
          %parallel_loop3A_1815 = arith.index_cast %parallel_loop3A_1806 : i32 to index
          %parallel_loop3A_1816 = arith.index_cast %parallel_loop3A_1263 : i32 to index
          %parallel_loop3A_1817 = tpu.vector_load %parallel_loop3A_1812[%parallel_loop3A_1813, %parallel_loop3A_1814, %parallel_loop3A_1815, %parallel_loop3A_1816] {strides = array<i32>} : memref<1x1x32x1000xf32, #tpu.memory_space<vmem>>, vector<16xf32>,
          tpu.vector_store %parallel_loop3A_1812[%parallel_loop3A_1813, %parallel_loop3A_1814, %parallel_loop3A_1815, %parallel_loop3A_1816], %parallel_loop3A_1803 {strides = array<i32>} : memref<1x1x32x1000xf32, #tpu.memory_space<vmem>>, vector<16xf32>,
          %parallel_loop3A_1818 = arith.constant 30 : i32
          %parallel_loop3A_1819 = vector.broadcast %parallel_loop3A_1818 : i32 to vector<16xi32>
          %parallel_loop3A_1820 = arith.addi %parallel_loop3A_1277, %parallel_loop3A_1819 : vector<16xi32>
          %parallel_loop3A_1821 = tpu.vector_load_idx %arg5[%parallel_loop3A_1820] : memref<33000xf32, #tpu.memory_space<vmem>>[vector<16xi32>], vector<16xf32>,
          %parallel_loop3A_1822 = arith.constant 0 : i32
          %parallel_loop3A_1823 = arith.constant 0 : i32
          %parallel_loop3A_1824 = arith.constant 30 : i32
          %parallel_loop3A_1825 = arith.constant 0 : i32
          %parallel_loop3A_1826 = arith.constant 0 : i32
          %parallel_loop3A_1827 = arith.constant 0 : i32
          %parallel_loop3A_1828 = arith.constant 0 : i32
          %parallel_loop3A_1829 = tpu.memref_slice %run_scoped3A_12[%rem3A_426, %parallel_loop3A_1825, %parallel_loop3A_1826, %parallel_loop3A_1827, %parallel_loop3A_1828] : memref<2x1x1x32x1000xf32, #tpu.memory_space<vmem>> -> memref<1x1x1x32x1000xf32, #tpu.memory_space<vmem>>
          %parallel_loop3A_1830 = tpu.memref_squeeze %parallel_loop3A_1829 : memref<1x1x1x32x1000xf32, #tpu.memory_space<vmem>> -> memref<1x1x32x1000xf32, #tpu.memory_space<vmem>>
          %parallel_loop3A_1831 = arith.index_cast %parallel_loop3A_1822 : i32 to index
          %parallel_loop3A_1832 = arith.index_cast %parallel_loop3A_1823 : i32 to index
          %parallel_loop3A_1833 = arith.index_cast %parallel_loop3A_1824 : i32 to index
          %parallel_loop3A_1834 = arith.index_cast %parallel_loop3A_1263 : i32 to index
          %parallel_loop3A_1835 = tpu.vector_load %parallel_loop3A_1830[%parallel_loop3A_1831, %parallel_loop3A_1832, %parallel_loop3A_1833, %parallel_loop3A_1834] {strides = array<i32>} : memref<1x1x32x1000xf32, #tpu.memory_space<vmem>>, vector<16xf32>,
          tpu.vector_store %parallel_loop3A_1830[%parallel_loop3A_1831, %parallel_loop3A_1832, %parallel_loop3A_1833, %parallel_loop3A_1834], %parallel_loop3A_1821 {strides = array<i32>} : memref<1x1x32x1000xf32, #tpu.memory_space<vmem>>, vector<16xf32>,
          %parallel_loop3A_1836 = arith.constant 31 : i32
          %parallel_loop3A_1837 = vector.broadcast %parallel_loop3A_1836 : i32 to vector<16xi32>
          %parallel_loop3A_1838 = arith.addi %parallel_loop3A_1277, %parallel_loop3A_1837 : vector<16xi32>
          %parallel_loop3A_1839 = tpu.vector_load_idx %arg5[%parallel_loop3A_1838] : memref<33000xf32, #tpu.memory_space<vmem>>[vector<16xi32>], vector<16xf32>,
          %parallel_loop3A_1840 = arith.constant 0 : i32
          %parallel_loop3A_1841 = arith.constant 0 : i32
          %parallel_loop3A_1842 = arith.constant 31 : i32
          %parallel_loop3A_1843 = arith.constant 0 : i32
          %parallel_loop3A_1844 = arith.constant 0 : i32
          %parallel_loop3A_1845 = arith.constant 0 : i32
          %parallel_loop3A_1846 = arith.constant 0 : i32
          %parallel_loop3A_1847 = tpu.memref_slice %run_scoped3A_12[%rem3A_426, %parallel_loop3A_1843, %parallel_loop3A_1844, %parallel_loop3A_1845, %parallel_loop3A_1846] : memref<2x1x1x32x1000xf32, #tpu.memory_space<vmem>> -> memref<1x1x1x32x1000xf32, #tpu.memory_space<vmem>>
          %parallel_loop3A_1848 = tpu.memref_squeeze %parallel_loop3A_1847 : memref<1x1x1x32x1000xf32, #tpu.memory_space<vmem>> -> memref<1x1x32x1000xf32, #tpu.memory_space<vmem>>
          %parallel_loop3A_1849 = arith.index_cast %parallel_loop3A_1840 : i32 to index
          %parallel_loop3A_1850 = arith.index_cast %parallel_loop3A_1841 : i32 to index
          %parallel_loop3A_1851 = arith.index_cast %parallel_loop3A_1842 : i32 to index
          %parallel_loop3A_1852 = arith.index_cast %parallel_loop3A_1263 : i32 to index
          %parallel_loop3A_1853 = tpu.vector_load %parallel_loop3A_1848[%parallel_loop3A_1849, %parallel_loop3A_1850, %parallel_loop3A_1851, %parallel_loop3A_1852] {strides = array<i32>} : memref<1x1x32x1000xf32, #tpu.memory_space<vmem>>, vector<16xf32>,
          tpu.vector_store %parallel_loop3A_1848[%parallel_loop3A_1849, %parallel_loop3A_1850, %parallel_loop3A_1851, %parallel_loop3A_1852], %parallel_loop3A_1839 {strides = array<i32>} : memref<1x1x32x1000xf32, #tpu.memory_space<vmem>>, vector<16xf32>,
        } {sc.loop_unroll_factor = 2 : i64, sc.parallel_access}
        %get3A = arith.constant 0 : i32
        %get3A_429 = arith.constant 0 : i32
        %get3A_430 = arith.constant 0 : i32
        %get3A_431 = arith.constant 0 : i32
        %get3A_432 = arith.constant 0 : i32
        %get3A_433 = tpu.memref_slice %run_scoped3A[%rem3A_424, %get3A_430, %get3A_431, %get3A_432] : memref<2x1x1x1000xi32, #tpu.memory_space<vmem>> -> memref<1x1x1x1000xi32, #tpu.memory_space<vmem>>
        %get3A_434 = tpu.memref_squeeze %get3A_433 : memref<1x1x1x1000xi32, #tpu.memory_space<vmem>> -> memref<1x1x1000xi32, #tpu.memory_space<vmem>>
        %get3A_435 = arith.index_cast %get3A : i32 to index
        %get3A_436 = arith.index_cast %get3A_429 : i32 to index
        %get3A_437 = arith.constant 984 : index
        %get3A_438 = tpu.vector_load %get3A_434[%get3A_435, %get3A_436, %get3A_437] {strides = array<i32>} : memref<1x1x1000xi32, #tpu.memory_space<vmem>>, vector<16xi32>,
        %mul3A_439 = arith.constant 33 : i32
        %mul3A_440 = vector.broadcast %mul3A_439 : i32 to vector<16xi32>
        %mul3A_441 = arith.muli %get3A_438, %mul3A_440 : vector<16xi32>
        %add3A_442 = arith.constant 0 : i32
        %add3A_443 = vector.broadcast %add3A_442 : i32 to vector<16xi32>
        %add3A_444 = arith.addi %mul3A_441, %add3A_443 : vector<16xi32>
        %gather3A = tpu.vector_load_idx %arg5[%add3A_444] : memref<33000xf32, #tpu.memory_space<vmem>>[vector<16xi32>], vector<16xf32>,
        %swap3A = arith.constant 0 : i32
        %swap3A_445 = arith.constant 0 : i32
        %swap3A_446 = arith.constant 0 : i32
        %swap3A_447 = arith.constant 0 : i32
        %swap3A_448 = arith.constant 0 : i32
        %swap3A_449 = arith.constant 0 : i32
        %swap3A_450 = arith.constant 0 : i32
        %swap3A_451 = tpu.memref_slice %run_scoped3A_12[%rem3A_426, %swap3A_447, %swap3A_448, %swap3A_449, %swap3A_450] : memref<2x1x1x32x1000xf32, #tpu.memory_space<vmem>> -> memref<1x1x1x32x1000xf32, #tpu.memory_space<vmem>>
        %swap3A_452 = tpu.memref_squeeze %swap3A_451 : memref<1x1x1x32x1000xf32, #tpu.memory_space<vmem>> -> memref<1x1x32x1000xf32, #tpu.memory_space<vmem>>
        %swap3A_453 = arith.index_cast %swap3A : i32 to index
        %swap3A_454 = arith.index_cast %swap3A_445 : i32 to index
        %swap3A_455 = arith.index_cast %swap3A_446 : i32 to index
        %swap3A_456 = arith.constant 984 : index
        %swap3A_457 = tpu.vector_load %swap3A_452[%swap3A_453, %swap3A_454, %swap3A_455, %swap3A_456] {strides = array<i32>} : memref<1x1x32x1000xf32, #tpu.memory_space<vmem>>, vector<16xf32>,
        tpu.vector_store %swap3A_452[%swap3A_453, %swap3A_454, %swap3A_455, %swap3A_456], %gather3A {strides = array<i32>} : memref<1x1x32x1000xf32, #tpu.memory_space<vmem>>, vector<16xf32>,
        %add3A_458 = arith.constant 1 : i32
        %add3A_459 = vector.broadcast %add3A_458 : i32 to vector<16xi32>
        %add3A_460 = arith.addi %mul3A_441, %add3A_459 : vector<16xi32>
        %gather3A_461 = tpu.vector_load_idx %arg5[%add3A_460] : memref<33000xf32, #tpu.memory_space<vmem>>[vector<16xi32>], vector<16xf32>,
        %swap3A_462 = arith.constant 0 : i32
        %swap3A_463 = arith.constant 0 : i32
        %swap3A_464 = arith.constant 1 : i32
        %swap3A_465 = arith.constant 0 : i32
        %swap3A_466 = arith.constant 0 : i32
        %swap3A_467 = arith.constant 0 : i32
        %swap3A_468 = arith.constant 0 : i32
        %swap3A_469 = tpu.memref_slice %run_scoped3A_12[%rem3A_426, %swap3A_465, %swap3A_466, %swap3A_467, %swap3A_468] : memref<2x1x1x32x1000xf32, #tpu.memory_space<vmem>> -> memref<1x1x1x32x1000xf32, #tpu.memory_space<vmem>>
        %swap3A_470 = tpu.memref_squeeze %swap3A_469 : memref<1x1x1x32x1000xf32, #tpu.memory_space<vmem>> -> memref<1x1x32x1000xf32, #tpu.memory_space<vmem>>
        %swap3A_471 = arith.index_cast %swap3A_462 : i32 to index
        %swap3A_472 = arith.index_cast %swap3A_463 : i32 to index
        %swap3A_473 = arith.index_cast %swap3A_464 : i32 to index
        %swap3A_474 = arith.constant 984 : index
        %swap3A_475 = tpu.vector_load %swap3A_470[%swap3A_471, %swap3A_472, %swap3A_473, %swap3A_474] {strides = array<i32>} : memref<1x1x32x1000xf32, #tpu.memory_space<vmem>>, vector<16xf32>,
        tpu.vector_store %swap3A_470[%swap3A_471, %swap3A_472, %swap3A_473, %swap3A_474], %gather3A_461 {strides = array<i32>} : memref<1x1x32x1000xf32, #tpu.memory_space<vmem>>, vector<16xf32>,
        %add3A_476 = arith.constant 2 : i32
        %add3A_477 = vector.broadcast %add3A_476 : i32 to vector<16xi32>
        %add3A_478 = arith.addi %mul3A_441, %add3A_477 : vector<16xi32>
        %gather3A_479 = tpu.vector_load_idx %arg5[%add3A_478] : memref<33000xf32, #tpu.memory_space<vmem>>[vector<16xi32>], vector<16xf32>,
        %swap3A_480 = arith.constant 0 : i32
        %swap3A_481 = arith.constant 0 : i32
        %swap3A_482 = arith.constant 2 : i32
        %swap3A_483 = arith.constant 0 : i32
        %swap3A_484 = arith.constant 0 : i32
        %swap3A_485 = arith.constant 0 : i32
        %swap3A_486 = arith.constant 0 : i32
        %swap3A_487 = tpu.memref_slice %run_scoped3A_12[%rem3A_426, %swap3A_483, %swap3A_484, %swap3A_485, %swap3A_486] : memref<2x1x1x32x1000xf32, #tpu.memory_space<vmem>> -> memref<1x1x1x32x1000xf32, #tpu.memory_space<vmem>>
        %swap3A_488 = tpu.memref_squeeze %swap3A_487 : memref<1x1x1x32x1000xf32, #tpu.memory_space<vmem>> -> memref<1x1x32x1000xf32, #tpu.memory_space<vmem>>
        %swap3A_489 = arith.index_cast %swap3A_480 : i32 to index
        %swap3A_490 = arith.index_cast %swap3A_481 : i32 to index
        %swap3A_491 = arith.index_cast %swap3A_482 : i32 to index
        %swap3A_492 = arith.constant 984 : index
        %swap3A_493 = tpu.vector_load %swap3A_488[%swap3A_489, %swap3A_490, %swap3A_491, %swap3A_492] {strides = array<i32>} : memref<1x1x32x1000xf32, #tpu.memory_space<vmem>>, vector<16xf32>,
        tpu.vector_store %swap3A_488[%swap3A_489, %swap3A_490, %swap3A_491, %swap3A_492], %gather3A_479 {strides = array<i32>} : memref<1x1x32x1000xf32, #tpu.memory_space<vmem>>, vector<16xf32>,
        %add3A_494 = arith.constant 3 : i32
        %add3A_495 = vector.broadcast %add3A_494 : i32 to vector<16xi32>
        %add3A_496 = arith.addi %mul3A_441, %add3A_495 : vector<16xi32>
        %gather3A_497 = tpu.vector_load_idx %arg5[%add3A_496] : memref<33000xf32, #tpu.memory_space<vmem>>[vector<16xi32>], vector<16xf32>,
        %swap3A_498 = arith.constant 0 : i32
        %swap3A_499 = arith.constant 0 : i32
        %swap3A_500 = arith.constant 3 : i32
        %swap3A_501 = arith.constant 0 : i32
        %swap3A_502 = arith.constant 0 : i32
        %swap3A_503 = arith.constant 0 : i32
        %swap3A_504 = arith.constant 0 : i32
        %swap3A_505 = tpu.memref_slice %run_scoped3A_12[%rem3A_426, %swap3A_501, %swap3A_502, %swap3A_503, %swap3A_504] : memref<2x1x1x32x1000xf32, #tpu.memory_space<vmem>> -> memref<1x1x1x32x1000xf32, #tpu.memory_space<vmem>>
        %swap3A_506 = tpu.memref_squeeze %swap3A_505 : memref<1x1x1x32x1000xf32, #tpu.memory_space<vmem>> -> memref<1x1x32x1000xf32, #tpu.memory_space<vmem>>
        %swap3A_507 = arith.index_cast %swap3A_498 : i32 to index
        %swap3A_508 = arith.index_cast %swap3A_499 : i32 to index
        %swap3A_509 = arith.index_cast %swap3A_500 : i32 to index
        %swap3A_510 = arith.constant 984 : index
        %swap3A_511 = tpu.vector_load %swap3A_506[%swap3A_507, %swap3A_508, %swap3A_509, %swap3A_510] {strides = array<i32>} : memref<1x1x32x1000xf32, #tpu.memory_space<vmem>>, vector<16xf32>,
        tpu.vector_store %swap3A_506[%swap3A_507, %swap3A_508, %swap3A_509, %swap3A_510], %gather3A_497 {strides = array<i32>} : memref<1x1x32x1000xf32, #tpu.memory_space<vmem>>, vector<16xf32>,
        %add3A_512 = arith.constant 4 : i32
        %add3A_513 = vector.broadcast %add3A_512 : i32 to vector<16xi32>
        %add3A_514 = arith.addi %mul3A_441, %add3A_513 : vector<16xi32>
        %gather3A_515 = tpu.vector_load_idx %arg5[%add3A_514] : memref<33000xf32, #tpu.memory_space<vmem>>[vector<16xi32>], vector<16xf32>,
        %swap3A_516 = arith.constant 0 : i32
        %swap3A_517 = arith.constant 0 : i32
        %swap3A_518 = arith.constant 4 : i32
        %swap3A_519 = arith.constant 0 : i32
        %swap3A_520 = arith.constant 0 : i32
        %swap3A_521 = arith.constant 0 : i32
        %swap3A_522 = arith.constant 0 : i32
        %swap3A_523 = tpu.memref_slice %run_scoped3A_12[%rem3A_426, %swap3A_519, %swap3A_520, %swap3A_521, %swap3A_522] : memref<2x1x1x32x1000xf32, #tpu.memory_space<vmem>> -> memref<1x1x1x32x1000xf32, #tpu.memory_space<vmem>>
        %swap3A_524 = tpu.memref_squeeze %swap3A_523 : memref<1x1x1x32x1000xf32, #tpu.memory_space<vmem>> -> memref<1x1x32x1000xf32, #tpu.memory_space<vmem>>
        %swap3A_525 = arith.index_cast %swap3A_516 : i32 to index
        %swap3A_526 = arith.index_cast %swap3A_517 : i32 to index
        %swap3A_527 = arith.index_cast %swap3A_518 : i32 to index
        %swap3A_528 = arith.constant 984 : index
        %swap3A_529 = tpu.vector_load %swap3A_524[%swap3A_525, %swap3A_526, %swap3A_527, %swap3A_528] {strides = array<i32>} : memref<1x1x32x1000xf32, #tpu.memory_space<vmem>>, vector<16xf32>,
        tpu.vector_store %swap3A_524[%swap3A_525, %swap3A_526, %swap3A_527, %swap3A_528], %gather3A_515 {strides = array<i32>} : memref<1x1x32x1000xf32, #tpu.memory_space<vmem>>, vector<16xf32>,
        %add3A_530 = arith.constant 5 : i32
        %add3A_531 = vector.broadcast %add3A_530 : i32 to vector<16xi32>
        %add3A_532 = arith.addi %mul3A_441, %add3A_531 : vector<16xi32>
        %gather3A_533 = tpu.vector_load_idx %arg5[%add3A_532] : memref<33000xf32, #tpu.memory_space<vmem>>[vector<16xi32>], vector<16xf32>,
        %swap3A_534 = arith.constant 0 : i32
        %swap3A_535 = arith.constant 0 : i32
        %swap3A_536 = arith.constant 5 : i32
        %swap3A_537 = arith.constant 0 : i32
        %swap3A_538 = arith.constant 0 : i32
        %swap3A_539 = arith.constant 0 : i32
        %swap3A_540 = arith.constant 0 : i32
        %swap3A_541 = tpu.memref_slice %run_scoped3A_12[%rem3A_426, %swap3A_537, %swap3A_538, %swap3A_539, %swap3A_540] : memref<2x1x1x32x1000xf32, #tpu.memory_space<vmem>> -> memref<1x1x1x32x1000xf32, #tpu.memory_space<vmem>>
        %swap3A_542 = tpu.memref_squeeze %swap3A_541 : memref<1x1x1x32x1000xf32, #tpu.memory_space<vmem>> -> memref<1x1x32x1000xf32, #tpu.memory_space<vmem>>
        %swap3A_543 = arith.index_cast %swap3A_534 : i32 to index
        %swap3A_544 = arith.index_cast %swap3A_535 : i32 to index
        %swap3A_545 = arith.index_cast %swap3A_536 : i32 to index
        %swap3A_546 = arith.constant 984 : index
        %swap3A_547 = tpu.vector_load %swap3A_542[%swap3A_543, %swap3A_544, %swap3A_545, %swap3A_546] {strides = array<i32>} : memref<1x1x32x1000xf32, #tpu.memory_space<vmem>>, vector<16xf32>,
        tpu.vector_store %swap3A_542[%swap3A_543, %swap3A_544, %swap3A_545, %swap3A_546], %gather3A_533 {strides = array<i32>} : memref<1x1x32x1000xf32, #tpu.memory_space<vmem>>, vector<16xf32>,
        %add3A_548 = arith.constant 6 : i32
        %add3A_549 = vector.broadcast %add3A_548 : i32 to vector<16xi32>
        %add3A_550 = arith.addi %mul3A_441, %add3A_549 : vector<16xi32>
        %gather3A_551 = tpu.vector_load_idx %arg5[%add3A_550] : memref<33000xf32, #tpu.memory_space<vmem>>[vector<16xi32>], vector<16xf32>,
        %swap3A_552 = arith.constant 0 : i32
        %swap3A_553 = arith.constant 0 : i32
        %swap3A_554 = arith.constant 6 : i32
        %swap3A_555 = arith.constant 0 : i32
        %swap3A_556 = arith.constant 0 : i32
        %swap3A_557 = arith.constant 0 : i32
        %swap3A_558 = arith.constant 0 : i32
        %swap3A_559 = tpu.memref_slice %run_scoped3A_12[%rem3A_426, %swap3A_555, %swap3A_556, %swap3A_557, %swap3A_558] : memref<2x1x1x32x1000xf32, #tpu.memory_space<vmem>> -> memref<1x1x1x32x1000xf32, #tpu.memory_space<vmem>>
        %swap3A_560 = tpu.memref_squeeze %swap3A_559 : memref<1x1x1x32x1000xf32, #tpu.memory_space<vmem>> -> memref<1x1x32x1000xf32, #tpu.memory_space<vmem>>
        %swap3A_561 = arith.index_cast %swap3A_552 : i32 to index
        %swap3A_562 = arith.index_cast %swap3A_553 : i32 to index
        %swap3A_563 = arith.index_cast %swap3A_554 : i32 to index
        %swap3A_564 = arith.constant 984 : index
        %swap3A_565 = tpu.vector_load %swap3A_560[%swap3A_561, %swap3A_562, %swap3A_563, %swap3A_564] {strides = array<i32>} : memref<1x1x32x1000xf32, #tpu.memory_space<vmem>>, vector<16xf32>,
        tpu.vector_store %swap3A_560[%swap3A_561, %swap3A_562, %swap3A_563, %swap3A_564], %gather3A_551 {strides = array<i32>} : memref<1x1x32x1000xf32, #tpu.memory_space<vmem>>, vector<16xf32>,
        %add3A_566 = arith.constant 7 : i32
        %add3A_567 = vector.broadcast %add3A_566 : i32 to vector<16xi32>
        %add3A_568 = arith.addi %mul3A_441, %add3A_567 : vector<16xi32>
        %gather3A_569 = tpu.vector_load_idx %arg5[%add3A_568] : memref<33000xf32, #tpu.memory_space<vmem>>[vector<16xi32>], vector<16xf32>,
        %swap3A_570 = arith.constant 0 : i32
        %swap3A_571 = arith.constant 0 : i32
        %swap3A_572 = arith.constant 7 : i32
        %swap3A_573 = arith.constant 0 : i32
        %swap3A_574 = arith.constant 0 : i32
        %swap3A_575 = arith.constant 0 : i32
        %swap3A_576 = arith.constant 0 : i32
        %swap3A_577 = tpu.memref_slice %run_scoped3A_12[%rem3A_426, %swap3A_573, %swap3A_574, %swap3A_575, %swap3A_576] : memref<2x1x1x32x1000xf32, #tpu.memory_space<vmem>> -> memref<1x1x1x32x1000xf32, #tpu.memory_space<vmem>>
        %swap3A_578 = tpu.memref_squeeze %swap3A_577 : memref<1x1x1x32x1000xf32, #tpu.memory_space<vmem>> -> memref<1x1x32x1000xf32, #tpu.memory_space<vmem>>
        %swap3A_579 = arith.index_cast %swap3A_570 : i32 to index
        %swap3A_580 = arith.index_cast %swap3A_571 : i32 to index
        %swap3A_581 = arith.index_cast %swap3A_572 : i32 to index
        %swap3A_582 = arith.constant 984 : index
        %swap3A_583 = tpu.vector_load %swap3A_578[%swap3A_579, %swap3A_580, %swap3A_581, %swap3A_582] {strides = array<i32>} : memref<1x1x32x1000xf32, #tpu.memory_space<vmem>>, vector<16xf32>,
        tpu.vector_store %swap3A_578[%swap3A_579, %swap3A_580, %swap3A_581, %swap3A_582], %gather3A_569 {strides = array<i32>} : memref<1x1x32x1000xf32, #tpu.memory_space<vmem>>, vector<16xf32>,
        %add3A_584 = arith.constant 8 : i32
        %add3A_585 = vector.broadcast %add3A_584 : i32 to vector<16xi32>
        %add3A_586 = arith.addi %mul3A_441, %add3A_585 : vector<16xi32>
        %gather3A_587 = tpu.vector_load_idx %arg5[%add3A_586] : memref<33000xf32, #tpu.memory_space<vmem>>[vector<16xi32>], vector<16xf32>,
        %swap3A_588 = arith.constant 0 : i32
        %swap3A_589 = arith.constant 0 : i32
        %swap3A_590 = arith.constant 8 : i32
        %swap3A_591 = arith.constant 0 : i32
        %swap3A_592 = arith.constant 0 : i32
        %swap3A_593 = arith.constant 0 : i32
        %swap3A_594 = arith.constant 0 : i32
        %swap3A_595 = tpu.memref_slice %run_scoped3A_12[%rem3A_426, %swap3A_591, %swap3A_592, %swap3A_593, %swap3A_594] : memref<2x1x1x32x1000xf32, #tpu.memory_space<vmem>> -> memref<1x1x1x32x1000xf32, #tpu.memory_space<vmem>>
        %swap3A_596 = tpu.memref_squeeze %swap3A_595 : memref<1x1x1x32x1000xf32, #tpu.memory_space<vmem>> -> memref<1x1x32x1000xf32, #tpu.memory_space<vmem>>
        %swap3A_597 = arith.index_cast %swap3A_588 : i32 to index
        %swap3A_598 = arith.index_cast %swap3A_589 : i32 to index
        %swap3A_599 = arith.index_cast %swap3A_590 : i32 to index
        %swap3A_600 = arith.constant 984 : index
        %swap3A_601 = tpu.vector_load %swap3A_596[%swap3A_597, %swap3A_598, %swap3A_599, %swap3A_600] {strides = array<i32>} : memref<1x1x32x1000xf32, #tpu.memory_space<vmem>>, vector<16xf32>,
        tpu.vector_store %swap3A_596[%swap3A_597, %swap3A_598, %swap3A_599, %swap3A_600], %gather3A_587 {strides = array<i32>} : memref<1x1x32x1000xf32, #tpu.memory_space<vmem>>, vector<16xf32>,
        %add3A_602 = arith.constant 9 : i32
        %add3A_603 = vector.broadcast %add3A_602 : i32 to vector<16xi32>
        %add3A_604 = arith.addi %mul3A_441, %add3A_603 : vector<16xi32>
        %gather3A_605 = tpu.vector_load_idx %arg5[%add3A_604] : memref<33000xf32, #tpu.memory_space<vmem>>[vector<16xi32>], vector<16xf32>,
        %swap3A_606 = arith.constant 0 : i32
        %swap3A_607 = arith.constant 0 : i32
        %swap3A_608 = arith.constant 9 : i32
        %swap3A_609 = arith.constant 0 : i32
        %swap3A_610 = arith.constant 0 : i32
        %swap3A_611 = arith.constant 0 : i32
        %swap3A_612 = arith.constant 0 : i32
        %swap3A_613 = tpu.memref_slice %run_scoped3A_12[%rem3A_426, %swap3A_609, %swap3A_610, %swap3A_611, %swap3A_612] : memref<2x1x1x32x1000xf32, #tpu.memory_space<vmem>> -> memref<1x1x1x32x1000xf32, #tpu.memory_space<vmem>>
        %swap3A_614 = tpu.memref_squeeze %swap3A_613 : memref<1x1x1x32x1000xf32, #tpu.memory_space<vmem>> -> memref<1x1x32x1000xf32, #tpu.memory_space<vmem>>
        %swap3A_615 = arith.index_cast %swap3A_606 : i32 to index
        %swap3A_616 = arith.index_cast %swap3A_607 : i32 to index
        %swap3A_617 = arith.index_cast %swap3A_608 : i32 to index
        %swap3A_618 = arith.constant 984 : index
        %swap3A_619 = tpu.vector_load %swap3A_614[%swap3A_615, %swap3A_616, %swap3A_617, %swap3A_618] {strides = array<i32>} : memref<1x1x32x1000xf32, #tpu.memory_space<vmem>>, vector<16xf32>,
        tpu.vector_store %swap3A_614[%swap3A_615, %swap3A_616, %swap3A_617, %swap3A_618], %gather3A_605 {strides = array<i32>} : memref<1x1x32x1000xf32, #tpu.memory_space<vmem>>, vector<16xf32>,
        %add3A_620 = arith.constant 10 : i32
        %add3A_621 = vector.broadcast %add3A_620 : i32 to vector<16xi32>
        %add3A_622 = arith.addi %mul3A_441, %add3A_621 : vector<16xi32>
        %gather3A_623 = tpu.vector_load_idx %arg5[%add3A_622] : memref<33000xf32, #tpu.memory_space<vmem>>[vector<16xi32>], vector<16xf32>,
        %swap3A_624 = arith.constant 0 : i32
        %swap3A_625 = arith.constant 0 : i32
        %swap3A_626 = arith.constant 10 : i32
        %swap3A_627 = arith.constant 0 : i32
        %swap3A_628 = arith.constant 0 : i32
        %swap3A_629 = arith.constant 0 : i32
        %swap3A_630 = arith.constant 0 : i32
        %swap3A_631 = tpu.memref_slice %run_scoped3A_12[%rem3A_426, %swap3A_627, %swap3A_628, %swap3A_629, %swap3A_630] : memref<2x1x1x32x1000xf32, #tpu.memory_space<vmem>> -> memref<1x1x1x32x1000xf32, #tpu.memory_space<vmem>>
        %swap3A_632 = tpu.memref_squeeze %swap3A_631 : memref<1x1x1x32x1000xf32, #tpu.memory_space<vmem>> -> memref<1x1x32x1000xf32, #tpu.memory_space<vmem>>
        %swap3A_633 = arith.index_cast %swap3A_624 : i32 to index
        %swap3A_634 = arith.index_cast %swap3A_625 : i32 to index
        %swap3A_635 = arith.index_cast %swap3A_626 : i32 to index
        %swap3A_636 = arith.constant 984 : index
        %swap3A_637 = tpu.vector_load %swap3A_632[%swap3A_633, %swap3A_634, %swap3A_635, %swap3A_636] {strides = array<i32>} : memref<1x1x32x1000xf32, #tpu.memory_space<vmem>>, vector<16xf32>,
        tpu.vector_store %swap3A_632[%swap3A_633, %swap3A_634, %swap3A_635, %swap3A_636], %gather3A_623 {strides = array<i32>} : memref<1x1x32x1000xf32, #tpu.memory_space<vmem>>, vector<16xf32>,
        %add3A_638 = arith.constant 11 : i32
        %add3A_639 = vector.broadcast %add3A_638 : i32 to vector<16xi32>
        %add3A_640 = arith.addi %mul3A_441, %add3A_639 : vector<16xi32>
        %gather3A_641 = tpu.vector_load_idx %arg5[%add3A_640] : memref<33000xf32, #tpu.memory_space<vmem>>[vector<16xi32>], vector<16xf32>,
        %swap3A_642 = arith.constant 0 : i32
        %swap3A_643 = arith.constant 0 : i32
        %swap3A_644 = arith.constant 11 : i32
        %swap3A_645 = arith.constant 0 : i32
        %swap3A_646 = arith.constant 0 : i32
        %swap3A_647 = arith.constant 0 : i32
        %swap3A_648 = arith.constant 0 : i32
        %swap3A_649 = tpu.memref_slice %run_scoped3A_12[%rem3A_426, %swap3A_645, %swap3A_646, %swap3A_647, %swap3A_648] : memref<2x1x1x32x1000xf32, #tpu.memory_space<vmem>> -> memref<1x1x1x32x1000xf32, #tpu.memory_space<vmem>>
        %swap3A_650 = tpu.memref_squeeze %swap3A_649 : memref<1x1x1x32x1000xf32, #tpu.memory_space<vmem>> -> memref<1x1x32x1000xf32, #tpu.memory_space<vmem>>
        %swap3A_651 = arith.index_cast %swap3A_642 : i32 to index
        %swap3A_652 = arith.index_cast %swap3A_643 : i32 to index
        %swap3A_653 = arith.index_cast %swap3A_644 : i32 to index
        %swap3A_654 = arith.constant 984 : index
        %swap3A_655 = tpu.vector_load %swap3A_650[%swap3A_651, %swap3A_652, %swap3A_653, %swap3A_654] {strides = array<i32>} : memref<1x1x32x1000xf32, #tpu.memory_space<vmem>>, vector<16xf32>,
        tpu.vector_store %swap3A_650[%swap3A_651, %swap3A_652, %swap3A_653, %swap3A_654], %gather3A_641 {strides = array<i32>} : memref<1x1x32x1000xf32, #tpu.memory_space<vmem>>, vector<16xf32>,
        %add3A_656 = arith.constant 12 : i32
        %add3A_657 = vector.broadcast %add3A_656 : i32 to vector<16xi32>
        %add3A_658 = arith.addi %mul3A_441, %add3A_657 : vector<16xi32>
        %gather3A_659 = tpu.vector_load_idx %arg5[%add3A_658] : memref<33000xf32, #tpu.memory_space<vmem>>[vector<16xi32>], vector<16xf32>,
        %swap3A_660 = arith.constant 0 : i32
        %swap3A_661 = arith.constant 0 : i32
        %swap3A_662 = arith.constant 12 : i32
        %swap3A_663 = arith.constant 0 : i32
        %swap3A_664 = arith.constant 0 : i32
        %swap3A_665 = arith.constant 0 : i32
        %swap3A_666 = arith.constant 0 : i32
        %swap3A_667 = tpu.memref_slice %run_scoped3A_12[%rem3A_426, %swap3A_663, %swap3A_664, %swap3A_665, %swap3A_666] : memref<2x1x1x32x1000xf32, #tpu.memory_space<vmem>> -> memref<1x1x1x32x1000xf32, #tpu.memory_space<vmem>>
        %swap3A_668 = tpu.memref_squeeze %swap3A_667 : memref<1x1x1x32x1000xf32, #tpu.memory_space<vmem>> -> memref<1x1x32x1000xf32, #tpu.memory_space<vmem>>
        %swap3A_669 = arith.index_cast %swap3A_660 : i32 to index
        %swap3A_670 = arith.index_cast %swap3A_661 : i32 to index
        %swap3A_671 = arith.index_cast %swap3A_662 : i32 to index
        %swap3A_672 = arith.constant 984 : index
        %swap3A_673 = tpu.vector_load %swap3A_668[%swap3A_669, %swap3A_670, %swap3A_671, %swap3A_672] {strides = array<i32>} : memref<1x1x32x1000xf32, #tpu.memory_space<vmem>>, vector<16xf32>,
        tpu.vector_store %swap3A_668[%swap3A_669, %swap3A_670, %swap3A_671, %swap3A_672], %gather3A_659 {strides = array<i32>} : memref<1x1x32x1000xf32, #tpu.memory_space<vmem>>, vector<16xf32>,
        %add3A_674 = arith.constant 13 : i32
        %add3A_675 = vector.broadcast %add3A_674 : i32 to vector<16xi32>
        %add3A_676 = arith.addi %mul3A_441, %add3A_675 : vector<16xi32>
        %gather3A_677 = tpu.vector_load_idx %arg5[%add3A_676] : memref<33000xf32, #tpu.memory_space<vmem>>[vector<16xi32>], vector<16xf32>,
        %swap3A_678 = arith.constant 0 : i32
        %swap3A_679 = arith.constant 0 : i32
        %swap3A_680 = arith.constant 13 : i32
        %swap3A_681 = arith.constant 0 : i32
        %swap3A_682 = arith.constant 0 : i32
        %swap3A_683 = arith.constant 0 : i32
        %swap3A_684 = arith.constant 0 : i32
        %swap3A_685 = tpu.memref_slice %run_scoped3A_12[%rem3A_426, %swap3A_681, %swap3A_682, %swap3A_683, %swap3A_684] : memref<2x1x1x32x1000xf32, #tpu.memory_space<vmem>> -> memref<1x1x1x32x1000xf32, #tpu.memory_space<vmem>>
        %swap3A_686 = tpu.memref_squeeze %swap3A_685 : memref<1x1x1x32x1000xf32, #tpu.memory_space<vmem>> -> memref<1x1x32x1000xf32, #tpu.memory_space<vmem>>
        %swap3A_687 = arith.index_cast %swap3A_678 : i32 to index
        %swap3A_688 = arith.index_cast %swap3A_679 : i32 to index
        %swap3A_689 = arith.index_cast %swap3A_680 : i32 to index
        %swap3A_690 = arith.constant 984 : index
        %swap3A_691 = tpu.vector_load %swap3A_686[%swap3A_687, %swap3A_688, %swap3A_689, %swap3A_690] {strides = array<i32>} : memref<1x1x32x1000xf32, #tpu.memory_space<vmem>>, vector<16xf32>,
        tpu.vector_store %swap3A_686[%swap3A_687, %swap3A_688, %swap3A_689, %swap3A_690], %gather3A_677 {strides = array<i32>} : memref<1x1x32x1000xf32, #tpu.memory_space<vmem>>, vector<16xf32>,
        %add3A_692 = arith.constant 14 : i32
        %add3A_693 = vector.broadcast %add3A_692 : i32 to vector<16xi32>
        %add3A_694 = arith.addi %mul3A_441, %add3A_693 : vector<16xi32>
        %gather3A_695 = tpu.vector_load_idx %arg5[%add3A_694] : memref<33000xf32, #tpu.memory_space<vmem>>[vector<16xi32>], vector<16xf32>,
        %swap3A_696 = arith.constant 0 : i32
        %swap3A_697 = arith.constant 0 : i32
        %swap3A_698 = arith.constant 14 : i32
        %swap3A_699 = arith.constant 0 : i32
        %swap3A_700 = arith.constant 0 : i32
        %swap3A_701 = arith.constant 0 : i32
        %swap3A_702 = arith.constant 0 : i32
        %swap3A_703 = tpu.memref_slice %run_scoped3A_12[%rem3A_426, %swap3A_699, %swap3A_700, %swap3A_701, %swap3A_702] : memref<2x1x1x32x1000xf32, #tpu.memory_space<vmem>> -> memref<1x1x1x32x1000xf32, #tpu.memory_space<vmem>>
        %swap3A_704 = tpu.memref_squeeze %swap3A_703 : memref<1x1x1x32x1000xf32, #tpu.memory_space<vmem>> -> memref<1x1x32x1000xf32, #tpu.memory_space<vmem>>
        %swap3A_705 = arith.index_cast %swap3A_696 : i32 to index
        %swap3A_706 = arith.index_cast %swap3A_697 : i32 to index
        %swap3A_707 = arith.index_cast %swap3A_698 : i32 to index
        %swap3A_708 = arith.constant 984 : index
        %swap3A_709 = tpu.vector_load %swap3A_704[%swap3A_705, %swap3A_706, %swap3A_707, %swap3A_708] {strides = array<i32>} : memref<1x1x32x1000xf32, #tpu.memory_space<vmem>>, vector<16xf32>,
        tpu.vector_store %swap3A_704[%swap3A_705, %swap3A_706, %swap3A_707, %swap3A_708], %gather3A_695 {strides = array<i32>} : memref<1x1x32x1000xf32, #tpu.memory_space<vmem>>, vector<16xf32>,
        %add3A_710 = arith.constant 15 : i32
        %add3A_711 = vector.broadcast %add3A_710 : i32 to vector<16xi32>
        %add3A_712 = arith.addi %mul3A_441, %add3A_711 : vector<16xi32>
        %gather3A_713 = tpu.vector_load_idx %arg5[%add3A_712] : memref<33000xf32, #tpu.memory_space<vmem>>[vector<16xi32>], vector<16xf32>,
        %swap3A_714 = arith.constant 0 : i32
        %swap3A_715 = arith.constant 0 : i32
        %swap3A_716 = arith.constant 15 : i32
        %swap3A_717 = arith.constant 0 : i32
        %swap3A_718 = arith.constant 0 : i32
        %swap3A_719 = arith.constant 0 : i32
        %swap3A_720 = arith.constant 0 : i32
        %swap3A_721 = tpu.memref_slice %run_scoped3A_12[%rem3A_426, %swap3A_717, %swap3A_718, %swap3A_719, %swap3A_720] : memref<2x1x1x32x1000xf32, #tpu.memory_space<vmem>> -> memref<1x1x1x32x1000xf32, #tpu.memory_space<vmem>>
        %swap3A_722 = tpu.memref_squeeze %swap3A_721 : memref<1x1x1x32x1000xf32, #tpu.memory_space<vmem>> -> memref<1x1x32x1000xf32, #tpu.memory_space<vmem>>
        %swap3A_723 = arith.index_cast %swap3A_714 : i32 to index
        %swap3A_724 = arith.index_cast %swap3A_715 : i32 to index
        %swap3A_725 = arith.index_cast %swap3A_716 : i32 to index
        %swap3A_726 = arith.constant 984 : index
        %swap3A_727 = tpu.vector_load %swap3A_722[%swap3A_723, %swap3A_724, %swap3A_725, %swap3A_726] {strides = array<i32>} : memref<1x1x32x1000xf32, #tpu.memory_space<vmem>>, vector<16xf32>,
        tpu.vector_store %swap3A_722[%swap3A_723, %swap3A_724, %swap3A_725, %swap3A_726], %gather3A_713 {strides = array<i32>} : memref<1x1x32x1000xf32, #tpu.memory_space<vmem>>, vector<16xf32>,
        %add3A_728 = arith.constant 16 : i32
        %add3A_729 = vector.broadcast %add3A_728 : i32 to vector<16xi32>
        %add3A_730 = arith.addi %mul3A_441, %add3A_729 : vector<16xi32>
        %gather3A_731 = tpu.vector_load_idx %arg5[%add3A_730] : memref<33000xf32, #tpu.memory_space<vmem>>[vector<16xi32>], vector<16xf32>,
        %swap3A_732 = arith.constant 0 : i32
        %swap3A_733 = arith.constant 0 : i32
        %swap3A_734 = arith.constant 16 : i32
        %swap3A_735 = arith.constant 0 : i32
        %swap3A_736 = arith.constant 0 : i32
        %swap3A_737 = arith.constant 0 : i32
        %swap3A_738 = arith.constant 0 : i32
        %swap3A_739 = tpu.memref_slice %run_scoped3A_12[%rem3A_426, %swap3A_735, %swap3A_736, %swap3A_737, %swap3A_738] : memref<2x1x1x32x1000xf32, #tpu.memory_space<vmem>> -> memref<1x1x1x32x1000xf32, #tpu.memory_space<vmem>>
        %swap3A_740 = tpu.memref_squeeze %swap3A_739 : memref<1x1x1x32x1000xf32, #tpu.memory_space<vmem>> -> memref<1x1x32x1000xf32, #tpu.memory_space<vmem>>
        %swap3A_741 = arith.index_cast %swap3A_732 : i32 to index
        %swap3A_742 = arith.index_cast %swap3A_733 : i32 to index
        %swap3A_743 = arith.index_cast %swap3A_734 : i32 to index
        %swap3A_744 = arith.constant 984 : index
        %swap3A_745 = tpu.vector_load %swap3A_740[%swap3A_741, %swap3A_742, %swap3A_743, %swap3A_744] {strides = array<i32>} : memref<1x1x32x1000xf32, #tpu.memory_space<vmem>>, vector<16xf32>,
        tpu.vector_store %swap3A_740[%swap3A_741, %swap3A_742, %swap3A_743, %swap3A_744], %gather3A_731 {strides = array<i32>} : memref<1x1x32x1000xf32, #tpu.memory_space<vmem>>, vector<16xf32>,
        %add3A_746 = arith.constant 17 : i32
        %add3A_747 = vector.broadcast %add3A_746 : i32 to vector<16xi32>
        %add3A_748 = arith.addi %mul3A_441, %add3A_747 : vector<16xi32>
        %gather3A_749 = tpu.vector_load_idx %arg5[%add3A_748] : memref<33000xf32, #tpu.memory_space<vmem>>[vector<16xi32>], vector<16xf32>,
        %swap3A_750 = arith.constant 0 : i32
        %swap3A_751 = arith.constant 0 : i32
        %swap3A_752 = arith.constant 17 : i32
        %swap3A_753 = arith.constant 0 : i32
        %swap3A_754 = arith.constant 0 : i32
        %swap3A_755 = arith.constant 0 : i32
        %swap3A_756 = arith.constant 0 : i32
        %swap3A_757 = tpu.memref_slice %run_scoped3A_12[%rem3A_426, %swap3A_753, %swap3A_754, %swap3A_755, %swap3A_756] : memref<2x1x1x32x1000xf32, #tpu.memory_space<vmem>> -> memref<1x1x1x32x1000xf32, #tpu.memory_space<vmem>>
        %swap3A_758 = tpu.memref_squeeze %swap3A_757 : memref<1x1x1x32x1000xf32, #tpu.memory_space<vmem>> -> memref<1x1x32x1000xf32, #tpu.memory_space<vmem>>
        %swap3A_759 = arith.index_cast %swap3A_750 : i32 to index
        %swap3A_760 = arith.index_cast %swap3A_751 : i32 to index
        %swap3A_761 = arith.index_cast %swap3A_752 : i32 to index
        %swap3A_762 = arith.constant 984 : index
        %swap3A_763 = tpu.vector_load %swap3A_758[%swap3A_759, %swap3A_760, %swap3A_761, %swap3A_762] {strides = array<i32>} : memref<1x1x32x1000xf32, #tpu.memory_space<vmem>>, vector<16xf32>,
        tpu.vector_store %swap3A_758[%swap3A_759, %swap3A_760, %swap3A_761, %swap3A_762], %gather3A_749 {strides = array<i32>} : memref<1x1x32x1000xf32, #tpu.memory_space<vmem>>, vector<16xf32>,
        %add3A_764 = arith.constant 18 : i32
        %add3A_765 = vector.broadcast %add3A_764 : i32 to vector<16xi32>
        %add3A_766 = arith.addi %mul3A_441, %add3A_765 : vector<16xi32>
        %gather3A_767 = tpu.vector_load_idx %arg5[%add3A_766] : memref<33000xf32, #tpu.memory_space<vmem>>[vector<16xi32>], vector<16xf32>,
        %swap3A_768 = arith.constant 0 : i32
        %swap3A_769 = arith.constant 0 : i32
        %swap3A_770 = arith.constant 18 : i32
        %swap3A_771 = arith.constant 0 : i32
        %swap3A_772 = arith.constant 0 : i32
        %swap3A_773 = arith.constant 0 : i32
        %swap3A_774 = arith.constant 0 : i32
        %swap3A_775 = tpu.memref_slice %run_scoped3A_12[%rem3A_426, %swap3A_771, %swap3A_772, %swap3A_773, %swap3A_774] : memref<2x1x1x32x1000xf32, #tpu.memory_space<vmem>> -> memref<1x1x1x32x1000xf32, #tpu.memory_space<vmem>>
        %swap3A_776 = tpu.memref_squeeze %swap3A_775 : memref<1x1x1x32x1000xf32, #tpu.memory_space<vmem>> -> memref<1x1x32x1000xf32, #tpu.memory_space<vmem>>
        %swap3A_777 = arith.index_cast %swap3A_768 : i32 to index
        %swap3A_778 = arith.index_cast %swap3A_769 : i32 to index
        %swap3A_779 = arith.index_cast %swap3A_770 : i32 to index
        %swap3A_780 = arith.constant 984 : index
        %swap3A_781 = tpu.vector_load %swap3A_776[%swap3A_777, %swap3A_778, %swap3A_779, %swap3A_780] {strides = array<i32>} : memref<1x1x32x1000xf32, #tpu.memory_space<vmem>>, vector<16xf32>,
        tpu.vector_store %swap3A_776[%swap3A_777, %swap3A_778, %swap3A_779, %swap3A_780], %gather3A_767 {strides = array<i32>} : memref<1x1x32x1000xf32, #tpu.memory_space<vmem>>, vector<16xf32>,
        %add3A_782 = arith.constant 19 : i32
        %add3A_783 = vector.broadcast %add3A_782 : i32 to vector<16xi32>
        %add3A_784 = arith.addi %mul3A_441, %add3A_783 : vector<16xi32>
        %gather3A_785 = tpu.vector_load_idx %arg5[%add3A_784] : memref<33000xf32, #tpu.memory_space<vmem>>[vector<16xi32>], vector<16xf32>,
        %swap3A_786 = arith.constant 0 : i32
        %swap3A_787 = arith.constant 0 : i32
        %swap3A_788 = arith.constant 19 : i32
        %swap3A_789 = arith.constant 0 : i32
        %swap3A_790 = arith.constant 0 : i32
        %swap3A_791 = arith.constant 0 : i32
        %swap3A_792 = arith.constant 0 : i32
        %swap3A_793 = tpu.memref_slice %run_scoped3A_12[%rem3A_426, %swap3A_789, %swap3A_790, %swap3A_791, %swap3A_792] : memref<2x1x1x32x1000xf32, #tpu.memory_space<vmem>> -> memref<1x1x1x32x1000xf32, #tpu.memory_space<vmem>>
        %swap3A_794 = tpu.memref_squeeze %swap3A_793 : memref<1x1x1x32x1000xf32, #tpu.memory_space<vmem>> -> memref<1x1x32x1000xf32, #tpu.memory_space<vmem>>
        %swap3A_795 = arith.index_cast %swap3A_786 : i32 to index
        %swap3A_796 = arith.index_cast %swap3A_787 : i32 to index
        %swap3A_797 = arith.index_cast %swap3A_788 : i32 to index
        %swap3A_798 = arith.constant 984 : index
        %swap3A_799 = tpu.vector_load %swap3A_794[%swap3A_795, %swap3A_796, %swap3A_797, %swap3A_798] {strides = array<i32>} : memref<1x1x32x1000xf32, #tpu.memory_space<vmem>>, vector<16xf32>,
        tpu.vector_store %swap3A_794[%swap3A_795, %swap3A_796, %swap3A_797, %swap3A_798], %gather3A_785 {strides = array<i32>} : memref<1x1x32x1000xf32, #tpu.memory_space<vmem>>, vector<16xf32>,
        %add3A_800 = arith.constant 20 : i32
        %add3A_801 = vector.broadcast %add3A_800 : i32 to vector<16xi32>
        %add3A_802 = arith.addi %mul3A_441, %add3A_801 : vector<16xi32>
        %gather3A_803 = tpu.vector_load_idx %arg5[%add3A_802] : memref<33000xf32, #tpu.memory_space<vmem>>[vector<16xi32>], vector<16xf32>,
        %swap3A_804 = arith.constant 0 : i32
        %swap3A_805 = arith.constant 0 : i32
        %swap3A_806 = arith.constant 20 : i32
        %swap3A_807 = arith.constant 0 : i32
        %swap3A_808 = arith.constant 0 : i32
        %swap3A_809 = arith.constant 0 : i32
        %swap3A_810 = arith.constant 0 : i32
        %swap3A_811 = tpu.memref_slice %run_scoped3A_12[%rem3A_426, %swap3A_807, %swap3A_808, %swap3A_809, %swap3A_810] : memref<2x1x1x32x1000xf32, #tpu.memory_space<vmem>> -> memref<1x1x1x32x1000xf32, #tpu.memory_space<vmem>>
        %swap3A_812 = tpu.memref_squeeze %swap3A_811 : memref<1x1x1x32x1000xf32, #tpu.memory_space<vmem>> -> memref<1x1x32x1000xf32, #tpu.memory_space<vmem>>
        %swap3A_813 = arith.index_cast %swap3A_804 : i32 to index
        %swap3A_814 = arith.index_cast %swap3A_805 : i32 to index
        %swap3A_815 = arith.index_cast %swap3A_806 : i32 to index
        %swap3A_816 = arith.constant 984 : index
        %swap3A_817 = tpu.vector_load %swap3A_812[%swap3A_813, %swap3A_814, %swap3A_815, %swap3A_816] {strides = array<i32>} : memref<1x1x32x1000xf32, #tpu.memory_space<vmem>>, vector<16xf32>,
        tpu.vector_store %swap3A_812[%swap3A_813, %swap3A_814, %swap3A_815, %swap3A_816], %gather3A_803 {strides = array<i32>} : memref<1x1x32x1000xf32, #tpu.memory_space<vmem>>, vector<16xf32>,
        %add3A_818 = arith.constant 21 : i32
        %add3A_819 = vector.broadcast %add3A_818 : i32 to vector<16xi32>
        %add3A_820 = arith.addi %mul3A_441, %add3A_819 : vector<16xi32>
        %gather3A_821 = tpu.vector_load_idx %arg5[%add3A_820] : memref<33000xf32, #tpu.memory_space<vmem>>[vector<16xi32>], vector<16xf32>,
        %swap3A_822 = arith.constant 0 : i32
        %swap3A_823 = arith.constant 0 : i32
        %swap3A_824 = arith.constant 21 : i32
        %swap3A_825 = arith.constant 0 : i32
        %swap3A_826 = arith.constant 0 : i32
        %swap3A_827 = arith.constant 0 : i32
        %swap3A_828 = arith.constant 0 : i32
        %swap3A_829 = tpu.memref_slice %run_scoped3A_12[%rem3A_426, %swap3A_825, %swap3A_826, %swap3A_827, %swap3A_828] : memref<2x1x1x32x1000xf32, #tpu.memory_space<vmem>> -> memref<1x1x1x32x1000xf32, #tpu.memory_space<vmem>>
        %swap3A_830 = tpu.memref_squeeze %swap3A_829 : memref<1x1x1x32x1000xf32, #tpu.memory_space<vmem>> -> memref<1x1x32x1000xf32, #tpu.memory_space<vmem>>
        %swap3A_831 = arith.index_cast %swap3A_822 : i32 to index
        %swap3A_832 = arith.index_cast %swap3A_823 : i32 to index
        %swap3A_833 = arith.index_cast %swap3A_824 : i32 to index
        %swap3A_834 = arith.constant 984 : index
        %swap3A_835 = tpu.vector_load %swap3A_830[%swap3A_831, %swap3A_832, %swap3A_833, %swap3A_834] {strides = array<i32>} : memref<1x1x32x1000xf32, #tpu.memory_space<vmem>>, vector<16xf32>,
        tpu.vector_store %swap3A_830[%swap3A_831, %swap3A_832, %swap3A_833, %swap3A_834], %gather3A_821 {strides = array<i32>} : memref<1x1x32x1000xf32, #tpu.memory_space<vmem>>, vector<16xf32>,
        %add3A_836 = arith.constant 22 : i32
        %add3A_837 = vector.broadcast %add3A_836 : i32 to vector<16xi32>
        %add3A_838 = arith.addi %mul3A_441, %add3A_837 : vector<16xi32>
        %gather3A_839 = tpu.vector_load_idx %arg5[%add3A_838] : memref<33000xf32, #tpu.memory_space<vmem>>[vector<16xi32>], vector<16xf32>,
        %swap3A_840 = arith.constant 0 : i32
        %swap3A_841 = arith.constant 0 : i32
        %swap3A_842 = arith.constant 22 : i32
        %swap3A_843 = arith.constant 0 : i32
        %swap3A_844 = arith.constant 0 : i32
        %swap3A_845 = arith.constant 0 : i32
        %swap3A_846 = arith.constant 0 : i32
        %swap3A_847 = tpu.memref_slice %run_scoped3A_12[%rem3A_426, %swap3A_843, %swap3A_844, %swap3A_845, %swap3A_846] : memref<2x1x1x32x1000xf32, #tpu.memory_space<vmem>> -> memref<1x1x1x32x1000xf32, #tpu.memory_space<vmem>>
        %swap3A_848 = tpu.memref_squeeze %swap3A_847 : memref<1x1x1x32x1000xf32, #tpu.memory_space<vmem>> -> memref<1x1x32x1000xf32, #tpu.memory_space<vmem>>
        %swap3A_849 = arith.index_cast %swap3A_840 : i32 to index
        %swap3A_850 = arith.index_cast %swap3A_841 : i32 to index
        %swap3A_851 = arith.index_cast %swap3A_842 : i32 to index
        %swap3A_852 = arith.constant 984 : index
        %swap3A_853 = tpu.vector_load %swap3A_848[%swap3A_849, %swap3A_850, %swap3A_851, %swap3A_852] {strides = array<i32>} : memref<1x1x32x1000xf32, #tpu.memory_space<vmem>>, vector<16xf32>,
        tpu.vector_store %swap3A_848[%swap3A_849, %swap3A_850, %swap3A_851, %swap3A_852], %gather3A_839 {strides = array<i32>} : memref<1x1x32x1000xf32, #tpu.memory_space<vmem>>, vector<16xf32>,
        %add3A_854 = arith.constant 23 : i32
        %add3A_855 = vector.broadcast %add3A_854 : i32 to vector<16xi32>
        %add3A_856 = arith.addi %mul3A_441, %add3A_855 : vector<16xi32>
        %gather3A_857 = tpu.vector_load_idx %arg5[%add3A_856] : memref<33000xf32, #tpu.memory_space<vmem>>[vector<16xi32>], vector<16xf32>,
        %swap3A_858 = arith.constant 0 : i32
        %swap3A_859 = arith.constant 0 : i32
        %swap3A_860 = arith.constant 23 : i32
        %swap3A_861 = arith.constant 0 : i32
        %swap3A_862 = arith.constant 0 : i32
        %swap3A_863 = arith.constant 0 : i32
        %swap3A_864 = arith.constant 0 : i32
        %swap3A_865 = tpu.memref_slice %run_scoped3A_12[%rem3A_426, %swap3A_861, %swap3A_862, %swap3A_863, %swap3A_864] : memref<2x1x1x32x1000xf32, #tpu.memory_space<vmem>> -> memref<1x1x1x32x1000xf32, #tpu.memory_space<vmem>>
        %swap3A_866 = tpu.memref_squeeze %swap3A_865 : memref<1x1x1x32x1000xf32, #tpu.memory_space<vmem>> -> memref<1x1x32x1000xf32, #tpu.memory_space<vmem>>
        %swap3A_867 = arith.index_cast %swap3A_858 : i32 to index
        %swap3A_868 = arith.index_cast %swap3A_859 : i32 to index
        %swap3A_869 = arith.index_cast %swap3A_860 : i32 to index
        %swap3A_870 = arith.constant 984 : index
        %swap3A_871 = tpu.vector_load %swap3A_866[%swap3A_867, %swap3A_868, %swap3A_869, %swap3A_870] {strides = array<i32>} : memref<1x1x32x1000xf32, #tpu.memory_space<vmem>>, vector<16xf32>,
        tpu.vector_store %swap3A_866[%swap3A_867, %swap3A_868, %swap3A_869, %swap3A_870], %gather3A_857 {strides = array<i32>} : memref<1x1x32x1000xf32, #tpu.memory_space<vmem>>, vector<16xf32>,
        %add3A_872 = arith.constant 24 : i32
        %add3A_873 = vector.broadcast %add3A_872 : i32 to vector<16xi32>
        %add3A_874 = arith.addi %mul3A_441, %add3A_873 : vector<16xi32>
        %gather3A_875 = tpu.vector_load_idx %arg5[%add3A_874] : memref<33000xf32, #tpu.memory_space<vmem>>[vector<16xi32>], vector<16xf32>,
        %swap3A_876 = arith.constant 0 : i32
        %swap3A_877 = arith.constant 0 : i32
        %swap3A_878 = arith.constant 24 : i32
        %swap3A_879 = arith.constant 0 : i32
        %swap3A_880 = arith.constant 0 : i32
        %swap3A_881 = arith.constant 0 : i32
        %swap3A_882 = arith.constant 0 : i32
        %swap3A_883 = tpu.memref_slice %run_scoped3A_12[%rem3A_426, %swap3A_879, %swap3A_880, %swap3A_881, %swap3A_882] : memref<2x1x1x32x1000xf32, #tpu.memory_space<vmem>> -> memref<1x1x1x32x1000xf32, #tpu.memory_space<vmem>>
        %swap3A_884 = tpu.memref_squeeze %swap3A_883 : memref<1x1x1x32x1000xf32, #tpu.memory_space<vmem>> -> memref<1x1x32x1000xf32, #tpu.memory_space<vmem>>
        %swap3A_885 = arith.index_cast %swap3A_876 : i32 to index
        %swap3A_886 = arith.index_cast %swap3A_877 : i32 to index
        %swap3A_887 = arith.index_cast %swap3A_878 : i32 to index
        %swap3A_888 = arith.constant 984 : index
        %swap3A_889 = tpu.vector_load %swap3A_884[%swap3A_885, %swap3A_886, %swap3A_887, %swap3A_888] {strides = array<i32>} : memref<1x1x32x1000xf32, #tpu.memory_space<vmem>>, vector<16xf32>,
        tpu.vector_store %swap3A_884[%swap3A_885, %swap3A_886, %swap3A_887, %swap3A_888], %gather3A_875 {strides = array<i32>} : memref<1x1x32x1000xf32, #tpu.memory_space<vmem>>, vector<16xf32>,
        %add3A_890 = arith.constant 25 : i32
        %add3A_891 = vector.broadcast %add3A_890 : i32 to vector<16xi32>
        %add3A_892 = arith.addi %mul3A_441, %add3A_891 : vector<16xi32>
        %gather3A_893 = tpu.vector_load_idx %arg5[%add3A_892] : memref<33000xf32, #tpu.memory_space<vmem>>[vector<16xi32>], vector<16xf32>,
        %swap3A_894 = arith.constant 0 : i32
        %swap3A_895 = arith.constant 0 : i32
        %swap3A_896 = arith.constant 25 : i32
        %swap3A_897 = arith.constant 0 : i32
        %swap3A_898 = arith.constant 0 : i32
        %swap3A_899 = arith.constant 0 : i32
        %swap3A_900 = arith.constant 0 : i32
        %swap3A_901 = tpu.memref_slice %run_scoped3A_12[%rem3A_426, %swap3A_897, %swap3A_898, %swap3A_899, %swap3A_900] : memref<2x1x1x32x1000xf32, #tpu.memory_space<vmem>> -> memref<1x1x1x32x1000xf32, #tpu.memory_space<vmem>>
        %swap3A_902 = tpu.memref_squeeze %swap3A_901 : memref<1x1x1x32x1000xf32, #tpu.memory_space<vmem>> -> memref<1x1x32x1000xf32, #tpu.memory_space<vmem>>
        %swap3A_903 = arith.index_cast %swap3A_894 : i32 to index
        %swap3A_904 = arith.index_cast %swap3A_895 : i32 to index
        %swap3A_905 = arith.index_cast %swap3A_896 : i32 to index
        %swap3A_906 = arith.constant 984 : index
        %swap3A_907 = tpu.vector_load %swap3A_902[%swap3A_903, %swap3A_904, %swap3A_905, %swap3A_906] {strides = array<i32>} : memref<1x1x32x1000xf32, #tpu.memory_space<vmem>>, vector<16xf32>,
        tpu.vector_store %swap3A_902[%swap3A_903, %swap3A_904, %swap3A_905, %swap3A_906], %gather3A_893 {strides = array<i32>} : memref<1x1x32x1000xf32, #tpu.memory_space<vmem>>, vector<16xf32>,
        %add3A_908 = arith.constant 26 : i32
        %add3A_909 = vector.broadcast %add3A_908 : i32 to vector<16xi32>
        %add3A_910 = arith.addi %mul3A_441, %add3A_909 : vector<16xi32>
        %gather3A_911 = tpu.vector_load_idx %arg5[%add3A_910] : memref<33000xf32, #tpu.memory_space<vmem>>[vector<16xi32>], vector<16xf32>,
        %swap3A_912 = arith.constant 0 : i32
        %swap3A_913 = arith.constant 0 : i32
        %swap3A_914 = arith.constant 26 : i32
        %swap3A_915 = arith.constant 0 : i32
        %swap3A_916 = arith.constant 0 : i32
        %swap3A_917 = arith.constant 0 : i32
        %swap3A_918 = arith.constant 0 : i32
        %swap3A_919 = tpu.memref_slice %run_scoped3A_12[%rem3A_426, %swap3A_915, %swap3A_916, %swap3A_917, %swap3A_918] : memref<2x1x1x32x1000xf32, #tpu.memory_space<vmem>> -> memref<1x1x1x32x1000xf32, #tpu.memory_space<vmem>>
        %swap3A_920 = tpu.memref_squeeze %swap3A_919 : memref<1x1x1x32x1000xf32, #tpu.memory_space<vmem>> -> memref<1x1x32x1000xf32, #tpu.memory_space<vmem>>
        %swap3A_921 = arith.index_cast %swap3A_912 : i32 to index
        %swap3A_922 = arith.index_cast %swap3A_913 : i32 to index
        %swap3A_923 = arith.index_cast %swap3A_914 : i32 to index
        %swap3A_924 = arith.constant 984 : index
        %swap3A_925 = tpu.vector_load %swap3A_920[%swap3A_921, %swap3A_922, %swap3A_923, %swap3A_924] {strides = array<i32>} : memref<1x1x32x1000xf32, #tpu.memory_space<vmem>>, vector<16xf32>,
        tpu.vector_store %swap3A_920[%swap3A_921, %swap3A_922, %swap3A_923, %swap3A_924], %gather3A_911 {strides = array<i32>} : memref<1x1x32x1000xf32, #tpu.memory_space<vmem>>, vector<16xf32>,
        %add3A_926 = arith.constant 27 : i32
        %add3A_927 = vector.broadcast %add3A_926 : i32 to vector<16xi32>
        %add3A_928 = arith.addi %mul3A_441, %add3A_927 : vector<16xi32>
        %gather3A_929 = tpu.vector_load_idx %arg5[%add3A_928] : memref<33000xf32, #tpu.memory_space<vmem>>[vector<16xi32>], vector<16xf32>,
        %swap3A_930 = arith.constant 0 : i32
        %swap3A_931 = arith.constant 0 : i32
        %swap3A_932 = arith.constant 27 : i32
        %swap3A_933 = arith.constant 0 : i32
        %swap3A_934 = arith.constant 0 : i32
        %swap3A_935 = arith.constant 0 : i32
        %swap3A_936 = arith.constant 0 : i32
        %swap3A_937 = tpu.memref_slice %run_scoped3A_12[%rem3A_426, %swap3A_933, %swap3A_934, %swap3A_935, %swap3A_936] : memref<2x1x1x32x1000xf32, #tpu.memory_space<vmem>> -> memref<1x1x1x32x1000xf32, #tpu.memory_space<vmem>>
        %swap3A_938 = tpu.memref_squeeze %swap3A_937 : memref<1x1x1x32x1000xf32, #tpu.memory_space<vmem>> -> memref<1x1x32x1000xf32, #tpu.memory_space<vmem>>
        %swap3A_939 = arith.index_cast %swap3A_930 : i32 to index
        %swap3A_940 = arith.index_cast %swap3A_931 : i32 to index
        %swap3A_941 = arith.index_cast %swap3A_932 : i32 to index
        %swap3A_942 = arith.constant 984 : index
        %swap3A_943 = tpu.vector_load %swap3A_938[%swap3A_939, %swap3A_940, %swap3A_941, %swap3A_942] {strides = array<i32>} : memref<1x1x32x1000xf32, #tpu.memory_space<vmem>>, vector<16xf32>,
        tpu.vector_store %swap3A_938[%swap3A_939, %swap3A_940, %swap3A_941, %swap3A_942], %gather3A_929 {strides = array<i32>} : memref<1x1x32x1000xf32, #tpu.memory_space<vmem>>, vector<16xf32>,
        %add3A_944 = arith.constant 28 : i32
        %add3A_945 = vector.broadcast %add3A_944 : i32 to vector<16xi32>
        %add3A_946 = arith.addi %mul3A_441, %add3A_945 : vector<16xi32>
        %gather3A_947 = tpu.vector_load_idx %arg5[%add3A_946] : memref<33000xf32, #tpu.memory_space<vmem>>[vector<16xi32>], vector<16xf32>,
        %swap3A_948 = arith.constant 0 : i32
        %swap3A_949 = arith.constant 0 : i32
        %swap3A_950 = arith.constant 28 : i32
        %swap3A_951 = arith.constant 0 : i32
        %swap3A_952 = arith.constant 0 : i32
        %swap3A_953 = arith.constant 0 : i32
        %swap3A_954 = arith.constant 0 : i32
        %swap3A_955 = tpu.memref_slice %run_scoped3A_12[%rem3A_426, %swap3A_951, %swap3A_952, %swap3A_953, %swap3A_954] : memref<2x1x1x32x1000xf32, #tpu.memory_space<vmem>> -> memref<1x1x1x32x1000xf32, #tpu.memory_space<vmem>>
        %swap3A_956 = tpu.memref_squeeze %swap3A_955 : memref<1x1x1x32x1000xf32, #tpu.memory_space<vmem>> -> memref<1x1x32x1000xf32, #tpu.memory_space<vmem>>
        %swap3A_957 = arith.index_cast %swap3A_948 : i32 to index
        %swap3A_958 = arith.index_cast %swap3A_949 : i32 to index
        %swap3A_959 = arith.index_cast %swap3A_950 : i32 to index
        %swap3A_960 = arith.constant 984 : index
        %swap3A_961 = tpu.vector_load %swap3A_956[%swap3A_957, %swap3A_958, %swap3A_959, %swap3A_960] {strides = array<i32>} : memref<1x1x32x1000xf32, #tpu.memory_space<vmem>>, vector<16xf32>,
        tpu.vector_store %swap3A_956[%swap3A_957, %swap3A_958, %swap3A_959, %swap3A_960], %gather3A_947 {strides = array<i32>} : memref<1x1x32x1000xf32, #tpu.memory_space<vmem>>, vector<16xf32>,
        %add3A_962 = arith.constant 29 : i32
        %add3A_963 = vector.broadcast %add3A_962 : i32 to vector<16xi32>
        %add3A_964 = arith.addi %mul3A_441, %add3A_963 : vector<16xi32>
        %gather3A_965 = tpu.vector_load_idx %arg5[%add3A_964] : memref<33000xf32, #tpu.memory_space<vmem>>[vector<16xi32>], vector<16xf32>,
        %swap3A_966 = arith.constant 0 : i32
        %swap3A_967 = arith.constant 0 : i32
        %swap3A_968 = arith.constant 29 : i32
        %swap3A_969 = arith.constant 0 : i32
        %swap3A_970 = arith.constant 0 : i32
        %swap3A_971 = arith.constant 0 : i32
        %swap3A_972 = arith.constant 0 : i32
        %swap3A_973 = tpu.memref_slice %run_scoped3A_12[%rem3A_426, %swap3A_969, %swap3A_970, %swap3A_971, %swap3A_972] : memref<2x1x1x32x1000xf32, #tpu.memory_space<vmem>> -> memref<1x1x1x32x1000xf32, #tpu.memory_space<vmem>>
        %swap3A_974 = tpu.memref_squeeze %swap3A_973 : memref<1x1x1x32x1000xf32, #tpu.memory_space<vmem>> -> memref<1x1x32x1000xf32, #tpu.memory_space<vmem>>
        %swap3A_975 = arith.index_cast %swap3A_966 : i32 to index
        %swap3A_976 = arith.index_cast %swap3A_967 : i32 to index
        %swap3A_977 = arith.index_cast %swap3A_968 : i32 to index
        %swap3A_978 = arith.constant 984 : index
        %swap3A_979 = tpu.vector_load %swap3A_974[%swap3A_975, %swap3A_976, %swap3A_977, %swap3A_978] {strides = array<i32>} : memref<1x1x32x1000xf32, #tpu.memory_space<vmem>>, vector<16xf32>,
        tpu.vector_store %swap3A_974[%swap3A_975, %swap3A_976, %swap3A_977, %swap3A_978], %gather3A_965 {strides = array<i32>} : memref<1x1x32x1000xf32, #tpu.memory_space<vmem>>, vector<16xf32>,
        %add3A_980 = arith.constant 30 : i32
        %add3A_981 = vector.broadcast %add3A_980 : i32 to vector<16xi32>
        %add3A_982 = arith.addi %mul3A_441, %add3A_981 : vector<16xi32>
        %gather3A_983 = tpu.vector_load_idx %arg5[%add3A_982] : memref<33000xf32, #tpu.memory_space<vmem>>[vector<16xi32>], vector<16xf32>,
        %swap3A_984 = arith.constant 0 : i32
        %swap3A_985 = arith.constant 0 : i32
        %swap3A_986 = arith.constant 30 : i32
        %swap3A_987 = arith.constant 0 : i32
        %swap3A_988 = arith.constant 0 : i32
        %swap3A_989 = arith.constant 0 : i32
        %swap3A_990 = arith.constant 0 : i32
        %swap3A_991 = tpu.memref_slice %run_scoped3A_12[%rem3A_426, %swap3A_987, %swap3A_988, %swap3A_989, %swap3A_990] : memref<2x1x1x32x1000xf32, #tpu.memory_space<vmem>> -> memref<1x1x1x32x1000xf32, #tpu.memory_space<vmem>>
        %swap3A_992 = tpu.memref_squeeze %swap3A_991 : memref<1x1x1x32x1000xf32, #tpu.memory_space<vmem>> -> memref<1x1x32x1000xf32, #tpu.memory_space<vmem>>
        %swap3A_993 = arith.index_cast %swap3A_984 : i32 to index
        %swap3A_994 = arith.index_cast %swap3A_985 : i32 to index
        %swap3A_995 = arith.index_cast %swap3A_986 : i32 to index
        %swap3A_996 = arith.constant 984 : index
        %swap3A_997 = tpu.vector_load %swap3A_992[%swap3A_993, %swap3A_994, %swap3A_995, %swap3A_996] {strides = array<i32>} : memref<1x1x32x1000xf32, #tpu.memory_space<vmem>>, vector<16xf32>,
        tpu.vector_store %swap3A_992[%swap3A_993, %swap3A_994, %swap3A_995, %swap3A_996], %gather3A_983 {strides = array<i32>} : memref<1x1x32x1000xf32, #tpu.memory_space<vmem>>, vector<16xf32>,
        %add3A_998 = arith.constant 31 : i32
        %add3A_999 = vector.broadcast %add3A_998 : i32 to vector<16xi32>
        %add3A_1000 = arith.addi %mul3A_441, %add3A_999 : vector<16xi32>
        %gather3A_1001 = tpu.vector_load_idx %arg5[%add3A_1000] : memref<33000xf32, #tpu.memory_space<vmem>>[vector<16xi32>], vector<16xf32>,
        %swap3A_1002 = arith.constant 0 : i32
        %swap3A_1003 = arith.constant 0 : i32
        %swap3A_1004 = arith.constant 31 : i32
        %swap3A_1005 = arith.constant 0 : i32
        %swap3A_1006 = arith.constant 0 : i32
        %swap3A_1007 = arith.constant 0 : i32
        %swap3A_1008 = arith.constant 0 : i32
        %swap3A_1009 = tpu.memref_slice %run_scoped3A_12[%rem3A_426, %swap3A_1005, %swap3A_1006, %swap3A_1007, %swap3A_1008] : memref<2x1x1x32x1000xf32, #tpu.memory_space<vmem>> -> memref<1x1x1x32x1000xf32, #tpu.memory_space<vmem>>
        %swap3A_1010 = tpu.memref_squeeze %swap3A_1009 : memref<1x1x1x32x1000xf32, #tpu.memory_space<vmem>> -> memref<1x1x32x1000xf32, #tpu.memory_space<vmem>>
        %swap3A_1011 = arith.index_cast %swap3A_1002 : i32 to index
        %swap3A_1012 = arith.index_cast %swap3A_1003 : i32 to index
        %swap3A_1013 = arith.index_cast %swap3A_1004 : i32 to index
        %swap3A_1014 = arith.constant 984 : index
        %swap3A_1015 = tpu.vector_load %swap3A_1010[%swap3A_1011, %swap3A_1012, %swap3A_1013, %swap3A_1014] {strides = array<i32>} : memref<1x1x32x1000xf32, #tpu.memory_space<vmem>>, vector<16xf32>,
        tpu.vector_store %swap3A_1010[%swap3A_1011, %swap3A_1012, %swap3A_1013, %swap3A_1014], %gather3A_1001 {strides = array<i32>} : memref<1x1x32x1000xf32, #tpu.memory_space<vmem>>, vector<16xf32>,
        "tpu.trace_stop"() : () -> ()
        %ne3A_1016 = arith.cmpi ne, %add3A_182, %add3A_200 : i32
        %or3A_1017 = arith.constant false
        %or3A_1018 = arith.ori %or3A_1017, %ne3A_1016 : i1
        %or3A_1019 = arith.constant false
        %or3A_1020 = arith.ori %or3A_1018, %or3A_1019 : i1
        %or3A_1021 = arith.constant false
        %or3A_1022 = arith.ori %or3A_1020, %or3A_1021 : i1
        %or3A_1023 = arith.ori %or3A_1022, %eq3A_181 : i1
        %convert_element_type3A_1024 = arith.extui %or3A_1023 : i1 to i32
        %cond3A_1025 = arith.constant 0 : i32
        %cond3A_1026 = arith.cmpi ne, %convert_element_type3A_1024, %cond3A_1025 : i32
        scf.if %cond3A_1026 {
        } else {
        }
        %and3A_1027 = arith.constant false
        %and3A_1028 = arith.andi %or3A_1023, %and3A_1027 : i1
        %jit3A_1029 = arith.constant 20 : i32
        %div3A_1030 = arith.divsi %add3A_182, %jit3A_1029 : i32
        %sign3A_1031 = arith.constant 0 : i32
        %sign3A_1032 = arith.cmpi sgt, %add3A_182, %sign3A_1031 : i32
        %sign3A_1033 = arith.extui %sign3A_1032 : i1 to i32
        %sign3A_1034 = arith.constant 0 : i32
        %sign3A_1035 = arith.cmpi slt, %add3A_182, %sign3A_1034 : i32
        %sign3A_1036 = arith.extui %sign3A_1035 : i1 to i32
        %sign3A_1037 = arith.subi %sign3A_1033, %sign3A_1036 : i32
        %sign3A_1038 = arith.constant 0 : i32
        %sign3A_1039 = arith.cmpi sgt, %jit3A_1029, %sign3A_1038 : i32
        %sign3A_1040 = arith.extui %sign3A_1039 : i1 to i32
        %sign3A_1041 = arith.constant 0 : i32
        %sign3A_1042 = arith.cmpi slt, %jit3A_1029, %sign3A_1041 : i32
        %sign3A_1043 = arith.extui %sign3A_1042 : i1 to i32
        %sign3A_1044 = arith.subi %sign3A_1040, %sign3A_1043 : i32
        %ne3A_1045 = arith.cmpi ne, %sign3A_1037, %sign3A_1044 : i32
        %rem3A_1046 = arith.remsi %add3A_182, %jit3A_1029 : i32
        %ne3A_1047 = arith.constant 0 : i32
        %ne3A_1048 = arith.cmpi ne, %rem3A_1046, %ne3A_1047 : i32
        %and3A_1049 = arith.andi %ne3A_1045, %ne3A_1048 : i1
        %sub3A_1050 = arith.constant 1 : i32
        %sub3A_1051 = arith.subi %div3A_1030, %sub3A_1050 : i32
        %select_n3A_1052 = arith.select %and3A_1049, %sub3A_1051, %div3A_1030 : i32
        %jit3A_1053 = arith.constant 20 : i32
        %eq3A_1054 = arith.constant 0 : i32
        %eq3A_1055 = arith.cmpi eq, %jit3A_1053, %eq3A_1054 : i32
        %jit3A_1056 = arith.constant 1 : i32
        %select_n3A_1057 = arith.select %eq3A_1055, %jit3A_1056, %jit3A_1053 : i32
        %rem3A_1058 = arith.remsi %add3A_182, %select_n3A_1057 : i32
        %ne3A_1059 = arith.constant 0 : i32
        %ne3A_1060 = arith.cmpi ne, %rem3A_1058, %ne3A_1059 : i32
        %lt3A_1061 = arith.constant 0 : i32
        %lt3A_1062 = arith.cmpi slt, %rem3A_1058, %lt3A_1061 : i32
        %lt3A_1063 = arith.constant 0 : i32
        %lt3A_1064 = arith.cmpi slt, %select_n3A_1057, %lt3A_1063 : i32
        %ne3A_1065 = arith.xori %lt3A_1062, %lt3A_1064 : i1
        %and3A_1066 = arith.andi %ne3A_1065, %ne3A_1060 : i1
        %add3A_1067 = arith.addi %rem3A_1058, %select_n3A_1057 : i32
        %select_n3A_1068 = arith.select %and3A_1066, %add3A_1067, %rem3A_1058 : i32
        %jit3A_1069 = arith.constant 20 : i32
        %div3A_1070 = arith.divsi %add3A_200, %jit3A_1069 : i32
        %sign3A_1071 = arith.constant 0 : i32
        %sign3A_1072 = arith.cmpi sgt, %add3A_200, %sign3A_1071 : i32
        %sign3A_1073 = arith.extui %sign3A_1072 : i1 to i32
        %sign3A_1074 = arith.constant 0 : i32
        %sign3A_1075 = arith.cmpi slt, %add3A_200, %sign3A_1074 : i32
        %sign3A_1076 = arith.extui %sign3A_1075 : i1 to i32
        %sign3A_1077 = arith.subi %sign3A_1073, %sign3A_1076 : i32
        %sign3A_1078 = arith.constant 0 : i32
        %sign3A_1079 = arith.cmpi sgt, %jit3A_1069, %sign3A_1078 : i32
        %sign3A_1080 = arith.extui %sign3A_1079 : i1 to i32
        %sign3A_1081 = arith.constant 0 : i32
        %sign3A_1082 = arith.cmpi slt, %jit3A_1069, %sign3A_1081 : i32
        %sign3A_1083 = arith.extui %sign3A_1082 : i1 to i32
        %sign3A_1084 = arith.subi %sign3A_1080, %sign3A_1083 : i32
        %ne3A_1085 = arith.cmpi ne, %sign3A_1077, %sign3A_1084 : i32
        %rem3A_1086 = arith.remsi %add3A_200, %jit3A_1069 : i32
        %ne3A_1087 = arith.constant 0 : i32
        %ne3A_1088 = arith.cmpi ne, %rem3A_1086, %ne3A_1087 : i32
        %and3A_1089 = arith.andi %ne3A_1085, %ne3A_1088 : i1
        %sub3A_1090 = arith.constant 1 : i32
        %sub3A_1091 = arith.subi %div3A_1070, %sub3A_1090 : i32
        %select_n3A_1092 = arith.select %and3A_1089, %sub3A_1091, %div3A_1070 : i32
        %jit3A_1093 = arith.constant 20 : i32
        %eq3A_1094 = arith.constant 0 : i32
        %eq3A_1095 = arith.cmpi eq, %jit3A_1093, %eq3A_1094 : i32
        %jit3A_1096 = arith.constant 1 : i32
        %select_n3A_1097 = arith.select %eq3A_1095, %jit3A_1096, %jit3A_1093 : i32
        %rem3A_1098 = arith.remsi %add3A_200, %select_n3A_1097 : i32
        %ne3A_1099 = arith.constant 0 : i32
        %ne3A_1100 = arith.cmpi ne, %rem3A_1098, %ne3A_1099 : i32
        %lt3A_1101 = arith.constant 0 : i32
        %lt3A_1102 = arith.cmpi slt, %rem3A_1098, %lt3A_1101 : i32
        %lt3A_1103 = arith.constant 0 : i32
        %lt3A_1104 = arith.cmpi slt, %select_n3A_1097, %lt3A_1103 : i32
        %ne3A_1105 = arith.xori %lt3A_1102, %lt3A_1104 : i1
        %and3A_1106 = arith.andi %ne3A_1105, %ne3A_1100 : i1
        %add3A_1107 = arith.addi %rem3A_1098, %select_n3A_1097 : i32
        %select_n3A_1108 = arith.select %and3A_1106, %add3A_1107, %rem3A_1098 : i32
        %ne3A_1109 = arith.cmpi ne, %select_n3A_1052, %select_n3A_1092 : i32
        %ne3A_1110 = arith.cmpi ne, %select_n3A_1068, %select_n3A_1108 : i32
        %or3A_1111 = arith.constant false
        %or3A_1112 = arith.ori %or3A_1111, %ne3A_1109 : i1
        %or3A_1113 = arith.ori %or3A_1112, %ne3A_1110 : i1
        %or3A_1114 = arith.constant false
        %or3A_1115 = arith.ori %or3A_1113, %or3A_1114 : i1
        %or3A_1116 = arith.constant false
        %or3A_1117 = arith.ori %or3A_1115, %or3A_1116 : i1
        %or3A_1118 = arith.ori %or3A_1117, %eq3A_181 : i1
        %convert_element_type3A_1119 = arith.extui %or3A_1118 : i1 to i32
        %cond3A_1120 = arith.constant 0 : i32
        %cond3A_1121 = arith.cmpi ne, %convert_element_type3A_1119, %cond3A_1120 : i32
        scf.if %cond3A_1121 {
          "tpu.trace_start"() <{level = 10 : i32, message = "ep_copy_out"}> : () -> ()
          %rem3A_1261 = arith.constant 2 : i32
          %rem3A_1262 = arith.remui %scan3A_175, %rem3A_1261 : i32
          %jit3A_1263 = arith.constant 20 : i32
          %div3A_1264 = arith.divsi %add3A_182, %jit3A_1263 : i32
          %sign3A_1265 = arith.constant 0 : i32
          %sign3A_1266 = arith.cmpi sgt, %add3A_182, %sign3A_1265 : i32
          %sign3A_1267 = arith.extui %sign3A_1266 : i1 to i32
          %sign3A_1268 = arith.constant 0 : i32
          %sign3A_1269 = arith.cmpi slt, %add3A_182, %sign3A_1268 : i32
          %sign3A_1270 = arith.extui %sign3A_1269 : i1 to i32
          %sign3A_1271 = arith.subi %sign3A_1267, %sign3A_1270 : i32
          %sign3A_1272 = arith.constant 0 : i32
          %sign3A_1273 = arith.cmpi sgt, %jit3A_1263, %sign3A_1272 : i32
          %sign3A_1274 = arith.extui %sign3A_1273 : i1 to i32
          %sign3A_1275 = arith.constant 0 : i32
          %sign3A_1276 = arith.cmpi slt, %jit3A_1263, %sign3A_1275 : i32
          %sign3A_1277 = arith.extui %sign3A_1276 : i1 to i32
          %sign3A_1278 = arith.subi %sign3A_1274, %sign3A_1277 : i32
          %ne3A_1279 = arith.cmpi ne, %sign3A_1271, %sign3A_1278 : i32
          %rem3A_1280 = arith.remsi %add3A_182, %jit3A_1263 : i32
          %ne3A_1281 = arith.constant 0 : i32
          %ne3A_1282 = arith.cmpi ne, %rem3A_1280, %ne3A_1281 : i32
          %and3A_1283 = arith.andi %ne3A_1279, %ne3A_1282 : i1
          %sub3A_1284 = arith.constant 1 : i32
          %sub3A_1285 = arith.subi %div3A_1264, %sub3A_1284 : i32
          %select_n3A_1286 = arith.select %and3A_1283, %sub3A_1285, %div3A_1264 : i32
          %jit3A_1287 = arith.constant 20 : i32
          %eq3A_1288 = arith.constant 0 : i32
          %eq3A_1289 = arith.cmpi eq, %jit3A_1287, %eq3A_1288 : i32
          %jit3A_1290 = arith.constant 1 : i32
          %select_n3A_1291 = arith.select %eq3A_1289, %jit3A_1290, %jit3A_1287 : i32
          %rem3A_1292 = arith.remsi %add3A_182, %select_n3A_1291 : i32
          %ne3A_1293 = arith.constant 0 : i32
          %ne3A_1294 = arith.cmpi ne, %rem3A_1292, %ne3A_1293 : i32
          %lt3A_1295 = arith.constant 0 : i32
          %lt3A_1296 = arith.cmpi slt, %rem3A_1292, %lt3A_1295 : i32
          %lt3A_1297 = arith.constant 0 : i32
          %lt3A_1298 = arith.cmpi slt, %select_n3A_1291, %lt3A_1297 : i32
          %ne3A_1299 = arith.xori %lt3A_1296, %lt3A_1298 : i1
          %and3A_1300 = arith.andi %ne3A_1299, %ne3A_1294 : i1
          %add3A_1301 = arith.addi %rem3A_1292, %select_n3A_1291 : i32
          %select_n3A_1302 = arith.select %and3A_1300, %add3A_1301, %rem3A_1292 : i32
          %mul3A_1303 = arith.constant 1 : i32
          %mul3A_1304 = arith.muli %mul3A_1303, %select_n3A_1286 : i32
          %mul3A_1305 = arith.constant 1 : i32
          %mul3A_1306 = arith.muli %mul3A_1305, %select_n3A_1302 : i32
          %dma_start3A_1307 = arith.constant 0 : i32
          %dma_start3A_1308 = arith.constant 0 : i32
          %dma_start3A_1309 = arith.constant 0 : i32
          %dma_start3A_1310 = arith.constant 0 : i32
          %dma_start3A_1311 = tpu.memref_slice %run_scoped3A_12[%rem3A_1262, %dma_start3A_1307, %dma_start3A_1308, %dma_start3A_1309, %dma_start3A_1310] : memref<2x1x1x32x1000xf32, #tpu.memory_space<vmem>> -> memref<1x1x1x32x1000xf32, #tpu.memory_space<vmem>>
          %dma_start3A_1312 = tpu.memref_squeeze %dma_start3A_1311 : memref<1x1x1x32x1000xf32, #tpu.memory_space<vmem>> -> memref<1x1x32x1000xf32, #tpu.memory_space<vmem>>
          %dma_start3A_1313 = arith.constant 0 : i32
          %dma_start3A_1314 = arith.constant 0 : i32
          %dma_start3A_1315 = tpu.memref_slice %arg4[%mul3A_1304, %mul3A_1306, %dma_start3A_1313, %dma_start3A_1314] : memref<64x20x32x1000xf32, #tpu.memory_space<hbm>> -> memref<1x1x32x1000xf32, #tpu.memory_space<hbm>>
          %dma_start3A_1316 = tpu.memref_slice %run_scoped3A_13[%rem3A_1262] : memref<2x!tpu.dma_semaphore, #tpu.memory_space<semaphore_mem>> -> memref<1x!tpu.dma_semaphore, #tpu.memory_space<semaphore_mem>>
          %dma_start3A_1317 = tpu.memref_squeeze %dma_start3A_1316 : memref<1x!tpu.dma_semaphore, #tpu.memory_space<semaphore_mem>> -> memref<!tpu.dma_semaphore, #tpu.memory_space<semaphore_mem>>
          %dma_start3A_1318 = arith.constant 0 : i32
          %dma_start3A_1319 = arith.constant 0 : i32
          %dma_start3A_1320 = tpu.memref_slice %arg4[%mul3A_1304, %mul3A_1306, %dma_start3A_1318, %dma_start3A_1319] : memref<64x20x32x1000xf32, #tpu.memory_space<hbm>> -> memref<1x1x32x1000xf32, #tpu.memory_space<hbm>>
          %dma_start3A_1321 = arith.constant 0 : i32
          %dma_start3A_1322 = arith.constant 0 : i32
          %dma_start3A_1323 = arith.constant 0 : i32
          %dma_start3A_1324 = arith.constant 0 : i32
          %dma_start3A_1325 = tpu.memref_slice %run_scoped3A_12[%rem3A_1262, %dma_start3A_1321, %dma_start3A_1322, %dma_start3A_1323, %dma_start3A_1324] : memref<2x1x1x32x1000xf32, #tpu.memory_space<vmem>> -> memref<1x1x1x32x1000xf32, #tpu.memory_space<vmem>>
          %dma_start3A_1326 = tpu.memref_squeeze %dma_start3A_1325 : memref<1x1x1x32x1000xf32, #tpu.memory_space<vmem>> -> memref<1x1x32x1000xf32, #tpu.memory_space<vmem>>
          tpu.enqueue_dma source(%dma_start3A_1326 : memref<1x1x32x1000xf32, #tpu.memory_space<vmem>>) target(%dma_start3A_1320 : memref<1x1x32x1000xf32, #tpu.memory_space<hbm>>) target_semaphore(%dma_start3A_1317 : memref<!tpu.dma_semaphore, #tpu.memory_space<semaphore_mem>>)
          "tpu.trace_stop"() : () -> ()
        } else {
        }
        %and3A_1122 = arith.constant true
        %and3A_1123 = arith.andi %or3A_1118, %and3A_1122 : i1
        %add3A_1124 = arith.constant 1 : i32
        %add3A_1125 = arith.addi %scan3A_175, %add3A_1124 : i32
        %select_n3A_1126 = arith.select %and3A_1123, %add3A_1125, %scan3A_175 : i32
        %ne3A_1127 = arith.cmpi ne, %add3A_182, %add3A_191 : i32
        %or3A_1128 = arith.constant false
        %or3A_1129 = arith.ori %or3A_1128, %ne3A_1127 : i1
        %or3A_1130 = arith.constant false
        %or3A_1131 = arith.ori %or3A_1129, %or3A_1130 : i1
        %or3A_1132 = arith.constant false
        %or3A_1133 = arith.ori %or3A_1131, %or3A_1132 : i1
        %not3A_1134 = arith.constant true
        %not3A_1135 = arith.xori %eq3A_179, %not3A_1134 : i1
        %and3A_1136 = arith.andi %or3A_1133, %not3A_1135 : i1
        %convert_element_type3A_1137 = arith.extui %and3A_1136 : i1 to i32
        %cond3A_1138 = arith.constant 0 : i32
        %cond3A_1139 = arith.cmpi ne, %convert_element_type3A_1137, %cond3A_1138 : i32
        scf.if %cond3A_1139 {
        } else {
        }
        %and3A_1140 = arith.constant false
        %and3A_1141 = arith.andi %and3A_1136, %and3A_1140 : i1
        %jit3A_1142 = arith.constant 20 : i32
        %div3A_1143 = arith.divsi %add3A_182, %jit3A_1142 : i32
        %sign3A_1144 = arith.constant 0 : i32
        %sign3A_1145 = arith.cmpi sgt, %add3A_182, %sign3A_1144 : i32
        %sign3A_1146 = arith.extui %sign3A_1145 : i1 to i32
        %sign3A_1147 = arith.constant 0 : i32
        %sign3A_1148 = arith.cmpi slt, %add3A_182, %sign3A_1147 : i32
        %sign3A_1149 = arith.extui %sign3A_1148 : i1 to i32
        %sign3A_1150 = arith.subi %sign3A_1146, %sign3A_1149 : i32
        %sign3A_1151 = arith.constant 0 : i32
        %sign3A_1152 = arith.cmpi sgt, %jit3A_1142, %sign3A_1151 : i32
        %sign3A_1153 = arith.extui %sign3A_1152 : i1 to i32
        %sign3A_1154 = arith.constant 0 : i32
        %sign3A_1155 = arith.cmpi slt, %jit3A_1142, %sign3A_1154 : i32
        %sign3A_1156 = arith.extui %sign3A_1155 : i1 to i32
        %sign3A_1157 = arith.subi %sign3A_1153, %sign3A_1156 : i32
        %ne3A_1158 = arith.cmpi ne, %sign3A_1150, %sign3A_1157 : i32
        %rem3A_1159 = arith.remsi %add3A_182, %jit3A_1142 : i32
        %ne3A_1160 = arith.constant 0 : i32
        %ne3A_1161 = arith.cmpi ne, %rem3A_1159, %ne3A_1160 : i32
        %and3A_1162 = arith.andi %ne3A_1158, %ne3A_1161 : i1
        %sub3A_1163 = arith.constant 1 : i32
        %sub3A_1164 = arith.subi %div3A_1143, %sub3A_1163 : i32
        %select_n3A_1165 = arith.select %and3A_1162, %sub3A_1164, %div3A_1143 : i32
        %jit3A_1166 = arith.constant 20 : i32
        %eq3A_1167 = arith.constant 0 : i32
        %eq3A_1168 = arith.cmpi eq, %jit3A_1166, %eq3A_1167 : i32
        %jit3A_1169 = arith.constant 1 : i32
        %select_n3A_1170 = arith.select %eq3A_1168, %jit3A_1169, %jit3A_1166 : i32
        %rem3A_1171 = arith.remsi %add3A_182, %select_n3A_1170 : i32
        %ne3A_1172 = arith.constant 0 : i32
        %ne3A_1173 = arith.cmpi ne, %rem3A_1171, %ne3A_1172 : i32
        %lt3A_1174 = arith.constant 0 : i32
        %lt3A_1175 = arith.cmpi slt, %rem3A_1171, %lt3A_1174 : i32
        %lt3A_1176 = arith.constant 0 : i32
        %lt3A_1177 = arith.cmpi slt, %select_n3A_1170, %lt3A_1176 : i32
        %ne3A_1178 = arith.xori %lt3A_1175, %lt3A_1177 : i1
        %and3A_1179 = arith.andi %ne3A_1178, %ne3A_1173 : i1
        %add3A_1180 = arith.addi %rem3A_1171, %select_n3A_1170 : i32
        %select_n3A_1181 = arith.select %and3A_1179, %add3A_1180, %rem3A_1171 : i32
        %jit3A_1182 = arith.constant 20 : i32
        %div3A_1183 = arith.divsi %add3A_191, %jit3A_1182 : i32
        %sign3A_1184 = arith.constant 0 : i32
        %sign3A_1185 = arith.cmpi sgt, %add3A_191, %sign3A_1184 : i32
        %sign3A_1186 = arith.extui %sign3A_1185 : i1 to i32
        %sign3A_1187 = arith.constant 0 : i32
        %sign3A_1188 = arith.cmpi slt, %add3A_191, %sign3A_1187 : i32
        %sign3A_1189 = arith.extui %sign3A_1188 : i1 to i32
        %sign3A_1190 = arith.subi %sign3A_1186, %sign3A_1189 : i32
        %sign3A_1191 = arith.constant 0 : i32
        %sign3A_1192 = arith.cmpi sgt, %jit3A_1182, %sign3A_1191 : i32
        %sign3A_1193 = arith.extui %sign3A_1192 : i1 to i32
        %sign3A_1194 = arith.constant 0 : i32
        %sign3A_1195 = arith.cmpi slt, %jit3A_1182, %sign3A_1194 : i32
        %sign3A_1196 = arith.extui %sign3A_1195 : i1 to i32
        %sign3A_1197 = arith.subi %sign3A_1193, %sign3A_1196 : i32
        %ne3A_1198 = arith.cmpi ne, %sign3A_1190, %sign3A_1197 : i32
        %rem3A_1199 = arith.remsi %add3A_191, %jit3A_1182 : i32
        %ne3A_1200 = arith.constant 0 : i32
        %ne3A_1201 = arith.cmpi ne, %rem3A_1199, %ne3A_1200 : i32
        %and3A_1202 = arith.andi %ne3A_1198, %ne3A_1201 : i1
        %sub3A_1203 = arith.constant 1 : i32
        %sub3A_1204 = arith.subi %div3A_1183, %sub3A_1203 : i32
        %select_n3A_1205 = arith.select %and3A_1202, %sub3A_1204, %div3A_1183 : i32
        %jit3A_1206 = arith.constant 20 : i32
        %eq3A_1207 = arith.constant 0 : i32
        %eq3A_1208 = arith.cmpi eq, %jit3A_1206, %eq3A_1207 : i32
        %jit3A_1209 = arith.constant 1 : i32
        %select_n3A_1210 = arith.select %eq3A_1208, %jit3A_1209, %jit3A_1206 : i32
        %rem3A_1211 = arith.remsi %add3A_191, %select_n3A_1210 : i32
        %ne3A_1212 = arith.constant 0 : i32
        %ne3A_1213 = arith.cmpi ne, %rem3A_1211, %ne3A_1212 : i32
        %lt3A_1214 = arith.constant 0 : i32
        %lt3A_1215 = arith.cmpi slt, %rem3A_1211, %lt3A_1214 : i32
        %lt3A_1216 = arith.constant 0 : i32
        %lt3A_1217 = arith.cmpi slt, %select_n3A_1210, %lt3A_1216 : i32
        %ne3A_1218 = arith.xori %lt3A_1215, %lt3A_1217 : i1
        %and3A_1219 = arith.andi %ne3A_1218, %ne3A_1213 : i1
        %add3A_1220 = arith.addi %rem3A_1211, %select_n3A_1210 : i32
        %select_n3A_1221 = arith.select %and3A_1219, %add3A_1220, %rem3A_1211 : i32
        %ne3A_1222 = arith.cmpi ne, %select_n3A_1165, %select_n3A_1205 : i32
        %ne3A_1223 = arith.cmpi ne, %select_n3A_1181, %select_n3A_1221 : i32
        %or3A_1224 = arith.constant false
        %or3A_1225 = arith.ori %or3A_1224, %ne3A_1222 : i1
        %or3A_1226 = arith.ori %or3A_1225, %ne3A_1223 : i1
        %or3A_1227 = arith.constant false
        %or3A_1228 = arith.ori %or3A_1226, %or3A_1227 : i1
        %or3A_1229 = arith.constant false
        %or3A_1230 = arith.ori %or3A_1228, %or3A_1229 : i1
        %not3A_1231 = arith.constant true
        %not3A_1232 = arith.xori %eq3A_179, %not3A_1231 : i1
        %and3A_1233 = arith.andi %or3A_1230, %not3A_1232 : i1
        %convert_element_type3A_1234 = arith.extui %and3A_1233 : i1 to i32
        %cond3A_1235 = arith.constant 0 : i32
        %cond3A_1236 = arith.cmpi ne, %convert_element_type3A_1234, %cond3A_1235 : i32
        scf.if %cond3A_1236 {
          "tpu.trace_start"() <{level = 10 : i32, message = "ep_wait_out"}> : () -> ()
          %rem3A_1261 = arith.constant 2 : i32
          %rem3A_1262 = arith.remui %scan3A_176, %rem3A_1261 : i32
          %jit3A_1263 = arith.constant 20 : i32
          %div3A_1264 = arith.divsi %add3A_191, %jit3A_1263 : i32
          %sign3A_1265 = arith.constant 0 : i32
          %sign3A_1266 = arith.cmpi sgt, %add3A_191, %sign3A_1265 : i32
          %sign3A_1267 = arith.extui %sign3A_1266 : i1 to i32
          %sign3A_1268 = arith.constant 0 : i32
          %sign3A_1269 = arith.cmpi slt, %add3A_191, %sign3A_1268 : i32
          %sign3A_1270 = arith.extui %sign3A_1269 : i1 to i32
          %sign3A_1271 = arith.subi %sign3A_1267, %sign3A_1270 : i32
          %sign3A_1272 = arith.constant 0 : i32
          %sign3A_1273 = arith.cmpi sgt, %jit3A_1263, %sign3A_1272 : i32
          %sign3A_1274 = arith.extui %sign3A_1273 : i1 to i32
          %sign3A_1275 = arith.constant 0 : i32
          %sign3A_1276 = arith.cmpi slt, %jit3A_1263, %sign3A_1275 : i32
          %sign3A_1277 = arith.extui %sign3A_1276 : i1 to i32
          %sign3A_1278 = arith.subi %sign3A_1274, %sign3A_1277 : i32
          %ne3A_1279 = arith.cmpi ne, %sign3A_1271, %sign3A_1278 : i32
          %rem3A_1280 = arith.remsi %add3A_191, %jit3A_1263 : i32
          %ne3A_1281 = arith.constant 0 : i32
          %ne3A_1282 = arith.cmpi ne, %rem3A_1280, %ne3A_1281 : i32
          %and3A_1283 = arith.andi %ne3A_1279, %ne3A_1282 : i1
          %sub3A_1284 = arith.constant 1 : i32
          %sub3A_1285 = arith.subi %div3A_1264, %sub3A_1284 : i32
          %select_n3A_1286 = arith.select %and3A_1283, %sub3A_1285, %div3A_1264 : i32
          %jit3A_1287 = arith.constant 20 : i32
          %eq3A_1288 = arith.constant 0 : i32
          %eq3A_1289 = arith.cmpi eq, %jit3A_1287, %eq3A_1288 : i32
          %jit3A_1290 = arith.constant 1 : i32
          %select_n3A_1291 = arith.select %eq3A_1289, %jit3A_1290, %jit3A_1287 : i32
          %rem3A_1292 = arith.remsi %add3A_191, %select_n3A_1291 : i32
          %ne3A_1293 = arith.constant 0 : i32
          %ne3A_1294 = arith.cmpi ne, %rem3A_1292, %ne3A_1293 : i32
          %lt3A_1295 = arith.constant 0 : i32
          %lt3A_1296 = arith.cmpi slt, %rem3A_1292, %lt3A_1295 : i32
          %lt3A_1297 = arith.constant 0 : i32
          %lt3A_1298 = arith.cmpi slt, %select_n3A_1291, %lt3A_1297 : i32
          %ne3A_1299 = arith.xori %lt3A_1296, %lt3A_1298 : i1
          %and3A_1300 = arith.andi %ne3A_1299, %ne3A_1294 : i1
          %add3A_1301 = arith.addi %rem3A_1292, %select_n3A_1291 : i32
          %select_n3A_1302 = arith.select %and3A_1300, %add3A_1301, %rem3A_1292 : i32
          %mul3A_1303 = arith.constant 1 : i32
          %mul3A_1304 = arith.muli %mul3A_1303, %select_n3A_1286 : i32
          %mul3A_1305 = arith.constant 1 : i32
          %mul3A_1306 = arith.muli %mul3A_1305, %select_n3A_1302 : i32
          %dma_wait3A_1307 = arith.constant 0 : i32
          %dma_wait3A_1308 = arith.constant 0 : i32
          %dma_wait3A_1309 = arith.constant 0 : i32
          %dma_wait3A_1310 = arith.constant 0 : i32
          %dma_wait3A_1311 = tpu.memref_slice %run_scoped3A_12[%rem3A_1262, %dma_wait3A_1307, %dma_wait3A_1308, %dma_wait3A_1309, %dma_wait3A_1310] : memref<2x1x1x32x1000xf32, #tpu.memory_space<vmem>> -> memref<1x1x1x32x1000xf32, #tpu.memory_space<vmem>>
          %dma_wait3A_1312 = tpu.memref_squeeze %dma_wait3A_1311 : memref<1x1x1x32x1000xf32, #tpu.memory_space<vmem>> -> memref<1x1x32x1000xf32, #tpu.memory_space<vmem>>
          %dma_wait3A_1313 = arith.constant 0 : i32
          %dma_wait3A_1314 = arith.constant 0 : i32
          %dma_wait3A_1315 = tpu.memref_slice %arg4[%mul3A_1304, %mul3A_1306, %dma_wait3A_1313, %dma_wait3A_1314] : memref<64x20x32x1000xf32, #tpu.memory_space<hbm>> -> memref<1x1x32x1000xf32, #tpu.memory_space<hbm>>
          %dma_wait3A_1316 = tpu.memref_slice %run_scoped3A_13[%rem3A_1262] : memref<2x!tpu.dma_semaphore, #tpu.memory_space<semaphore_mem>> -> memref<1x!tpu.dma_semaphore, #tpu.memory_space<semaphore_mem>>
          %dma_wait3A_1317 = tpu.memref_squeeze %dma_wait3A_1316 : memref<1x!tpu.dma_semaphore, #tpu.memory_space<semaphore_mem>> -> memref<!tpu.dma_semaphore, #tpu.memory_space<semaphore_mem>>
          %dma_wait3A_1318 = arith.constant 0 : i32
          %dma_wait3A_1319 = arith.constant 0 : i32
          %dma_wait3A_1320 = tpu.memref_slice %arg4[%mul3A_1304, %mul3A_1306, %dma_wait3A_1318, %dma_wait3A_1319] : memref<64x20x32x1000xf32, #tpu.memory_space<hbm>> -> memref<1x1x32x1000xf32, #tpu.memory_space<hbm>>
          %dma_wait3A_1321 = arith.constant 0 : i32
          %dma_wait3A_1322 = arith.constant 0 : i32
          %dma_wait3A_1323 = arith.constant 0 : i32
          %dma_wait3A_1324 = arith.constant 0 : i32
          %dma_wait3A_1325 = tpu.memref_slice %run_scoped3A_12[%rem3A_1262, %dma_wait3A_1321, %dma_wait3A_1322, %dma_wait3A_1323, %dma_wait3A_1324] : memref<2x1x1x32x1000xf32, #tpu.memory_space<vmem>> -> memref<1x1x1x32x1000xf32, #tpu.memory_space<vmem>>
          %dma_wait3A_1326 = tpu.memref_squeeze %dma_wait3A_1325 : memref<1x1x1x32x1000xf32, #tpu.memory_space<vmem>> -> memref<1x1x32x1000xf32, #tpu.memory_space<vmem>>
          tpu.wait_dma2 semaphore(%dma_wait3A_1317 : memref<!tpu.dma_semaphore, #tpu.memory_space<semaphore_mem>>) src(%dma_wait3A_1326 : memref<1x1x32x1000xf32, #tpu.memory_space<vmem>>) dst(%dma_wait3A_1320 : memref<1x1x32x1000xf32, #tpu.memory_space<hbm>>)
          "tpu.trace_stop"() : () -> ()
        } else {
        }
        %and3A_1237 = arith.constant true
        %and3A_1238 = arith.andi %and3A_1233, %and3A_1237 : i1
        %add3A_1239 = arith.constant 1 : i32
        %add3A_1240 = arith.addi %scan3A_176, %add3A_1239 : i32
        %select_n3A_1241 = arith.select %and3A_1238, %add3A_1240, %scan3A_176 : i32
        %ne3A_1242 = arith.cmpi ne, %add3A_182, %add3A_200 : i32
        %or3A_1243 = arith.constant false
        %or3A_1244 = arith.ori %or3A_1243, %ne3A_1242 : i1
        %or3A_1245 = arith.constant false
        %or3A_1246 = arith.ori %or3A_1244, %or3A_1245 : i1
        %or3A_1247 = arith.constant false
        %or3A_1248 = arith.ori %or3A_1246, %or3A_1247 : i1
        %or3A_1249 = arith.ori %or3A_1248, %eq3A_181 : i1
        %add3A_1250 = arith.constant 1 : i32
        %add3A_1251 = arith.addi %scan3A_174, %add3A_1250 : i32
        %select_n3A_1252 = arith.select %or3A_1249, %add3A_1251, %scan3A_174 : i32
        %add3A_1253 = arith.constant 1 : i32
        %add3A_1254 = arith.addi %scan3A_177, %add3A_1253 : i32
        %select_n3A_1255 = arith.constant true
        %select_n3A_1256 = arith.select %select_n3A_1255, %add3A_1254, %scan3A_177 : i32
        %eq3A_1257 = arith.constant 40 : i32
        %eq3A_1258 = arith.cmpi eq, %select_n3A_1256, %eq3A_1257 : i32
        %select_n3A_1259 = arith.constant 0 : i32
        %select_n3A_1260 = arith.select %eq3A_1258, %select_n3A_1259, %select_n3A_1256 : i32
        scf.yield %select_n3A_224, %select_n3A_1252, %select_n3A_1126, %select_n3A_1241, %select_n3A_1260 : i32, i32, i32, i32, i32
      }
      %scan3A_77 = arith.constant 40 : i32
      %sub3A = arith.constant 1 : i32
      %sub3A_78 = arith.subi %scan3A_76#4, %sub3A : i32
      %select_n3A_79 = arith.constant true
      %select_n3A_80 = arith.select %select_n3A_79, %sub3A_78, %scan3A_76#4 : i32
      %eq3A_81 = arith.constant -1 : i32
      %eq3A_82 = arith.cmpi eq, %select_n3A_80, %eq3A_81 : i32
      %select_n3A_83 = arith.constant 39 : i32
      %select_n3A_84 = arith.select %eq3A_82, %select_n3A_83, %select_n3A_80 : i32
      %add3A_85 = arith.addi %select_n3A_84, %mul3A_10 : i32
      %sub3A_86 = arith.constant 1 : i32
      %sub3A_87 = arith.subi %select_n3A_84, %sub3A_86 : i32
      %select_n3A_88 = arith.constant true
      %select_n3A_89 = arith.select %select_n3A_88, %sub3A_87, %select_n3A_84 : i32
      %eq3A_90 = arith.constant -1 : i32
      %eq3A_91 = arith.cmpi eq, %select_n3A_89, %eq3A_90 : i32
      %select_n3A_92 = arith.constant 39 : i32
      %select_n3A_93 = arith.select %eq3A_91, %select_n3A_92, %select_n3A_89 : i32
      %add3A_94 = arith.addi %select_n3A_93, %mul3A_10 : i32
      %add3A_95 = arith.constant 1 : i32
      %add3A_96 = arith.addi %select_n3A_84, %add3A_95 : i32
      %select_n3A_97 = arith.constant true
      %select_n3A_98 = arith.select %select_n3A_97, %add3A_96, %select_n3A_84 : i32
      %eq3A_99 = arith.constant 40 : i32
      %eq3A_100 = arith.cmpi eq, %select_n3A_98, %eq3A_99 : i32
      %select_n3A_101 = arith.constant 0 : i32
      %select_n3A_102 = arith.select %eq3A_100, %select_n3A_101, %select_n3A_98 : i32
      %add3A_103 = arith.addi %select_n3A_102, %mul3A_10 : i32
      %add3A_104 = arith.constant 1 : i32
      %add3A_105 = arith.addi %select_n3A_102, %add3A_104 : i32
      %select_n3A_106 = arith.constant true
      %select_n3A_107 = arith.select %select_n3A_106, %add3A_105, %select_n3A_102 : i32
      %eq3A_108 = arith.constant 40 : i32
      %eq3A_109 = arith.cmpi eq, %select_n3A_107, %eq3A_108 : i32
      %select_n3A_110 = arith.constant 0 : i32
      %select_n3A_111 = arith.select %eq3A_109, %select_n3A_110, %select_n3A_107 : i32
      %add3A_112 = arith.addi %select_n3A_111, %mul3A_10 : i32
      "tpu.trace_start"() <{level = 10 : i32, message = "ep_finalize"}> : () -> ()
      %rem3A_113 = arith.constant 2 : i32
      %rem3A_114 = arith.remui %scan3A_76#3, %rem3A_113 : i32
      %jit3A = arith.constant 20 : i32
      %div3A = arith.divsi %add3A_85, %jit3A : i32
      %sign3A = arith.constant 0 : i32
      %sign3A_115 = arith.cmpi sgt, %add3A_85, %sign3A : i32
      %sign3A_116 = arith.extui %sign3A_115 : i1 to i32
      %sign3A_117 = arith.constant 0 : i32
      %sign3A_118 = arith.cmpi slt, %add3A_85, %sign3A_117 : i32
      %sign3A_119 = arith.extui %sign3A_118 : i1 to i32
      %sign3A_120 = arith.subi %sign3A_116, %sign3A_119 : i32
      %sign3A_121 = arith.constant 0 : i32
      %sign3A_122 = arith.cmpi sgt, %jit3A, %sign3A_121 : i32
      %sign3A_123 = arith.extui %sign3A_122 : i1 to i32
      %sign3A_124 = arith.constant 0 : i32
      %sign3A_125 = arith.cmpi slt, %jit3A, %sign3A_124 : i32
      %sign3A_126 = arith.extui %sign3A_125 : i1 to i32
      %sign3A_127 = arith.subi %sign3A_123, %sign3A_126 : i32
      %ne3A = arith.cmpi ne, %sign3A_120, %sign3A_127 : i32
      %rem3A_128 = arith.remsi %add3A_85, %jit3A : i32
      %ne3A_129 = arith.constant 0 : i32
      %ne3A_130 = arith.cmpi ne, %rem3A_128, %ne3A_129 : i32
      %and3A = arith.andi %ne3A, %ne3A_130 : i1
      %sub3A_131 = arith.constant 1 : i32
      %sub3A_132 = arith.subi %div3A, %sub3A_131 : i32
      %select_n3A_133 = arith.select %and3A, %sub3A_132, %div3A : i32
      %jit3A_134 = arith.constant 20 : i32
      %eq3A_135 = arith.constant 0 : i32
      %eq3A_136 = arith.cmpi eq, %jit3A_134, %eq3A_135 : i32
      %jit3A_137 = arith.constant 1 : i32
      %select_n3A_138 = arith.select %eq3A_136, %jit3A_137, %jit3A_134 : i32
      %rem3A_139 = arith.remsi %add3A_85, %select_n3A_138 : i32
      %ne3A_140 = arith.constant 0 : i32
      %ne3A_141 = arith.cmpi ne, %rem3A_139, %ne3A_140 : i32
      %lt3A = arith.constant 0 : i32
      %lt3A_142 = arith.cmpi slt, %rem3A_139, %lt3A : i32
      %lt3A_143 = arith.constant 0 : i32
      %lt3A_144 = arith.cmpi slt, %select_n3A_138, %lt3A_143 : i32
      %ne3A_145 = arith.xori %lt3A_142, %lt3A_144 : i1
      %and3A_146 = arith.andi %ne3A_145, %ne3A_141 : i1
      %add3A_147 = arith.addi %rem3A_139, %select_n3A_138 : i32
      %select_n3A_148 = arith.select %and3A_146, %add3A_147, %rem3A_139 : i32
      %mul3A_149 = arith.constant 1 : i32
      %mul3A_150 = arith.muli %mul3A_149, %select_n3A_133 : i32
      %mul3A_151 = arith.constant 1 : i32
      %mul3A_152 = arith.muli %mul3A_151, %select_n3A_148 : i32
      %dma_wait3A = arith.constant 0 : i32
      %dma_wait3A_153 = arith.constant 0 : i32
      %dma_wait3A_154 = arith.constant 0 : i32
      %dma_wait3A_155 = arith.constant 0 : i32
      %dma_wait3A_156 = tpu.memref_slice %run_scoped3A_12[%rem3A_114, %dma_wait3A, %dma_wait3A_153, %dma_wait3A_154, %dma_wait3A_155] : memref<2x1x1x32x1000xf32, #tpu.memory_space<vmem>> -> memref<1x1x1x32x1000xf32, #tpu.memory_space<vmem>>
      %dma_wait3A_157 = tpu.memref_squeeze %dma_wait3A_156 : memref<1x1x1x32x1000xf32, #tpu.memory_space<vmem>> -> memref<1x1x32x1000xf32, #tpu.memory_space<vmem>>
      %dma_wait3A_158 = arith.constant 0 : i32
      %dma_wait3A_159 = arith.constant 0 : i32
      %dma_wait3A_160 = tpu.memref_slice %arg4[%mul3A_150, %mul3A_152, %dma_wait3A_158, %dma_wait3A_159] : memref<64x20x32x1000xf32, #tpu.memory_space<hbm>> -> memref<1x1x32x1000xf32, #tpu.memory_space<hbm>>
      %dma_wait3A_161 = tpu.memref_slice %run_scoped3A_13[%rem3A_114] : memref<2x!tpu.dma_semaphore, #tpu.memory_space<semaphore_mem>> -> memref<1x!tpu.dma_semaphore, #tpu.memory_space<semaphore_mem>>
      %dma_wait3A_162 = tpu.memref_squeeze %dma_wait3A_161 : memref<1x!tpu.dma_semaphore, #tpu.memory_space<semaphore_mem>> -> memref<!tpu.dma_semaphore, #tpu.memory_space<semaphore_mem>>
      %dma_wait3A_163 = arith.constant 0 : i32
      %dma_wait3A_164 = arith.constant 0 : i32
      %dma_wait3A_165 = tpu.memref_slice %arg4[%mul3A_150, %mul3A_152, %dma_wait3A_163, %dma_wait3A_164] : memref<64x20x32x1000xf32, #tpu.memory_space<hbm>> -> memref<1x1x32x1000xf32, #tpu.memory_space<hbm>>
      %dma_wait3A_166 = arith.constant 0 : i32
      %dma_wait3A_167 = arith.constant 0 : i32
      %dma_wait3A_168 = arith.constant 0 : i32
      %dma_wait3A_169 = arith.constant 0 : i32
      %dma_wait3A_170 = tpu.memref_slice %run_scoped3A_12[%rem3A_114, %dma_wait3A_166, %dma_wait3A_167, %dma_wait3A_168, %dma_wait3A_169] : memref<2x1x1x32x1000xf32, #tpu.memory_space<vmem>> -> memref<1x1x1x32x1000xf32, #tpu.memory_space<vmem>>
      %dma_wait3A_171 = tpu.memref_squeeze %dma_wait3A_170 : memref<1x1x1x32x1000xf32, #tpu.memory_space<vmem>> -> memref<1x1x32x1000xf32, #tpu.memory_space<vmem>>
      tpu.wait_dma2 semaphore(%dma_wait3A_162 : memref<!tpu.dma_semaphore, #tpu.memory_space<semaphore_mem>>) src(%dma_wait3A_171 : memref<1x1x32x1000xf32, #tpu.memory_space<vmem>>) dst(%dma_wait3A_165 : memref<1x1x32x1000xf32, #tpu.memory_space<hbm>>)
      "tpu.trace_stop"() : () -> ()
      tpu.yield
    }) : () -> ()
    return
  }
}

</mosaic_0001>

<sc_bundles>
// kernel: kernel.3.cloned.1.call-start
scs
__scs_entry_jumppad:
0x0: {  	(pc) =	sbr.rel $0x88, $3  }
0x1: {  	(tag) =	ssettag $0x0;
	lr =	simm.s32 $0x1  }
0x2: {  	[smem:$0x3F9F] =	sst lr;
	_ =	strace $0xD0000000  }
0x3: {  	_ = 	snop  }
0x4: {  	_ = 	snop  }
0x5: {  	_ = 	snop  }
0x6: {  	_ = 	snop  }
0x7: {  	_ = 	snop  }
__scs_overlays_trampoline_lowered:
0x8: {  	[smem:$0x3FAE] =	sst s0  }
0x9: {  	[smem:$0x3FAF] =	sst s1  }
0xa: {  	[smem:$0x3FB0] =	sst s2  }
0xb: {  	[smem:$0x3FB1] =	sst s3  }
0xc: {  	[smem:$0x3FB2] =	sst s4  }
0xd: {  	[smem:$0x3FB3] =	sst s5  }
0xe: {  	[smem:$0x3FB4] =	sst s6  }
0xf: {  	[smem:$0x3FB5] =	sst s7  }
0x10: {  	[smem:$0x3FB6] =	sst s8  }
0x11: {  	[smem:$0x3FB7] =	sst s9;
	s0 =	simm.s32 @!p0 $0x0  }
0x12: {  	s1 =	sld [smem:$0x3F9D];
	s0 =	simm.s32 @p0 $0x1  }
0x13: {  	[smem:$0x3FB8] =	sst s0;
	s0 =	simm.s32 @!p1 $0x0  }
0x14: {  	s2 =	sld [smem:$0x3F9C];
	s0 =	simm.s32 @p1 $0x1  }
0x15: {  	[smem:$0x3FB9] =	sst s0;
	s0 =	simm.s32 @!p2 $0x0  }
0x16: {  	s3 =	sld [smem:$0x3FDB];
	s0 =	simm.s32 @p2 $0x1  }
0x17: {  	s4 =	simm.s32 $0x1BF5;
	[smem:$0x3FBB] =	sst s0  }
0x18: {  	s0 =	sld [smem:$0x3F9E];
	_ =	swait.ge [sflag:s4], $0x0  }
0x19: {  	s7 =	sld [smem:$0x3F9F]  }
0x1a: {  	s8 =	sadd.s32 $0xFFFFE003, lr  }
0x1b: {  	s9 =	sadd.s32 $0xFFFFFEF7, lr;
	s5 =	simm.s32 $0xFFFFFFFF;
	p2 =	slt.u32 s8, $0xFFFFF086  }
0x1c: {  	p1 =	slt.u32 s9, $0xF7A;
	s5 =	simm.s32 @!p2 $0x0  }
0x1d: {  	s5 =	simm.s32 @p1 $0x1;
	p0 =	seq.s32 s7, s2  }
0x1e: {  	s7 =	smul.u32 @!p0 $0xF7A, s2;
	p2 =	seq.s32 @!p0 s5, $0x0  }
0x1f: {  	s9 =	smul.u32 $0xF7A, s1;
	s8 =	simm.s32 @!p0 $0x1BF5;
	p2 =	por !p2, p0  }
0x20: {  	[sflag:s8] =	ssyncset.s32 @!p0 $0xFFFFF086;
	s6 =	sadd.s32 @!p0 s3, s7;
	s7 =	simm.s32 @!p0 $0x108  }
0x21: {  	s3 =	sadd.s32 s3, s9;
	s6 =	sadd.s32 @!p0 $0x88, s6;
	s7 =	simm.s32 @p2 $0x1082  }
0x22: {  	[simem:s7], [sflag:s8] =	dma.local @!p0 [hbm:s6], $0xF7A  }
0x23: {  	s9 =	sor.u32 $0xD0000000, s2;
	s6 =	simm.s32 $0x108;
	_ =	swait.ge @!p0 [sflag:s8], $0x0  }
0x24: {  	s3 =	sadd.s32 $0x88, s3;
	s6 =	simm.s32 @!p1 $0x1082;
	[sflag:s4] =	ssyncset.s32 $0xFFFFF086  }
0x25: {  	[simem:s6], [sflag:s4] =	dma.local [hbm:s3], $0xF7A  }
0x26: {  	[smem:$0x3F9F] =	sst s1;
	(tag) =	ssettag s2;
	_ =	strace s9  }
0x27: {  	s1 =	sld [smem:$0x3FAF]  }
0x28: {  	s2 =	sld [smem:$0x3FB0]  }
0x29: {  	s4 =	sld [smem:$0x3FB2]  }
0x2a: {  	p0 =	seq.s32 s5, $0x0;
	s5 =	sld [smem:$0x3FB3]  }
0x2b: {  	s6 =	sld [smem:$0x3FB4]  }
0x2c: {  	s7 =	sld [smem:$0x3FB5]  }
0x2d: {  	s3 =	simm.s32 $0x108;
	s8 =	sld [smem:$0x3FB6]  }
0x2e: {  	s3 =	simm.s32 @!p0 $0x1082;
	s9 =	sld [smem:$0x3FB7]  }
0x2f: {  	lr =	sadd.s32 s0, s3;
	s0 =	sld [smem:$0x3FAE]  }
0x30: {  	s3 =	sld [smem:$0x3FB1]  }
0x31: {  	[smem:$0x3FBA] =	sst s10  }
0x32: {  	s10 =	sld [smem:$0x3FB8];
	_ =	sdelay $0x3  }
0x33: {  	p0 =	seq.s32 s10, $0x1;
	s10 =	sld [smem:$0x3FBA];
	_ =	sdelay $0x3  }
0x34: {  	[smem:$0x3FBA] =	sst s10  }
0x35: {  	s10 =	sld [smem:$0x3FB9];
	_ =	sdelay $0x3  }
0x36: {  	p1 =	seq.s32 s10, $0x1;
	s10 =	sld [smem:$0x3FBA];
	_ =	sdelay $0x3  }
0x37: {  	[smem:$0x3FBA] =	sst s10  }
0x38: {  	s10 =	sld [smem:$0x3FBB]  }
0x39: {  	_ = 	snop;
	(pc) =	sbr.ind lr, $3  }
0x3a: {  	_ = 	snop  }
0x3b: {  	_ = 	snop  }
0x3c: {  	p2 =	seq.s32 s10, $0x1;
	s10 =	sld [smem:$0x3FBA]  }
0x3d: {  	_ =	shalt  }
0x3e: {  	_ =	shalt  }
0x3f: {  	_ =	shalt  }
0x40: {  	_ =	shalt  }
0x41: {  	_ =	shalt  }
0x42: {  	_ =	shalt  }
0x43: {  	_ =	shalt  }
0x44: {  	_ =	shalt  }
0x45: {  	_ =	shalt  }
0x46: {  	_ =	shalt  }
0x47: {  	_ =	shalt  }
0x48: {  	_ =	shalt  }
0x49: {  	_ =	shalt  }
0x4a: {  	_ =	shalt  }
0x4b: {  	_ =	shalt  }
0x4c: {  	_ =	shalt  }
0x4d: {  	_ =	shalt  }
0x4e: {  	_ =	shalt  }
0x4f: {  	_ =	shalt  }
0x50: {  	_ =	shalt  }
0x51: {  	_ =	shalt  }
0x52: {  	_ =	shalt  }
0x53: {  	_ =	shalt  }
0x54: {  	_ =	shalt  }
0x55: {  	_ =	shalt  }
0x56: {  	_ =	shalt  }
0x57: {  	_ =	shalt  }
0x58: {  	_ =	shalt  }
0x59: {  	_ =	shalt  }
0x5a: {  	_ =	shalt  }
0x5b: {  	_ =	shalt  }
0x5c: {  	_ =	shalt  }
0x5d: {  	_ =	shalt  }
0x5e: {  	_ =	shalt  }
0x5f: {  	_ =	shalt  }
0x60: {  	_ =	shalt  }
0x61: {  	_ =	shalt  }
0x62: {  	_ =	shalt  }
0x63: {  	_ =	shalt  }
0x64: {  	_ =	shalt  }
0x65: {  	_ =	shalt  }
0x66: {  	_ =	shalt  }
0x67: {  	_ =	shalt  }
0x68: {  	_ =	shalt  }
0x69: {  	_ =	shalt  }
0x6a: {  	_ =	shalt  }
0x6b: {  	_ =	shalt  }
0x6c: {  	_ =	shalt  }
0x6d: {  	_ =	shalt  }
0x6e: {  	_ =	shalt  }
0x6f: {  	_ =	shalt  }
0x70: {  	_ =	shalt  }
0x71: {  	_ =	shalt  }
0x72: {  	_ =	shalt  }
0x73: {  	_ =	shalt  }
0x74: {  	_ =	shalt  }
0x75: {  	_ =	shalt  }
0x76: {  	_ =	shalt  }
0x77: {  	_ =	shalt  }
0x78: {  	_ =	shalt  }
0x79: {  	_ =	shalt  }
0x7a: {  	_ =	shalt  }
0x7b: {  	_ =	shalt  }
0x7c: {  	_ =	shalt  }
0x7d: {  	_ =	shalt  }
0x7e: {  	_ =	shalt  }
0x7f: {  	_ =	shalt  }
0x80: {  	_ =	shalt  }
0x81: {  	_ =	shalt  }
0x82: {  	_ =	shalt  }
0x83: {  	_ =	shalt  }
0x84: {  	_ =	shalt  }
0x85: {  	_ =	shalt  }
0x86: {  	_ =	shalt  }
0x87: {  	_ =	shalt  }
.Lfunc_end0:
.L_simem_size_0:
called_computation_lowered:
.L_overlay_start_0:
0x88: {  	s2 =	sld [smem:$0x3FD9]  }
0x89: {  	s3 =	sld [smem:$0x3FFE];
	_ =	sdelay $0x1  }
0x8a: {  	s1 =	srdreg.scid  }
0x8b: {  	s0 =	sand.u32 $0x1, s1  }
0x8c: {  	s17 =	sshll.u32 s0, $0xA;
	s2 =	sadd.s32 s3, s2  }
0x8d: {  	s2 =	sadd.s32 s2, s17  }
0x8e: {  	[smem:$0x3FC6] =	sst s2  }
0x8f: {  	_ = 	snop  }
0x90: {  	s2 =	sld [smem:$0x3FD0];
	(tm) =	ssettm $0x1  }
0x91: {  	s18 =	sld [smem:$0x3FFB];
	_ =	sdelay $0x3  }
0x92: {  	_ =	strace s18  }
0x93: {  	s3 =	sld [smem:$0x3FFC];
	_ =	sdelay $0x3  }
0x94: {  	_ =	strace s3  }
0x95: {  	s3 =	sld [smem:$0x3FFD];
	_ =	sdelay $0x3  }
0x96: {  	_ =	strace s3  }
0x97: {  	_ =	strace $0x8FFFFFFF  }
0x98: {  	s19 =	sld [smem:$0x3FDB];
	_ =	sdelay $0x1  }
0x99: {  	s4 =	simm.s32 $_scs_section_size  }
0x9a: {  	s5 =	simm.s32 $_size__tile_overlayer_lowered;
	s6 =	simm.s32 $_tile_overlayer_lowered  }
0x9b: {  	s22 =	simm.s32 $0x1BFF;
	s21 =	sshll.u32 s6, $0x1;
	s3 =	sadd.s32 s4, s19  }
0x9c: {  	s7 =	simm.s32 $0x0;
	s20 =	sshll.u32 s5, $0x1;
	s5 =	sadd.s32 s21, s3  }
0x9d: {  	[timem:s7], [sflag:s22] =	dma.local [hbm:s5], s20  }
0x9e: {  	_ =	swait.ge [sflag:s22], s20  }
0x9f: {  	s4 =	ssub.s32 $0x0, s20;
	[sflag:s22] =	ssyncset.done $0x0  }
0xa0: {  	[sflag:s22] =	ssyncadd.s32 s4;
	_ =	sdelay $0x1  }
0xa1: {  	s23 =	simm.s32 $0x1B8B  }
0xa2: {  	_ =	swait.ge [sflag:s23], $0x1  }
0xa3: {  	[sflag:s23] =	ssyncset.done $0x0  }
0xa4: {  	s25 =	simm.s32 $0x1B8E;
	s24 =	sld [smem:$0x3FFE];
	[sflag:s23] =	ssyncadd.s32 $0xFFFFFFFF  }
0xa5: {  	s26 =	simm.s32 $execute0_lowered;
	[smem:$0x3FD2] =	sst s25  }
0xa6: {  	s5 =	sshll.u32 s26, $0x1;
	_ =	strace $0x80000046;
	[dreg:$0x1] =	wrdreg $0xFFFFFFFF  }
0xa7: {  	s28 =	simm.s32 $_size_execute0_lowered;
	s3 =	sadd.s32 s3, s5;
	[dreg:$0x0] =	wrdreg $0x0  }
0xa8: {  	s5 =	sshll.u32 s28, $0x1;
	[dreg:$0x2] =	wrdreg s3  }
0xa9: {  	[dreg:$0x3] =	wrdreg s5  }
0xaa: {  	[dreg:$0x4] =	wrdreg $0xC0  }
0xab: {  	_ =	task [dreg:s7], $0x5FFFF  }
0xac: {  	[dreg:$0x1] =	wrdreg $0xFFFFFFFF  }
0xad: {  	[dreg:$0x0] =	wrdreg $0x60  }
0xae: {  	[dreg:$0x2] =	wrdreg s24  }
0xaf: {  	[dreg:$0x3] =	wrdreg s2  }
0xb0: {  	[dreg:$0x4] =	wrdreg $0x9  }
0xb1: {  	_ =	task.clear_ibuf [dreg:s7], $0x5FFFF;
	_ =	strace $0x90000046  }
0xb2: {  	s29 =	simm.s32 $0x9;
	_ =	strace $0x8000004F  }
0xb3: {  	_ =	swait.ge [sflag:s29], $0x1  }
0xb4: {  	[sflag:s29] =	ssyncadd.s32 $0xFFFFFFFF  }
0xb5: {  	_ =	strace $0x9000004F  }
0xb6: {  	_ =	sfence  }
0xb7: {  	s30 =	sld [smem:$0x0];
	_ =	sdelay $0x2  }
0xb8: {  	s31 =	sshll.u32 s1, $0xD;
	s1 =	sshrl.u32 s1, $0x2  }
0xb9: {  	s3 =	sand.u32 $0x4000, s31;
	s1 =	sadd.s32 s1, s30  }
0xba: {  	s0 =	sor.u32 s3, s0;
	s1 =	sshll.u32 s1, $0x11  }
0xbb: {  	s0 =	sor.u32 s1, s0  }
0xbc: {  	s0 =	sadd.s32 $0x8F2B, s0  }
0xbd: {  	[sflag:s0] =	ssyncadd.remote.s32 $0x1  }
0xbe: {  	_ =	sfence.sel $0xFFFF  }
0xbf: {  	[dreg:$0x0] =	wrdreg $0xFFFFFFFF;
	(pc) =	sbr.abs _section_cstart, $3  }
0xc0: {  	[dreg:$0x1] =	wrdreg $0xFFFFFFFF  }
0xc1: {  	_ =	task.clear_ibuf [dreg:s7], $0x2FFFF;
	_ =	strace $0x9FFFFFFF  }
0xc2: {  	(tm) =	ssettm $0x7FFFFFFF  }
0xc3: {  	_ =	shalt  }
tec
execute0_lowered:
.L_overlay_start_1:
0x0: {  	(tag) =	ssettag $0x1  }
0x1: {  	s0 =	rddreg [dreg:$0x0];
	s1 =	srdreg.scid;
	s3 =	simm.s32 $0x0  }
0x2: {  	s4 =	stileid.u32;
	s1 =	sand.u32 $0x1, s1;
	[smem:$0x7FF] =	sst s3  }
0x3: {  	s26 =	sadd.s32 $0x400, s0;
	s6 =	sadd.s32 $0x1400, s0;
	s2 =	sshll.u32 s1, $0x4  }
0x4: {  	_ =	strace $0x80000047;
	s1 =	ssub.s32 $0x2, s1;
	s2 =	sor.u32 s4, s2  }
0x5: {  	[dreg:$0x3] =	wrdreg s26;
	s28 =	sshrl.u32 s1, $0x1;
	s30 =	smul.u32 $0x28, s2  }
0x6: {  	[dreg:$0x4] =	wrdreg s6;
	s5 =	smul.u32 $0x1400, s2;
	s29 =	ssub.s32 s1, s28  }
0x7: {  	s0 =	smax.u32 s29, $0x1;
	[dreg:$0x5] =	wrdreg s30  }
0x8: {  	s31 =	sadd.s32 s6, s5;
	[dreg:$0x7] =	wrdreg s0  }
0x9: {  	s1 =	simm.s32 $0x0;
	[dreg:$0x6] =	wrdreg s31  }
.LBB2_1:
0xa: {  	[dreg:$0x8] =	wrdreg s1  }
0xb: {  	s0 =	rddreg [dreg:$0x3];
	s30 =	simm.s32 $0x3E8;
	s31 =	simm.s32 $0x1  }
0xc: {  	[tilespmem:s30], [sflag:$0x1] =	stream.linear.gather [hbm4b:s0+s3], $0x7D00, $0x38;
	[tilespmem:$0x18900] =	vst v63  }
0xd: {  	_ =	swait.ge [sflag:s31], $0x7D00  }
0xe: {  	[sflag:s31] =	ssyncset.done $0x0  }
0xf: {  	s0 =	simm.s32 $0x3F8;
	[sflag:s31] =	ssyncadd.s32 $0xFFFF8300  }
0x10: {  	s2 =	simm.s32 $0x84;
	s1 =	simm.s32 $0x0;
	v0 =	vld [tilespmem:s0+$0xFFFFFFF0]  }
.LBB2_2:
0x11: {  	p0 =	sne.s32 s2, $0x2031C;
	_ =	sdelay $0x3  }
0x12: {  	v0 =	vmul.f32 $5.656854150e+00, v0  }
0x13: {  	s4 =	sshra.s32 s1, $0x2;
	s1 =	smov.u32 s2  }
0x14: {  	[tilespmem:s4+$0x0] =	vst v0  }
0x15: {  	v0 =	vld [tilespmem:s0+$0x0];
	_ =	sdelay $0x3  }
.Ltmp0:
0x16: {  	(pc) =	sbr.rel @p0 .LBB2_2-.Ltmp0, $3  }
0x17: {  	v0 =	vmul.f32 $5.656854150e+00, v0;
	_ =	sdelay $0x1  }
0x18: {  	s0 =	sadd.s32 $0x20, s0;
	[tilespmem:s4+$0x10] =	vst v0  }
0x19: {  	s2 =	sadd.s32 $0x84, s2;
	v0 =	vld [tilespmem:s0+$0xFFFFFFF0]  }
0x1a: {  	_ =	sdelay $0x3  }
0x1b: {  	v0 =	vmul.f32 $5.656854150e+00, v0  }
0x1c: {  	s1 =	sshra.s32 s1, $0x2  }
0x1d: {  	[tilespmem:s1+$0x0] =	vst v0  }
0x1e: {  	v0 =	vld [tilespmem:s0+$0x0];
	_ =	sdelay $0x4  }
0x1f: {  	v0 =	vmul.f32 $5.656854150e+00, v0;
	_ =	sdelay $0x1  }
0x20: {  	s2 =	simm.s32 $0x0;
	s31 =	simm.s32 $0x8100;
	[tilespmem:s1+$0x10] =	vst v0  }
0x21: {  	s4 =	simm.s32 $0x1;
	s9 =	simm.s32 $0x0;
	_ =	strace $0x80000048  }
0x22: {  	s5 =	simm.s32 $0x0;
	s6 =	simm.s32 $0x0;
	s30 =	rddreg [dreg:$0x6]  }
0x23: {  	[tilespmem:s31], [sflag:$0x1] =	stream.linear.gather [hbm4b:s30+s2], $0x400, $0x200038;
	[tilespmem:$0x18900] =	vst v63  }
0x24: {  	s7 =	simm.s32 $0x0;
	s8 =	simm.s32 $0x0;
	_ =	strace $0x90000048  }
.LBB2_4:
0x25: {  	s0 =	sadd.s32 $0x1, s9  }
0x26: {  	[dreg:$0xa] =	wrdreg s5;
	p0 =	seq.s32 s0, $0x28  }
0x27: {  	[dreg:$0xe] =	wrdreg s8;
	s0 =	simm.s32 @p0 $0x0  }
0x28: {  	p1 =	sne.s32 s8, $0x27;
	s23 =	rddreg [dreg:$0x5];
	p0 =	sne.s32 s9, s0  }
0x29: {  	[dreg:$0x9] =	wrdreg s4;
	p1 =	por !p1, !p0  }
0x2a: {  	[dreg:$0xb] =	wrdreg s0;
	p1 =	por !p1, !p1  }
0x2b: {  	s2 =	sadd.s32 s23, s0;
	s0 =	sand.u32 @p1 $0x1, s4;
	_ =	strace @p1 $0x80000049  }
0x2c: {  	[dreg:$0x10] =	wrdreg s2;
	s2 =	sshll.u32 @p1 s2, $0x7;
	s1 =	sshll.u32 @p1 s0, $0xA  }
0x2d: {  	s2 =	sand.u32 @p1 $0x1FFFFF80, s2;
	s0 =	sadd.s32 @p1 $0x1, s0;
	s4 =	rddreg [dreg:$0x4]  }
0x2e: {  	s1 =	sor.u32 @p1 $0x8100, s1;
	s2 =	sadd.s32 @p1 s4, s2;
	s4 =	simm.s32 @p1 $0x0  }
0x2f: {  	[tilespmem:s1], [sflag:s0] =	stream.linear.gather @p1 [hbm4b:s2+s4], $0x400, $0x200038;
	[tilespmem:$0x18900] =	vst v63  }
0x30: {  	s21 =	sand.u32 $0x1, s7;
	_ =	strace @p1 $0x90000049;
	[dreg:$0xd] =	wrdreg s7  }
0x31: {  	s24 =	simm.s32 $0x0;
	s22 =	sadd.s32 $0x1, s21;
	_ =	strace $0x8000004A  }
0x32: {  	s10 =	sand.u32 $0x60, s24;
	_ =	swait.ge [sflag:s22], $0x400  }
0x33: {  	s0 =	sshll.u32 s21, $0xA;
	s2 =	sand.u32 $0x380, s24;
	[sflag:s22] =	ssyncset.done $0x0  }
0x34: {  	s4 =	sor.u32 $0x8100, s0;
	[dreg:$0x12] =	wrdreg s0;
	[sflag:s22] =	ssyncadd.s32 $0xFFFFFC00  }
0x35: {  	s11 =	sor.u32 $0x10, s10;
	s0 =	sadd.s32 s2, s4;
	_ =	strace $0x9000004A  }
0x36: {  	s0 =	sadd.s32 s11, s0;
	_ =	strace $0x8000004B  }
0x37: {  	v0 =	vld [tilespmem:s0+$0x0];
	_ =	sdelay $0x4  }
0x38: {  	v8 =	vmul.u32 $0x21, v0;
	_ =	sdelay $0x1  }
0x39: {  	v0 =	vld [tilespmem:s4+$0x0];
	_ =	sdelay $0x2  }
0x3a: {  	[dreg:$0xc] =	wrdreg s6  }
0x3b: {  	s5 =	sand.u32 $0x1, s6;
	v1 =	vld.idx.msk [tilespmem:v8+s3+$0x0], $0xffff  }
0x3c: {  	s0 =	sshll.u32 s5, $0xF;
	v3 =	vadd.s32 $0x1, v8;
	v2 =	vmul.u32 $0x21, v0  }
0x3d: {  	s20 =	sadd.s32 $0x8900, s0;
	s6 =	sand.u32 $0x1C00, s24  }
0x3e: {  	s1 =	sadd.s32 s6, s20;
	[dreg:$0xf] =	wrdreg s5  }
0x3f: {  	[dreg:$0x11] =	wrdreg s0;
	s0 =	sadd.s32 s11, s1  }
0x40: {  	[tilespmem:s0+$0x0] =	vst v1  }
0x41: {  	v0 =	vld.idx.msk [tilespmem:v3+s3+$0x0], $0xffff  }
0x42: {  	v1 =	vadd.s32 $0x2, v8;
	v3 =	vld.idx.msk [tilespmem:v2+s3+$0x0], $0xffff  }
0x43: {  	v4 =	vadd.s32 $0x1, v2;
	_ =	sdelay $0x2  }
0x44: {  	s7 =	sadd.s32 s10, s1;
	[tilespmem:s0+$0x80] =	vst v0  }
0x45: {  	[tilespmem:s7+$0x0] =	vst v3;
	v0 =	vld.idx.msk [tilespmem:v1+s3+$0x0], $0xffff  }
0x46: {  	v1 =	vadd.s32 $0x3, v8;
	v3 =	vld.idx.msk [tilespmem:v4+s3+$0x0], $0xffff  }
0x47: {  	v4 =	vadd.s32 $0x2, v2;
	_ =	sdelay $0x2  }
0x48: {  	[tilespmem:s0+$0x100] =	vst v0  }
0x49: {  	[tilespmem:s7+$0x80] =	vst v3;
	v0 =	vld.idx.msk [tilespmem:v1+s3+$0x0], $0xffff  }
0x4a: {  	v1 =	vadd.s32 $0x4, v8;
	v3 =	vld.idx.msk [tilespmem:v4+s3+$0x0], $0xffff  }
0x4b: {  	v4 =	vadd.s32 $0x3, v2;
	_ =	sdelay $0x2  }
0x4c: {  	[tilespmem:s0+$0x180] =	vst v0  }
0x4d: {  	[tilespmem:s7+$0x100] =	vst v3;
	v0 =	vld.idx.msk [tilespmem:v1+s3+$0x0], $0xffff  }
0x4e: {  	v1 =	vadd.s32 $0x5, v8;
	v3 =	vld.idx.msk [tilespmem:v4+s3+$0x0], $0xffff  }
0x4f: {  	v4 =	vadd.s32 $0x4, v2;
	_ =	sdelay $0x2  }
0x50: {  	[tilespmem:s0+$0x200] =	vst v0  }
0x51: {  	[tilespmem:s7+$0x180] =	vst v3;
	v0 =	vld.idx.msk [tilespmem:v1+s3+$0x0], $0xffff  }
0x52: {  	v1 =	vadd.s32 $0x6, v8;
	v3 =	vld.idx.msk [tilespmem:v4+s3+$0x0], $0xffff  }
0x53: {  	v4 =	vadd.s32 $0x5, v2;
	_ =	sdelay $0x2  }
0x54: {  	[tilespmem:s0+$0x280] =	vst v0  }
0x55: {  	s12 =	sand.u32 $0x3, s24;
	v6 =	vmov s20;
	[tilespmem:s7+$0x200] =	vst v3;
	v0 =	vld.idx.msk [tilespmem:v1+s3+$0x0], $0xffff  }
0x56: {  	s0 =	sshll.u32 s12, $0x5;
	v1 =	vadd.s32 $0x7, v8;
	v3 =	vld.idx.msk [tilespmem:v4+s3+$0x0], $0xffff  }
0x57: {  	s13 =	sadd.s32 $0x0, s0;
	v4 =	vadd.s32 $0x6, v2  }
0x58: {  	s14 =	sadd.s32 $0x10, s13  }
0x59: {  	s15 =	sor.u32 $0x300, s14  }
0x5a: {  	[tilespmem:v6+s15+$0x0 ss:$0x1] =	vst.idx.msk $0xffff, v0  }
0x5b: {  	s0 =	simm.s32 $0x20;
	[tilespmem:s7+$0x280] =	vst v3;
	v0 =	vld.idx.msk [tilespmem:v1+s3+$0x0], $0xffff  }
0x5c: {  	s25 =	sand.u32 $0x60, s0;
	s16 =	sand.u32 $0x380, s0;
	v1 =	vadd.s32 $0x8, v8;
	v3 =	vld.idx.msk [tilespmem:v4+s3+$0x0], $0xffff  }
0x5d: {  	s26 =	sor.u32 $0x10, s25;
	s2 =	sadd.s32 s16, s4;
	v4 =	vadd.s32 $0x7, v2  }
0x5e: {  	s17 =	sadd.s32 s26, s2  }
0x5f: {  	s6 =	sor.u32 $0x380, s14;
	s2 =	sadd.s32 $0x20, s4;
	v5 =	vld [tilespmem:s17+$0x0]  }
0x60: {  	s5 =	sor.u32 $0x300, s13;
	v7 =	vld [tilespmem:s2+$0x0];
	[tilespmem:v6+s6+$0x0 ss:$0x1] =	vst.idx.msk $0xffff, v0  }
0x61: {  	[tilespmem:v6+s5+$0x0 ss:$0x1] =	vst.idx.msk $0xffff, v3;
	v9 =	vld.idx.msk [tilespmem:v1+s3+$0x0], $0xffff  }
0x62: {  	v3 =	vadd.s32 $0x9, v8;
	v4 =	vld.idx.msk [tilespmem:v4+s3+$0x0], $0xffff  }
0x63: {  	v10 =	vadd.s32 $0x8, v2  }
0x64: {  	s18 =	sadd.s32 $0x2000, s1;
	v1 =	vmul.u32 $0x21, v5  }
0x65: {  	s21 =	sor.u32 s24, s24;
	s19 =	sadd.s32 s11, s18  }
0x66: {  	s22 =	sor.u32 $0x380, s21;
	v0 =	vmul.u32 $0x21, v7;
	[tilespmem:s19+$0x0] =	vst v9  }
0x67: {  	[tilespmem:v6+s22+$0x0 ss:$0x1] =	vst.idx.msk $0xffff, v4;
	v3 =	vld.idx.msk [tilespmem:v3+s3+$0x0], $0xffff  }
0x68: {  	v4 =	vadd.s32 $0xA, v8;
	v5 =	vld.idx.msk [tilespmem:v10+s3+$0x0], $0xffff  }
0x69: {  	v7 =	vadd.s32 $0x9, v2  }
0x6a: {  	s24 =	sadd.s32 $0x2080, s1;
	v9 =	vld.idx.msk [tilespmem:v1+s3+$0x0], $0xffff  }
0x6b: {  	s13 =	sadd.s32 s11, s24;
	s6 =	simm.s32 $0x100;
	v10 =	vadd.s32 $0x1, v1  }
0x6c: {  	s5 =	sadd.s32 s10, s18;
	s12 =	sand.u32 $0x1C00, s6;
	v11 =	vld.idx.msk [tilespmem:v0+s3+$0x0], $0xffff;
	[tilespmem:s13+$0x0] =	vst v3  }
0x6d: {  	s28 =	sadd.s32 s12, s20;
	v3 =	vadd.s32 $0x1, v0;
	[tilespmem:s5+$0x0] =	vst v5;
	v4 =	vld.idx.msk [tilespmem:v4+s3+$0x0], $0xffff  }
0x6e: {  	s7 =	sadd.s32 s26, s28;
	v5 =	vadd.s32 $0xB, v8;
	v7 =	vld.idx.msk [tilespmem:v7+s3+$0x0], $0xffff  }
0x6f: {  	[tilespmem:s7+$0x0] =	vst v9;
	v9 =	vadd.s32 $0xA, v2  }
0x70: {  	s14 =	sadd.s32 $0x2100, s1;
	s5 =	sadd.s32 s25, s28;
	v10 =	vld.idx.msk [tilespmem:v10+s3+$0x0], $0xffff  }
0x71: {  	s13 =	sadd.s32 s11, s14;
	[tilespmem:s5+$0x0] =	vst v11;
	v11 =	vadd.s32 $0x2, v1  }
0x72: {  	s8 =	sadd.s32 s10, s24;
	v3 =	vld.idx.msk [tilespmem:v3+s3+$0x0], $0xffff;
	[tilespmem:s13+$0x0] =	vst v4  }
0x73: {  	v4 =	vadd.s32 $0x2, v0;
	[tilespmem:s8+$0x0] =	vst v7;
	v5 =	vld.idx.msk [tilespmem:v5+s3+$0x0], $0xffff  }
0x74: {  	v7 =	vadd.s32 $0xC, v8;
	v9 =	vld.idx.msk [tilespmem:v9+s3+$0x0], $0xffff  }
0x75: {  	[tilespmem:s7+$0x80] =	vst v10;
	v10 =	vadd.s32 $0xB, v2  }
0x76: {  	s15 =	sadd.s32 $0x2180, s1;
	v11 =	vld.idx.msk [tilespmem:v11+s3+$0x0], $0xffff  }
0x77: {  	s16 =	sadd.s32 s11, s15;
	[tilespmem:s5+$0x80] =	vst v3;
	v3 =	vadd.s32 $0x3, v1  }
0x78: {  	s12 =	sadd.s32 s10, s14;
	v4 =	vld.idx.msk [tilespmem:v4+s3+$0x0], $0xffff;
	[tilespmem:s16+$0x0] =	vst v5  }
0x79: {  	v5 =	vadd.s32 $0x3, v0;
	[tilespmem:s12+$0x0] =	vst v9;
	v7 =	vld.idx.msk [tilespmem:v7+s3+$0x0], $0xffff  }
0x7a: {  	v9 =	vadd.s32 $0xD, v8;
	v10 =	vld.idx.msk [tilespmem:v10+s3+$0x0], $0xffff  }
0x7b: {  	[tilespmem:s7+$0x100] =	vst v11;
	v11 =	vadd.s32 $0xC, v2  }
0x7c: {  	s17 =	sadd.s32 $0x2200, s1;
	v3 =	vld.idx.msk [tilespmem:v3+s3+$0x0], $0xffff  }
0x7d: {  	s18 =	sadd.s32 s11, s17;
	[tilespmem:s5+$0x100] =	vst v4;
	v4 =	vadd.s32 $0x4, v1  }
0x7e: {  	s8 =	sadd.s32 s10, s15;
	v5 =	vld.idx.msk [tilespmem:v5+s3+$0x0], $0xffff;
	[tilespmem:s18+$0x0] =	vst v7  }
0x7f: {  	v7 =	vadd.s32 $0x4, v0;
	[tilespmem:s8+$0x0] =	vst v10;
	v9 =	vld.idx.msk [tilespmem:v9+s3+$0x0], $0xffff  }
0x80: {  	v10 =	vadd.s32 $0xE, v8;
	v11 =	vld.idx.msk [tilespmem:v11+s3+$0x0], $0xffff  }
0x81: {  	[tilespmem:s7+$0x180] =	vst v3;
	v3 =	vadd.s32 $0xD, v2  }
0x82: {  	s19 =	sadd.s32 $0x2280, s1;
	v4 =	vld.idx.msk [tilespmem:v4+s3+$0x0], $0xffff  }
0x83: {  	s21 =	sadd.s32 s11, s19;
	[tilespmem:s5+$0x180] =	vst v5;
	v5 =	vadd.s32 $0x5, v1  }
0x84: {  	s12 =	sadd.s32 s10, s17;
	v7 =	vld.idx.msk [tilespmem:v7+s3+$0x0], $0xffff;
	[tilespmem:s21+$0x0] =	vst v9  }
0x85: {  	v9 =	vadd.s32 $0x5, v0;
	[tilespmem:s12+$0x0] =	vst v11;
	v10 =	vld.idx.msk [tilespmem:v10+s3+$0x0], $0xffff  }
0x86: {  	v11 =	vadd.s32 $0xF, v8;
	v3 =	vld.idx.msk [tilespmem:v3+s3+$0x0], $0xffff  }
0x87: {  	[tilespmem:s7+$0x200] =	vst v4;
	v4 =	vadd.s32 $0xE, v2  }
0x88: {  	s22 =	sadd.s32 $0x2300, s1;
	v5 =	vld.idx.msk [tilespmem:v5+s3+$0x0], $0xffff  }
0x89: {  	s24 =	sadd.s32 s11, s22;
	[tilespmem:s5+$0x200] =	vst v7;
	v7 =	vadd.s32 $0x6, v1  }
0x8a: {  	s8 =	sadd.s32 s10, s19;
	v9 =	vld.idx.msk [tilespmem:v9+s3+$0x0], $0xffff;
	[tilespmem:s24+$0x0] =	vst v10  }
0x8b: {  	v10 =	vadd.s32 $0x6, v0;
	[tilespmem:s8+$0x0] =	vst v3;
	v11 =	vld.idx.msk [tilespmem:v11+s3+$0x0], $0xffff  }
0x8c: {  	v3 =	vadd.s32 $0x10, v8;
	v4 =	vld.idx.msk [tilespmem:v4+s3+$0x0], $0xffff  }
0x8d: {  	s14 =	simm.s32 $0x1;
	[tilespmem:s7+$0x280] =	vst v5;
	v5 =	vadd.s32 $0xF, v2  }
0x8e: {  	s8 =	sadd.s32 $0x2380, s1;
	s7 =	sand.u32 $0x3, s14;
	v7 =	vld.idx.msk [tilespmem:v7+s3+$0x0], $0xffff  }
0x8f: {  	s16 =	sadd.s32 s11, s8;
	s15 =	sshll.u32 s7, $0x5;
	[tilespmem:s5+$0x280] =	vst v9;
	v9 =	vadd.s32 $0x7, v1  }
0x90: {  	s17 =	sadd.s32 s10, s22;
	s5 =	sadd.s32 $0x100, s15;
	v10 =	vld.idx.msk [tilespmem:v10+s3+$0x0], $0xffff;
	[tilespmem:s16+$0x0] =	vst v11  }
0x91: {  	s18 =	sadd.s32 $0x10, s5;
	v11 =	vadd.s32 $0x7, v0;
	[tilespmem:s17+$0x0] =	vst v4;
	v3 =	vld.idx.msk [tilespmem:v3+s3+$0x0], $0xffff  }
0x92: {  	s19 =	sor.u32 $0x300, s18;
	v5 =	vld.idx.msk [tilespmem:v5+s3+$0x0], $0xffff  }
0x93: {  	s22 =	sadd.s32 $0x4000, s1;
	s21 =	sor.u32 $0x300, s5;
	s5 =	simm.s32 $0x40;
	v4 =	vadd.s32 $0x11, v8;
	[tilespmem:v6+s19+$0x0 ss:$0x1] =	vst.idx.msk $0xffff, v7  }
0x94: {  	s7 =	sadd.s32 $0x20, s2;
	s29 =	sand.u32 $0x60, s5;
	s14 =	sand.u32 $0x380, s5;
	v7 =	vadd.s32 $0x10, v2;
	v9 =	vld.idx.msk [tilespmem:v9+s3+$0x0], $0xffff  }
0x95: {  	s24 =	sadd.s32 s11, s22;
	v12 =	vld [tilespmem:s7+$0x0];
	s30 =	sor.u32 $0x10, s29;
	s14 =	sadd.s32 s14, s4;
	[tilespmem:v6+s21+$0x0 ss:$0x1] =	vst.idx.msk $0xffff, v10;
	v10 =	vadd.s32 $0x8, v1  }
0x96: {  	s8 =	sadd.s32 s10, s8;
	s2 =	sadd.s32 s30, s14;
	v11 =	vld.idx.msk [tilespmem:v11+s3+$0x0], $0xffff;
	[tilespmem:s24+$0x0] =	vst v3  }
0x97: {  	v13 =	vadd.s32 $0x8, v0;
	[tilespmem:s8+$0x0] =	vst v5;
	v5 =	vld [tilespmem:s2+$0x0]  }
0x98: {  	s15 =	sor.u32 $0x380, s18;
	v4 =	vld.idx.msk [tilespmem:v4+s3+$0x0], $0xffff  }
0x99: {  	s0 =	sor.u32 s6, s0;
	v7 =	vld.idx.msk [tilespmem:v7+s3+$0x0], $0xffff;
	[tilespmem:v6+s15+$0x0 ss:$0x1] =	vst.idx.msk $0xffff, v9;
	v9 =	vadd.s32 $0x12, v8  }
0x9a: {  	v14 =	vadd.s32 $0x11, v2;
	s0 =	sor.u32 $0x380, s0;
	v10 =	vld.idx.msk [tilespmem:v10+s3+$0x0], $0xffff  }
0x9b: {  	s16 =	sadd.s32 $0x4080, s1;
	v3 =	vmul.u32 $0x21, v12;
	[tilespmem:v6+s0+$0x0 ss:$0x1] =	vst.idx.msk $0xffff, v11;
	v11 =	vadd.s32 $0x9, v1  }
0x9c: {  	s17 =	sadd.s32 s11, s16;
	v12 =	vld.idx.msk [tilespmem:v13+s3+$0x0], $0xffff  }
0x9d: {  	s18 =	sadd.s32 s10, s22;
	s19 =	sadd.s32 $0x2000, s28;
	[tilespmem:s17+$0x0] =	vst v4;
	v4 =	vmul.u32 $0x21, v5;
	v5 =	vadd.s32 $0x9, v0  }
0x9e: {  	s21 =	sadd.s32 s26, s19;
	[tilespmem:s18+$0x0] =	vst v7;
	v7 =	vld.idx.msk [tilespmem:v9+s3+$0x0], $0xffff  }
0x9f: {  	v9 =	vld.idx.msk [tilespmem:v14+s3+$0x0], $0xffff;
	[tilespmem:s21+$0x0] =	vst v10;
	v10 =	vadd.s32 $0x13, v8  }
0xa0: {  	s2 =	sadd.s32 s25, s19;
	v13 =	vadd.s32 $0x12, v2;
	v11 =	vld.idx.msk [tilespmem:v11+s3+$0x0], $0xffff  }
0xa1: {  	s14 =	sadd.s32 $0x4100, s1;
	v14 =	vld.idx.msk [tilespmem:v3+s3+$0x0], $0xffff;
	[tilespmem:s2+$0x0] =	vst v12;
	v12 =	vadd.s32 $0xA, v1  }
0xa2: {  	s6 =	simm.s32 $0x200;
	s22 =	sadd.s32 s11, s14;
	v5 =	vld.idx.msk [tilespmem:v5+s3+$0x0], $0xffff  }
0xa3: {  	s24 =	sadd.s32 $0x2080, s28;
	s8 =	simm.s32 $0x60;
	s0 =	sadd.s32 s10, s16;
	v15 =	vld.idx.msk [tilespmem:v4+s3+$0x0], $0xffff;
	[tilespmem:s22+$0x0] =	vst v7;
	v7 =	vadd.s32 $0xA, v0  }
0xa4: {  	s31 =	sand.u32 $0x60, s8;
	s16 =	sadd.s32 s26, s24;
	s17 =	sand.u32 $0x380, s8;
	[tilespmem:s0+$0x0] =	vst v9;
	v9 =	vld.idx.msk [tilespmem:v10+s3+$0x0], $0xffff;
	v10 =	vadd.s32 $0x1, v4  }
0xa5: {  	s18 =	sand.u32 $0x1C00, s6;
	s15 =	sadd.s32 s17, s4;
	s2 =	sor.u32 $0x10, s31;
	v13 =	vld.idx.msk [tilespmem:v13+s3+$0x0], $0xffff;
	[tilespmem:s16+$0x0] =	vst v11;
	v11 =	vadd.s32 $0x14, v8  }
0xa6: {  	s12 =	sadd.s32 s25, s24;
	v16 =	vadd.s32 $0x1, v3;
	s19 =	sadd.s32 s2, s15;
	s0 =	sadd.s32 s18, s20;
	v12 =	vld.idx.msk [tilespmem:v12+s3+$0x0], $0xffff  }
0xa7: {  	v17 =	vadd.s32 $0x13, v2;
	s21 =	sadd.s32 $0x4180, s1;
	[tilespmem:s12+$0x0] =	vst v5;
	s12 =	sadd.s32 s30, s0;
	v5 =	vld [tilespmem:s19+$0x0]  }
0xa8: {  	s22 =	sadd.s32 s11, s21;
	[tilespmem:s12+$0x0] =	vst v15;
	v7 =	vld.idx.msk [tilespmem:v7+s3+$0x0], $0xffff;
	v15 =	vadd.s32 $0xB, v1  }
0xa9: {  	s13 =	sadd.s32 s29, s0;
	[tilespmem:s22+$0x0] =	vst v9;
	v9 =	vld.idx.msk [tilespmem:v10+s3+$0x0], $0xffff;
	v10 =	vadd.s32 $0xB, v0  }
0xaa: {  	s14 =	sadd.s32 s10, s14;
	[tilespmem:s13+$0x0] =	vst v14;
	v14 =	vadd.s32 $0x2, v4;
	s16 =	sadd.s32 $0x2100, s28;
	v11 =	vld.idx.msk [tilespmem:v11+s3+$0x0], $0xffff  }
0xab: {  	s24 =	sadd.s32 s26, s16;
	[tilespmem:s14+$0x0] =	vst v13;
	v13 =	vld.idx.msk [tilespmem:v16+s3+$0x0], $0xffff;
	v16 =	vadd.s32 $0x15, v8  }
0xac: {  	s17 =	sadd.s32 s25, s16;
	[tilespmem:s24+$0x0] =	vst v12;
	v12 =	vld.idx.msk [tilespmem:v17+s3+$0x0], $0xffff;
	v17 =	vadd.s32 $0x2, v3  }
0xad: {  	s14 =	sadd.s32 $0x4200, s1;
	[tilespmem:s17+$0x0] =	vst v7;
	v7 =	vld.idx.msk [tilespmem:v15+s3+$0x0], $0xffff;
	v15 =	vadd.s32 $0x14, v2  }
0xae: {  	s18 =	sadd.s32 s11, s14;
	[tilespmem:s12+$0x80] =	vst v9;
	v9 =	vld.idx.msk [tilespmem:v10+s3+$0x0], $0xffff;
	v10 =	vadd.s32 $0xC, v1  }
0xaf: {  	[tilespmem:s18+$0x0] =	vst v11;
	v11 =	vld.idx.msk [tilespmem:v14+s3+$0x0], $0xffff;
	v14 =	vadd.s32 $0xC, v0  }
0xb0: {  	s15 =	sadd.s32 s10, s21;
	s19 =	sadd.s32 $0x2180, s28;
	[tilespmem:s13+$0x80] =	vst v13;
	v13 =	vld.idx.msk [tilespmem:v16+s3+$0x0], $0xffff;
	v16 =	vadd.s32 $0x3, v4  }
0xb1: {  	s21 =	sadd.s32 s26, s19;
	[tilespmem:s15+$0x0] =	vst v12;
	v12 =	vld.idx.msk [tilespmem:v17+s3+$0x0], $0xffff;
	v17 =	vadd.s32 $0x16, v8  }
0xb2: {  	s22 =	sadd.s32 s25, s19;
	[tilespmem:s21+$0x0] =	vst v7;
	v7 =	vld.idx.msk [tilespmem:v15+s3+$0x0], $0xffff;
	v15 =	vadd.s32 $0x3, v3  }
0xb3: {  	s24 =	sadd.s32 $0x4280, s1;
	[tilespmem:s22+$0x0] =	vst v9;
	v9 =	vld.idx.msk [tilespmem:v10+s3+$0x0], $0xffff;
	v10 =	vadd.s32 $0x15, v2  }
0xb4: {  	s17 =	sadd.s32 s11, s24;
	[tilespmem:s12+$0x100] =	vst v11;
	v11 =	vld.idx.msk [tilespmem:v14+s3+$0x0], $0xffff;
	v14 =	vadd.s32 $0xD, v1  }
0xb5: {  	[tilespmem:s17+$0x0] =	vst v13;
	v13 =	vld.idx.msk [tilespmem:v16+s3+$0x0], $0xffff  }
0xb6: {  	s14 =	sadd.s32 s10, s14;
	s18 =	sadd.s32 $0x2200, s28;
	[tilespmem:s13+$0x100] =	vst v12;
	v16 =	vadd.s32 $0x4, v4;
	v12 =	vld.idx.msk [tilespmem:v17+s3+$0x0], $0xffff  }
0xb7: {  	s19 =	sadd.s32 s26, s18;
	[tilespmem:s14+$0x0] =	vst v7;
	v7 =	vld.idx.msk [tilespmem:v15+s3+$0x0], $0xffff;
	v15 =	vadd.s32 $0x17, v8  }
0xb8: {  	[tilespmem:s19+$0x0] =	vst v9;
	v9 =	vld.idx.msk [tilespmem:v10+s3+$0x0], $0xffff;
	v10 =	vadd.s32 $0x4, v3  }
0xb9: {  	v17 =	vadd.s32 $0xD, v0;
	s14 =	sadd.s32 $0x20, s7;
	s7 =	sadd.s32 $0x4300, s1;
	v14 =	vld.idx.msk [tilespmem:v14+s3+$0x0], $0xffff  }
0xba: {  	v18 =	vld [tilespmem:s14+$0x0];
	s17 =	sadd.s32 s11, s7;
	[tilespmem:s12+$0x180] =	vst v13;
	v13 =	vadd.s32 $0xE, v1  }
0xbb: {  	[tilespmem:s17+$0x0] =	vst v12;
	v12 =	vadd.s32 $0x16, v2;
	v16 =	vld.idx.msk [tilespmem:v16+s3+$0x0], $0xffff  }
0xbc: {  	s16 =	sadd.s32 s25, s18;
	s21 =	sadd.s32 $0x2280, s28;
	[tilespmem:s13+$0x180] =	vst v7;
	v7 =	vld.idx.msk [tilespmem:v15+s3+$0x0], $0xffff;
	v15 =	vadd.s32 $0x5, v4  }
0xbd: {  	s22 =	sadd.s32 s26, s21;
	[tilespmem:s16+$0x0] =	vst v11;
	v11 =	vadd.s32 $0x18, v8;
	v10 =	vld.idx.msk [tilespmem:v10+s3+$0x0], $0xffff  }
0xbe: {  	s15 =	sadd.s32 s10, s24;
	[tilespmem:s22+$0x0] =	vst v14;
	v14 =	vld.idx.msk [tilespmem:v17+s3+$0x0], $0xffff;
	v17 =	vadd.s32 $0x5, v3  }
0xbf: {  	[tilespmem:s15+$0x0] =	vst v9;
	v9 =	vadd.s32 $0xE, v0;
	s15 =	sadd.s32 $0x4380, s1;
	v13 =	vld.idx.msk [tilespmem:v13+s3+$0x0], $0xffff  }
0xc0: {  	s24 =	sadd.s32 s11, s15;
	v12 =	vld.idx.msk [tilespmem:v12+s3+$0x0], $0xffff;
	[tilespmem:s12+$0x200] =	vst v16;
	v16 =	vadd.s32 $0xF, v1  }
0xc1: {  	[tilespmem:s24+$0x0] =	vst v7;
	v7 =	vadd.s32 $0x17, v2;
	v15 =	vld.idx.msk [tilespmem:v15+s3+$0x0], $0xffff  }
0xc2: {  	s18 =	sadd.s32 s25, s21;
	s19 =	sadd.s32 $0x2300, s28;
	[tilespmem:s13+$0x200] =	vst v10;
	v10 =	vld.idx.msk [tilespmem:v11+s3+$0x0], $0xffff;
	v11 =	vadd.s32 $0x6, v4  }
0xc3: {  	s21 =	sadd.s32 s26, s19;
	[tilespmem:s18+$0x0] =	vst v14;
	v14 =	vld.idx.msk [tilespmem:v17+s3+$0x0], $0xffff;
	v17 =	vadd.s32 $0x19, v8  }
0xc4: {  	s7 =	sadd.s32 s10, s7;
	[tilespmem:s21+$0x0] =	vst v13;
	v9 =	vld.idx.msk [tilespmem:v9+s3+$0x0], $0xffff;
	v13 =	vadd.s32 $0x6, v3  }
0xc5: {  	[tilespmem:s7+$0x0] =	vst v12;
	v12 =	vadd.s32 $0xF, v0;
	v16 =	vld.idx.msk [tilespmem:v16+s3+$0x0], $0xffff;
	s7 =	sadd.s32 $0x6000, s1  }
0xc6: {  	[tilespmem:s12+$0x280] =	vst v15;
	v7 =	vld.idx.msk [tilespmem:v7+s3+$0x0], $0xffff;
	v15 =	vadd.s32 $0x10, v1;
	s22 =	sadd.s32 s11, s7;
	s12 =	simm.s32 $0x2  }
0xc7: {  	[tilespmem:s22+$0x0] =	vst v10;
	v10 =	vadd.s32 $0x18, v2;
	v11 =	vld.idx.msk [tilespmem:v11+s3+$0x0], $0xffff;
	s24 =	sand.u32 $0x3, s12  }
0xc8: {  	s17 =	sadd.s32 $0x2380, s28;
	s18 =	sadd.s32 s25, s19;
	[tilespmem:s13+$0x280] =	vst v14;
	v14 =	vld.idx.msk [tilespmem:v17+s3+$0x0], $0xffff;
	s16 =	sshll.u32 s24, $0x5;
	v17 =	vadd.s32 $0x7, v4  }
0xc9: {  	s21 =	sadd.s32 s26, s17;
	[tilespmem:s18+$0x0] =	vst v9;
	v9 =	vld.idx.msk [tilespmem:v13+s3+$0x0], $0xffff;
	s19 =	sadd.s32 $0x200, s16;
	v13 =	vadd.s32 $0x1A, v8  }
0xca: {  	s15 =	sadd.s32 s10, s15;
	[tilespmem:s21+$0x0] =	vst v16;
	v12 =	vld.idx.msk [tilespmem:v12+s3+$0x0], $0xffff;
	v16 =	vadd.s32 $0x7, v3;
	s16 =	sadd.s32 $0x10, s19  }
0xcb: {  	s18 =	sadd.s32 $0x6080, s1;
	[tilespmem:s15+$0x0] =	vst v7;
	v7 =	vadd.s32 $0x10, v0;
	v15 =	vld.idx.msk [tilespmem:v15+s3+$0x0], $0xffff;
	s22 =	sor.u32 $0x300, s16  }
0xcc: {  	s24 =	sadd.s32 s11, s18;
	[tilespmem:v6+s22+$0x0 ss:$0x1] =	vst.idx.msk $0xffff, v11;
	v10 =	vld.idx.msk [tilespmem:v10+s3+$0x0], $0xffff;
	v11 =	vadd.s32 $0x11, v1  }
0xcd: {  	s13 =	sor.u32 $0x300, s19;
	[tilespmem:s24+$0x0] =	vst v14;
	v14 =	vadd.s32 $0x19, v2;
	v17 =	vld.idx.msk [tilespmem:v17+s3+$0x0], $0xffff  }
0xce: {  	s19 =	sadd.s32 s25, s17;
	s21 =	sadd.s32 $0x4000, s28;
	[tilespmem:v6+s13+$0x0 ss:$0x1] =	vst.idx.msk $0xffff, v9;
	v9 =	vld.idx.msk [tilespmem:v13+s3+$0x0], $0xffff;
	v13 =	vadd.s32 $0x8, v4  }
0xcf: {  	s22 =	sadd.s32 s26, s21;
	[tilespmem:s19+$0x0] =	vst v12;
	v12 =	vld.idx.msk [tilespmem:v16+s3+$0x0], $0xffff;
	v16 =	vadd.s32 $0x1B, v8  }
0xd0: {  	v19 =	vadd.s32 $0x8, v3;
	s7 =	sadd.s32 s10, s7;
	[tilespmem:s22+$0x0] =	vst v15;
	v15 =	vld.idx.msk [tilespmem:v7+s3+$0x0], $0xffff  }
0xd1: {  	s24 =	sor.u32 $0x380, s16;
	s13 =	sadd.s32 $0x6100, s1;
	v7 =	vmul.u32 $0x21, v18;
	[tilespmem:s7+$0x0] =	vst v10;
	v10 =	vld.idx.msk [tilespmem:v11+s3+$0x0], $0xffff;
	v11 =	vadd.s32 $0x11, v0  }
0xd2: {  	s5 =	sor.u32 s6, s5;
	s7 =	sadd.s32 s11, s13;
	[tilespmem:v6+s24+$0x0 ss:$0x1] =	vst.idx.msk $0xffff, v17;
	v14 =	vld.idx.msk [tilespmem:v14+s3+$0x0], $0xffff  }
0xd3: {  	s5 =	sor.u32 $0x380, s5;
	v17 =	vadd.s32 $0x12, v1;
	[tilespmem:s7+$0x0] =	vst v9;
	v9 =	vld.idx.msk [tilespmem:v13+s3+$0x0], $0xffff  }
0xd4: {  	s16 =	sadd.s32 s25, s21;
	v13 =	vadd.s32 $0x1A, v2;
	s7 =	sadd.s32 $0x4080, s28;
	[tilespmem:v6+s5+$0x0 ss:$0x1] =	vst.idx.msk $0xffff, v12;
	v12 =	vld.idx.msk [tilespmem:v16+s3+$0x0], $0xffff  }
0xd5: {  	v16 =	vadd.s32 $0x9, v4;
	s17 =	sadd.s32 s26, s7;
	[tilespmem:s16+$0x0] =	vst v15;
	v15 =	vld.idx.msk [tilespmem:v19+s3+$0x0], $0xffff  }
0xd6: {  	s19 =	sadd.s32 s10, s18;
	v11 =	vld.idx.msk [tilespmem:v11+s3+$0x0], $0xffff;
	[tilespmem:s17+$0x0] =	vst v10;
	v10 =	vadd.s32 $0x1C, v8  }
0xd7: {  	v5 =	vmul.u32 $0x21, v5;
	s21 =	sadd.s32 $0x2000, s0;
	v18 =	vld.idx.msk [tilespmem:v7+s3+$0x0], $0xffff;
	[tilespmem:s19+$0x0] =	vst v14;
	v14 =	vadd.s32 $0x9, v3  }
0xd8: {  	s22 =	sadd.s32 s30, s21;
	s5 =	sadd.s32 $0x6180, s1;
	v17 =	vld.idx.msk [tilespmem:v17+s3+$0x0], $0xffff  }
0xd9: {  	s24 =	sadd.s32 s11, s5;
	v13 =	vld.idx.msk [tilespmem:v13+s3+$0x0], $0xffff;
	[tilespmem:s22+$0x0] =	vst v9;
	v9 =	vadd.s32 $0x13, v1  }
0xda: {  	s6 =	sadd.s32 s29, s21;
	[tilespmem:s24+$0x0] =	vst v12;
	v12 =	vld.idx.msk [tilespmem:v16+s3+$0x0], $0xffff;
	v16 =	vadd.s32 $0x12, v0  }
0xdb: {  	s18 =	sadd.s32 s25, s7;
	s17 =	sadd.s32 $0x4100, s28;
	[tilespmem:s6+$0x0] =	vst v15;
	v15 =	vadd.s32 $0x1B, v2;
	v10 =	vld.idx.msk [tilespmem:v10+s3+$0x0], $0xffff  }
0xdc: {  	v19 =	vadd.s32 $0xA, v4;
	s16 =	sadd.s32 s26, s17;
	[tilespmem:s18+$0x0] =	vst v11;
	v14 =	vld.idx.msk [tilespmem:v14+s3+$0x0], $0xffff  }
0xdd: {  	v20 =	vadd.s32 $0x1D, v8;
	s21 =	sadd.s32 $0x2080, s0;
	s19 =	sadd.s32 s10, s13;
	[tilespmem:s16+$0x0] =	vst v17;
	v17 =	vld.idx.msk [tilespmem:v5+s3+$0x0], $0xffff  }
0xde: {  	s13 =	simm.s32 $0x300;
	s22 =	sadd.s32 s30, s21;
	s6 =	sadd.s32 $0x6200, s1;
	v11 =	vadd.s32 $0xA, v3;
	v21 =	vld.idx.msk [tilespmem:v9+s3+$0x0], $0xffff;
	[tilespmem:s19+$0x0] =	vst v13  }
0xdf: {  	s24 =	sand.u32 $0x1C00, s13;
	s18 =	sadd.s32 s11, s6;
	v13 =	vadd.s32 $0x1, v5;
	v16 =	vld.idx.msk [tilespmem:v16+s3+$0x0], $0xffff;
	[tilespmem:s22+$0x0] =	vst v12  }
0xe0: {  	s15 =	sadd.s32 s29, s21;
	s7 =	sadd.s32 s24, s20;
	v12 =	vadd.s32 $0x14, v1;
	v9 =	vld.idx.msk [tilespmem:v15+s3+$0x0], $0xffff;
	[tilespmem:s18+$0x0] =	vst v10  }
0xe1: {  	s16 =	sadd.s32 s2, s7;
	v15 =	vld.idx.msk [tilespmem:v19+s3+$0x0], $0xffff;
	v10 =	vadd.s32 $0x1, v7;
	s18 =	sadd.s32 $0x4180, s28;
	[tilespmem:s15+$0x0] =	vst v14  }
0xe2: {  	v14 =	vadd.s32 $0x13, v0;
	v19 =	vld.idx.msk [tilespmem:v20+s3+$0x0], $0xffff;
	[tilespmem:s16+$0x0] =	vst v17;
	s19 =	sadd.s32 s26, s18  }
0xe3: {  	v17 =	vadd.s32 $0xB, v4;
	s15 =	sadd.s32 s31, s7;
	v11 =	vld.idx.msk [tilespmem:v11+s3+$0x0], $0xffff;
	[tilespmem:s19+$0x0] =	vst v21  }
0xe4: {  	s17 =	sadd.s32 s25, s17;
	v20 =	vadd.s32 $0x1E, v8;
	v13 =	vld.idx.msk [tilespmem:v13+s3+$0x0], $0xffff;
	[tilespmem:s15+$0x0] =	vst v18;
	s19 =	sadd.s32 $0x2100, s0  }
0xe5: {  	s22 =	sadd.s32 $0x6280, s1;
	v18 =	vadd.s32 $0xB, v3;
	v12 =	vld.idx.msk [tilespmem:v12+s3+$0x0], $0xffff;
	[tilespmem:s17+$0x0] =	vst v16;
	s21 =	sadd.s32 s30, s19  }
0xe6: {  	s24 =	sadd.s32 s11, s22;
	v16 =	vadd.s32 $0x2, v5;
	[tilespmem:s21+$0x0] =	vst v15;
	v10 =	vld.idx.msk [tilespmem:v10+s3+$0x0], $0xffff  }
0xe7: {  	v15 =	vadd.s32 $0x15, v1;
	s21 =	sadd.s32 s29, s19;
	v14 =	vld.idx.msk [tilespmem:v14+s3+$0x0], $0xffff;
	[tilespmem:s24+$0x0] =	vst v19  }
0xe8: {  	s17 =	sadd.s32 $0x4200, s28;
	v19 =	vadd.s32 $0x2, v7;
	v17 =	vld.idx.msk [tilespmem:v17+s3+$0x0], $0xffff;
	[tilespmem:s21+$0x0] =	vst v11  }
0xe9: {  	s24 =	sadd.s32 s26, s17;
	v11 =	vadd.s32 $0x14, v0;
	v20 =	vld.idx.msk [tilespmem:v20+s3+$0x0], $0xffff;
	[tilespmem:s16+$0x80] =	vst v13  }
0xea: {  	v13 =	vld.idx.msk [tilespmem:v18+s3+$0x0], $0xffff;
	[tilespmem:s24+$0x0] =	vst v12  }
0xeb: {  	s18 =	sadd.s32 s25, s18;
	s19 =	sadd.s32 $0x2180, s0;
	v18 =	vadd.s32 $0xC, v4;
	v12 =	vld.idx.msk [tilespmem:v16+s3+$0x0], $0xffff;
	[tilespmem:s15+$0x80] =	vst v10  }
0xec: {  	v8 =	vadd.s32 $0x1F, v8;
	s21 =	sadd.s32 s30, s19;
	s24 =	sadd.s32 $0x6300, s1;
	v15 =	vld.idx.msk [tilespmem:v15+s3+$0x0], $0xffff;
	[tilespmem:s18+$0x0] =	vst v14  }
0xed: {  	v16 =	vadd.s32 $0x3, v5;
	v14 =	vld.idx.msk [tilespmem:v19+s3+$0x0], $0xffff;
	[tilespmem:s21+$0x0] =	vst v17;
	s21 =	sadd.s32 s11, s24  }
0xee: {  	s19 =	sadd.s32 s29, s19;
	v10 =	vadd.s32 $0xC, v3;
	v11 =	vld.idx.msk [tilespmem:v11+s3+$0x0], $0xffff;
	[tilespmem:s21+$0x0] =	vst v20  }
0xef: {  	p2 =	seq.s32 s9, $0x0;
	v17 =	vadd.s32 $0x16, v1;
	[tilespmem:s19+$0x0] =	vst v13;
	s19 =	sadd.s32 $0x4280, s28  }
0xf0: {  	s18 =	sadd.s32 $0x6380, s1;
	s1 =	sadd.s32 s10, s24;
	v18 =	vld.idx.msk [tilespmem:v18+s3+$0x0], $0xffff;
	[tilespmem:s16+$0x100] =	vst v12;
	s24 =	sadd.s32 s26, s19  }
0xf1: {  	s6 =	sadd.s32 s10, s6;
	s17 =	sadd.s32 s25, s17;
	v19 =	vadd.s32 $0x3, v7;
	s21 =	sadd.s32 s10, s5;
	v63 =	vld.idx.msk [tilespmem:v8+s3+$0x0], $0xffff;
	[tilespmem:s24+$0x0] =	vst v15  }
0xf2: {  	s5 =	sadd.s32 s10, s22;
	v20 =	vadd.s32 $0x15, v0;
	s10 =	sadd.s32 s10, s18;
	s11 =	sadd.s32 s11, s18;
	v16 =	vld.idx.msk [tilespmem:v16+s3+$0x0], $0xffff;
	[tilespmem:s15+$0x100] =	vst v14  }
0xf3: {  	s18 =	sadd.s32 $0xFFFFFFFF, s9;
	s22 =	sadd.s32 $0x2200, s0;
	v12 =	vadd.s32 $0xD, v4;
	v13 =	vld.idx.msk [tilespmem:v10+s3+$0x0], $0xffff;
	[tilespmem:s17+$0x0] =	vst v11;
	s17 =	sadd.s32 s23, s9  }
0xf4: {  	s18 =	simm.s32 @p2 $0x27;
	s24 =	sadd.s32 s30, s22;
	v8 =	vld.idx.msk [tilespmem:v17+s3+$0x0], $0xffff;
	[dreg:$0x14] =	wrdreg s17  }
0xf5: {  	v15 =	vadd.s32 $0xD, v3;
	[tilespmem:s24+$0x0] =	vst v18;
	s24 =	sadd.s32 s23, s18  }
0xf6: {  	s9 =	sor.u32 s13, s8;
	v17 =	vld.idx.msk [tilespmem:v19+s3+$0x0], $0xffff;
	v18 =	vadd.s32 $0x4, v5;
	[dreg:$0x13] =	wrdreg s24  }
0xf7: {  	v11 =	vadd.s32 $0x17, v1;
	s17 =	sor.u32 $0x380, s9;
	s9 =	sadd.s32 s25, s19;
	v10 =	vld.idx.msk [tilespmem:v20+s3+$0x0], $0xffff  }
0xf8: {  	s19 =	sadd.s32 s29, s22;
	s22 =	simm.s32 $0x6;
	v19 =	vadd.s32 $0x4, v7;
	s24 =	sadd.s32 $0x20, s14;
	[tilespmem:s11+$0x0] =	vst v63;
	v14 =	vld.idx.msk [tilespmem:v12+s3+$0x0], $0xffff  }
.LBB2_5:
0xf9: {  	v12 =	vld [tilespmem:s24+$0x0];
	[tilespmem:s19+$0x0] =	vst v13;
	v13 =	vadd.s32 $0x16, v0;
	s11 =	sadd.s32 $0x4300, s28;
	s14 =	smov.u32 s26;
	s26 =	smov.u32 s30  }
0xfa: {  	s30 =	smov.u32 s2;
	[tilespmem:s16+$0x180] =	vst v16;
	v15 =	vld.idx.msk [tilespmem:v15+s3+$0x0], $0xffff;
	v16 =	vadd.s32 $0xE, v4;
	s19 =	sadd.s32 s25, s11;
	s11 =	sadd.s32 s14, s11  }
0xfb: {  	s18 =	smov.u32 s28;
	s28 =	smov.u32 s0;
	s0 =	smov.u32 s7;
	v18 =	vld.idx.msk [tilespmem:v18+s3+$0x0], $0xffff;
	[tilespmem:s11+$0x0] =	vst v8;
	v8 =	vadd.s32 $0x1C, v2  }
0xfc: {  	s2 =	sadd.s32 $0x2280, s28;
	[tilespmem:s15+$0x180] =	vst v17;
	v17 =	vadd.s32 $0xE, v3;
	v11 =	vld.idx.msk [tilespmem:v11+s3+$0x0], $0xffff  }
0xfd: {  	v20 =	vadd.s32 $0x5, v5;
	s7 =	sadd.s32 s29, s2;
	s2 =	sadd.s32 s26, s2;
	v19 =	vld.idx.msk [tilespmem:v19+s3+$0x0], $0xffff;
	[tilespmem:s9+$0x0] =	vst v10  }
0xfe: {  	[tilespmem:s2+$0x0] =	vst v14;
	v10 =	vld.idx.msk [tilespmem:v13+s3+$0x0], $0xffff;
	v13 =	vadd.s32 $0x18, v1  }
0xff: {  	v14 =	vadd.s32 $0x5, v7;
	v16 =	vld.idx.msk [tilespmem:v16+s3+$0x0], $0xffff;
	[tilespmem:s21+$0x0] =	vst v9  }
0x100: {  	s2 =	sadd.s32 $0x4380, s18;
	v9 =	vadd.s32 $0x17, v0;
	[tilespmem:s7+$0x0] =	vst v15;
	v8 =	vld.idx.msk [tilespmem:v8+s3+$0x0], $0xffff  }
0x101: {  	s7 =	sadd.s32 s25, s2;
	s2 =	sadd.s32 s14, s2;
	[tilespmem:s16+$0x200] =	vst v18;
	v15 =	vld.idx.msk [tilespmem:v17+s3+$0x0], $0xffff;
	v17 =	vadd.s32 $0xF, v4  }
0x102: {  	v18 =	vld.idx.msk [tilespmem:v20+s3+$0x0], $0xffff;
	[tilespmem:s2+$0x0] =	vst v11;
	v11 =	vadd.s32 $0x1D, v2  }
0x103: {  	s2 =	sadd.s32 $0x2300, s28;
	[tilespmem:s15+$0x200] =	vst v19;
	v19 =	vadd.s32 $0xF, v3;
	v13 =	vld.idx.msk [tilespmem:v13+s3+$0x0], $0xffff  }
0x104: {  	v20 =	vadd.s32 $0x6, v5;
	s9 =	sadd.s32 s29, s2;
	s2 =	sadd.s32 s26, s2;
	v14 =	vld.idx.msk [tilespmem:v14+s3+$0x0], $0xffff;
	[tilespmem:s19+$0x0] =	vst v10  }
0x105: {  	v10 =	vadd.s32 $0x19, v1;
	[tilespmem:s2+$0x0] =	vst v16;
	v9 =	vld.idx.msk [tilespmem:v9+s3+$0x0], $0xffff  }
0x106: {  	v16 =	vadd.s32 $0x6, v7;
	v17 =	vld.idx.msk [tilespmem:v17+s3+$0x0], $0xffff;
	[tilespmem:s6+$0x0] =	vst v8  }
0x107: {  	s2 =	sadd.s32 $0x6000, s18;
	v8 =	vadd.s32 $0x18, v0;
	[tilespmem:s9+$0x0] =	vst v15;
	v11 =	vld.idx.msk [tilespmem:v11+s3+$0x0], $0xffff  }
0x108: {  	s6 =	sadd.s32 s25, s2;
	s2 =	sadd.s32 s14, s2;
	[tilespmem:s16+$0x280] =	vst v18;
	v15 =	vld.idx.msk [tilespmem:v19+s3+$0x0], $0xffff;
	v18 =	vadd.s32 $0x10, v4  }
0x109: {  	s12 =	sadd.s32 $0x1, s12;
	v19 =	vld.idx.msk [tilespmem:v20+s3+$0x0], $0xffff;
	[tilespmem:s2+$0x0] =	vst v13;
	v13 =	vadd.s32 $0x1E, v2  }
0x10a: {  	s9 =	sadd.s32 $0x2380, s28;
	s2 =	sand.u32 $0x3, s12;
	[tilespmem:s15+$0x280] =	vst v14;
	v14 =	vadd.s32 $0x10, v3;
	v10 =	vld.idx.msk [tilespmem:v10+s3+$0x0], $0xffff  }
0x10b: {  	s11 =	sadd.s32 s29, s9;
	s9 =	sadd.s32 s26, s9;
	v20 =	vadd.s32 $0x7, v5;
	s2 =	sshll.u32 s2, $0x5;
	v16 =	vld.idx.msk [tilespmem:v16+s3+$0x0], $0xffff;
	[tilespmem:s7+$0x0] =	vst v9  }
0x10c: {  	s2 =	sadd.s32 s2, s13;
	v9 =	vadd.s32 $0x1A, v1;
	[tilespmem:s9+$0x0] =	vst v17;
	v8 =	vld.idx.msk [tilespmem:v8+s3+$0x0], $0xffff  }
0x10d: {  	s7 =	sor.u32 $0x300, s2;
	v17 =	vadd.s32 $0x7, v7;
	s9 =	sadd.s32 $0x10, s2;
	v18 =	vld.idx.msk [tilespmem:v18+s3+$0x0], $0xffff;
	[tilespmem:s5+$0x0] =	vst v11  }
0x10e: {  	s2 =	sor.u32 $0x300, s9;
	v11 =	vadd.s32 $0x19, v0;
	s5 =	sadd.s32 $0x6080, s18;
	[tilespmem:s11+$0x0] =	vst v15;
	v13 =	vld.idx.msk [tilespmem:v13+s3+$0x0], $0xffff  }
0x10f: {  	v15 =	vadd.s32 $0x11, v4;
	s15 =	sadd.s32 s25, s5;
	[tilespmem:v6+s2+$0x0 ss:$0x1] =	vst.idx.msk $0xffff, v19;
	v14 =	vld.idx.msk [tilespmem:v14+s3+$0x0], $0xffff;
	s2 =	sadd.s32 s14, s5  }
0x110: {  	v19 =	vld.idx.msk [tilespmem:v20+s3+$0x0], $0xffff;
	[tilespmem:s2+$0x0] =	vst v10;
	v10 =	vadd.s32 $0x1F, v2;
	v2 =	vmovc v0;
	v0 =	vmov v3;
	v3 =	vmov v7  }
0x111: {  	s2 =	sadd.s32 $0x4000, s28;
	[tilespmem:v6+s7+$0x0 ss:$0x1] =	vst.idx.msk $0xffff, v16;
	v9 =	vld.idx.msk [tilespmem:v9+s3+$0x0], $0xffff  }
0x112: {  	s8 =	sadd.s32 $0x20, s8;
	s5 =	sadd.s32 s29, s2;
	s2 =	sadd.s32 s26, s2;
	v16 =	vld.idx.msk [tilespmem:v17+s3+$0x0], $0xffff;
	v17 =	vadd.s32 $0x8, v5;
	[tilespmem:s6+$0x0] =	vst v8  }
0x113: {  	s22 =	sadd.s32 $0x2, s22;
	s11 =	sand.u32 $0x60, s8;
	s6 =	sand.u32 $0x380, s8;
	[tilespmem:s2+$0x0] =	vst v18;
	v8 =	vld.idx.msk [tilespmem:v11+s3+$0x0], $0xffff;
	v11 =	vadd.s32 $0x1B, v1  }
0x114: {  	p2 =	slt.u32 s22, $0x3C;
	s2 =	sor.u32 $0x10, s11;
	s6 =	sadd.s32 s6, s4;
	v18 =	vadd.s32 $0x8, v3;
	v15 =	vld.idx.msk [tilespmem:v15+s3+$0x0], $0xffff;
	[tilespmem:s1+$0x0] =	vst v13  }
0x115: {  	s1 =	sadd.s32 s2, s6;
	s6 =	sor.u32 $0x380, s9;
	v13 =	vadd.s32 $0x11, v0;
	[tilespmem:s5+$0x0] =	vst v14;
	s5 =	sadd.s32 $0x6100, s18;
	v10 =	vld.idx.msk [tilespmem:v10+s3+$0x0], $0xffff  }
0x116: {  	v14 =	vld [tilespmem:s1+$0x0];
	[tilespmem:v6+s6+$0x0 ss:$0x1] =	vst.idx.msk $0xffff, v19;
	v19 =	vadd.s32 $0x12, v4;
	s1 =	sadd.s32 s25, s5;
	s5 =	sadd.s32 s14, s5  }
0x117: {  	v7 =	vmul.u32 $0x21, v12;
	v12 =	vld.idx.msk [tilespmem:v17+s3+$0x0], $0xffff;
	v17 =	vadd.s32 $0x1A, v2;
	[tilespmem:s5+$0x0] =	vst v9  }
0x118: {  	s5 =	sadd.s32 $0x4080, s28;
	[tilespmem:v6+s17+$0x0 ss:$0x1] =	vst.idx.msk $0xffff, v16;
	v9 =	vld.idx.msk [tilespmem:v11+s3+$0x0], $0xffff  }
0x119: {  	v16 =	vadd.s32 $0x9, v5;
	s6 =	sadd.s32 s29, s5;
	s5 =	sadd.s32 s26, s5;
	v11 =	vld.idx.msk [tilespmem:v18+s3+$0x0], $0xffff;
	[tilespmem:s15+$0x0] =	vst v8  }
0x11a: {  	v8 =	vld.idx.msk [tilespmem:v13+s3+$0x0], $0xffff;
	[tilespmem:s5+$0x0] =	vst v15;
	v13 =	vadd.s32 $0x1C, v1  }
0x11b: {  	s5 =	sadd.s32 $0x2000, s0;
	v15 =	vadd.s32 $0x9, v3;
	v14 =	vmul.u32 $0x21, v14;
	v18 =	vld.idx.msk [tilespmem:v19+s3+$0x0], $0xffff;
	[tilespmem:s10+$0x0] =	vst v10  }
0x11c: {  	s9 =	sadd.s32 $0x6180, s18;
	s7 =	sadd.s32 s31, s5;
	s5 =	sadd.s32 s30, s5;
	v10 =	vld.idx.msk [tilespmem:v17+s3+$0x0], $0xffff  }
0x11d: {  	s21 =	sadd.s32 s25, s9;
	v17 =	vld.idx.msk [tilespmem:v7+s3+$0x0], $0xffff;
	[tilespmem:s5+$0x0] =	vst v12;
	v12 =	vadd.s32 $0x13, v4;
	s5 =	sadd.s32 s14, s9  }
0x11e: {  	v19 =	vadd.s32 $0x12, v0;
	v16 =	vld.idx.msk [tilespmem:v16+s3+$0x0], $0xffff;
	[tilespmem:s5+$0x0] =	vst v9  }
0x11f: {  	s5 =	sadd.s32 $0x4100, s28;
	v9 =	vadd.s32 $0x1B, v2;
	[tilespmem:s7+$0x0] =	vst v11;
	v11 =	vld.idx.msk [tilespmem:v13+s3+$0x0], $0xffff  }
0x120: {  	s9 =	sadd.s32 s29, s5;
	s5 =	sadd.s32 s26, s5;
	v13 =	vld.idx.msk [tilespmem:v15+s3+$0x0], $0xffff;
	v15 =	vadd.s32 $0xA, v5;
	[tilespmem:s6+$0x0] =	vst v8  }
0x121: {  	v8 =	vld.idx.msk [tilespmem:v14+s3+$0x0], $0xffff;
	[tilespmem:s5+$0x0] =	vst v18;
	v18 =	vadd.s32 $0x1D, v1  }
0x122: {  	v20 =	vadd.s32 $0xA, v3;
	s5 =	sadd.s32 $0x2080, s0;
	v12 =	vld.idx.msk [tilespmem:v12+s3+$0x0], $0xffff;
	[tilespmem:s1+$0x0] =	vst v10  }
0x123: {  	s13 =	sadd.s32 $0x100, s13;
	s6 =	sadd.s32 $0x6200, s18;
	v10 =	vadd.s32 $0x1, v14;
	s1 =	sadd.s32 s30, s5;
	v19 =	vld.idx.msk [tilespmem:v19+s3+$0x0], $0xffff  }
0x124: {  	s10 =	sor.u32 s13, s8;
	s7 =	sand.u32 $0x1C00, s13;
	[tilespmem:s1+$0x0] =	vst v16;
	v16 =	vadd.s32 $0x14, v4;
	v9 =	vld.idx.msk [tilespmem:v9+s3+$0x0], $0xffff;
	s1 =	sadd.s32 s14, s6  }
0x125: {  	v21 =	vadd.s32 $0x1, v7;
	s17 =	sor.u32 $0x380, s10;
	s7 =	sadd.s32 s7, s20;
	s5 =	sadd.s32 s31, s5;
	v15 =	vld.idx.msk [tilespmem:v15+s3+$0x0], $0xffff;
	[tilespmem:s1+$0x0] =	vst v11  }
0x126: {  	s15 =	sadd.s32 s11, s7;
	s16 =	sadd.s32 s2, s7;
	v11 =	vadd.s32 $0x13, v0;
	s1 =	sadd.s32 $0x4180, s28;
	[tilespmem:s5+$0x0] =	vst v13;
	v13 =	vld.idx.msk [tilespmem:v18+s3+$0x0], $0xffff  }
0x127: {  	s6 =	sadd.s32 s25, s6;
	v18 =	vadd.s32 $0xB, v5;
	s10 =	sadd.s32 s29, s1;
	s1 =	sadd.s32 s26, s1;
	[tilespmem:s16+$0x0] =	vst v8;
	v8 =	vld.idx.msk [tilespmem:v20+s3+$0x0], $0xffff  }
0x128: {  	v10 =	vld.idx.msk [tilespmem:v10+s3+$0x0], $0xffff;
	[tilespmem:s1+$0x0] =	vst v12;
	v12 =	vadd.s32 $0x1E, v1  }
0x129: {  	s1 =	sadd.s32 $0x2100, s0;
	[tilespmem:s15+$0x0] =	vst v17;
	v17 =	vadd.s32 $0xB, v3;
	v16 =	vld.idx.msk [tilespmem:v16+s3+$0x0], $0xffff  }
0x12a: {  	s19 =	sadd.s32 s31, s1;
	s1 =	sadd.s32 s30, s1;
	v20 =	vld.idx.msk [tilespmem:v21+s3+$0x0], $0xffff;
	v21 =	vadd.s32 $0x2, v14;
	[tilespmem:s9+$0x0] =	vst v19;
	s9 =	sadd.s32 $0x6280, s18  }
0x12b: {  	[tilespmem:s1+$0x0] =	vst v15;
	v11 =	vld.idx.msk [tilespmem:v11+s3+$0x0], $0xffff;
	v15 =	vadd.s32 $0x15, v4;
	s5 =	sadd.s32 s25, s9;
	s1 =	sadd.s32 s14, s9  }
0x12c: {  	v19 =	vadd.s32 $0x2, v7;
	v18 =	vld.idx.msk [tilespmem:v18+s3+$0x0], $0xffff;
	[tilespmem:s1+$0x0] =	vst v13  }
0x12d: {  	s1 =	sadd.s32 $0x4200, s28;
	[tilespmem:s19+$0x0] =	vst v8;
	v8 =	vadd.s32 $0x14, v0;
	v12 =	vld.idx.msk [tilespmem:v12+s3+$0x0], $0xffff  }
0x12e: {  	v13 =	vadd.s32 $0xC, v5;
	s23 =	sadd.s32 s29, s1;
	s1 =	sadd.s32 s26, s1;
	[tilespmem:s16+$0x80] =	vst v10;
	v10 =	vld.idx.msk [tilespmem:v17+s3+$0x0], $0xffff  }
0x12f: {  	v17 =	vld.idx.msk [tilespmem:v21+s3+$0x0], $0xffff;
	[tilespmem:s1+$0x0] =	vst v16;
	v16 =	vadd.s32 $0x1F, v1;
	v1 =	vmovc v4;
	v4 =	vmov v5;
	v5 =	vmov v14  }
0x130: {  	s1 =	sadd.s32 $0x2180, s0;
	v14 =	vadd.s32 $0xC, v3;
	[tilespmem:s15+$0x80] =	vst v20;
	v15 =	vld.idx.msk [tilespmem:v15+s3+$0x0], $0xffff  }
0x131: {  	v20 =	vadd.s32 $0x3, v5;
	s9 =	sadd.s32 s31, s1;
	s1 =	sadd.s32 s30, s1;
	v19 =	vld.idx.msk [tilespmem:v19+s3+$0x0], $0xffff;
	[tilespmem:s10+$0x0] =	vst v11;
	s10 =	sadd.s32 $0x6300, s18  }
0x132: {  	[tilespmem:s1+$0x0] =	vst v18;
	v11 =	vld.idx.msk [tilespmem:v8+s3+$0x0], $0xffff;
	v8 =	vadd.s32 $0x16, v1;
	s1 =	sadd.s32 s25, s10;
	s10 =	sadd.s32 s14, s10  }
0x133: {  	v18 =	vadd.s32 $0x3, v7;
	v21 =	vld.idx.msk [tilespmem:v13+s3+$0x0], $0xffff;
	[tilespmem:s10+$0x0] =	vst v12  }
0x134: {  	s10 =	sadd.s32 $0x4280, s28;
	[tilespmem:s9+$0x0] =	vst v10;
	v10 =	vadd.s32 $0x15, v0;
	v12 =	vld.idx.msk [tilespmem:v16+s3+$0x0], $0xffff  }
0x135: {  	s9 =	sadd.s32 s29, s10;
	s10 =	sadd.s32 s26, s10;
	[tilespmem:s16+$0x100] =	vst v17;
	v13 =	vld.idx.msk [tilespmem:v14+s3+$0x0], $0xffff;
	v14 =	vadd.s32 $0xD, v4  }
.Ltmp1:
0x136: {  	v16 =	vld.idx.msk [tilespmem:v20+s3+$0x0], $0xffff;
	[tilespmem:s10+$0x0] =	vst v15;
	(pc) =	sbr.rel @p2 .LBB2_5-.Ltmp1, $4  }
0x137: {  	s10 =	sadd.s32 $0x2200, s0;
	v15 =	vadd.s32 $0xD, v3;
	[tilespmem:s15+$0x100] =	vst v19;
	v8 =	vld.idx.msk [tilespmem:v8+s3+$0x0], $0xffff  }
0x138: {  	s18 =	sadd.s32 $0x6380, s18;
	s19 =	sadd.s32 s31, s10;
	s10 =	sadd.s32 s30, s10;
	v17 =	vld.idx.msk [tilespmem:v18+s3+$0x0], $0xffff;
	v18 =	vadd.s32 $0x4, v5;
	[tilespmem:s23+$0x0] =	vst v11  }
0x139: {  	s14 =	sadd.s32 s14, s18;
	v11 =	vadd.s32 $0x17, v1;
	[tilespmem:s10+$0x0] =	vst v21;
	v10 =	vld.idx.msk [tilespmem:v10+s3+$0x0], $0xffff;
	s10 =	sadd.s32 s25, s18;
	s25 =	smov.u32 s29  }
0x13a: {  	s24 =	sadd.s32 $0x20, s24;
	v19 =	vadd.s32 $0x4, v7;
	s29 =	smov.u32 s31;
	s31 =	smov.u32 s11;
	v14 =	vld.idx.msk [tilespmem:v14+s3+$0x0], $0xffff;
	[tilespmem:s14+$0x0] =	vst v12  }
0x13b: {  	_ =	sdelay $0x2  }
0x13c: {  	[tilespmem:s16+$0x180] =	vst v16  }
0x13d: {  	v12 =	vld.idx.msk [tilespmem:v18+s3+$0x0], $0xffff;
	[tilespmem:s15+$0x180] =	vst v17  }
0x13e: {  	v36 =	vadd.s32 $0x5, v5;
	v35 =	vld.idx.msk [tilespmem:v19+s3+$0x0], $0xffff  }
0x13f: {  	v37 =	vadd.s32 $0x5, v7;
	_ =	sdelay $0x2  }
0x140: {  	[tilespmem:s16+$0x200] =	vst v12  }
0x141: {  	v12 =	vld.idx.msk [tilespmem:v36+s3+$0x0], $0xffff;
	[tilespmem:s15+$0x200] =	vst v35  }
0x142: {  	v38 =	vadd.s32 $0x6, v5;
	v16 =	vld.idx.msk [tilespmem:v37+s3+$0x0], $0xffff  }
0x143: {  	v39 =	vadd.s32 $0x6, v7;
	_ =	sdelay $0x2  }
0x144: {  	s4 =	sadd.s32 $0x1, s12;
	[tilespmem:s16+$0x280] =	vst v12  }
0x145: {  	s4 =	sand.u32 $0x3, s4;
	v12 =	vld.idx.msk [tilespmem:v38+s3+$0x0], $0xffff;
	[tilespmem:s15+$0x280] =	vst v16  }
0x146: {  	v40 =	vadd.s32 $0x7, v5;
	s4 =	sshll.u32 s4, $0x5;
	v16 =	vld.idx.msk [tilespmem:v39+s3+$0x0], $0xffff  }
0x147: {  	v41 =	vadd.s32 $0x7, v7;
	s4 =	sadd.s32 s4, s13  }
0x148: {  	s8 =	sadd.s32 $0x10, s4  }
0x149: {  	s11 =	sor.u32 $0x300, s8  }
0x14a: {  	s4 =	sor.u32 $0x300, s4;
	[tilespmem:v6+s11+$0x0 ss:$0x1] =	vst.idx.msk $0xffff, v12  }
0x14b: {  	v12 =	vld.idx.msk [tilespmem:v40+s3+$0x0], $0xffff;
	[tilespmem:v6+s4+$0x0 ss:$0x1] =	vst.idx.msk $0xffff, v16  }
0x14c: {  	v42 =	vadd.s32 $0x8, v5;
	v16 =	vld.idx.msk [tilespmem:v41+s3+$0x0], $0xffff  }
0x14d: {  	v43 =	vadd.s32 $0x8, v7;
	_ =	sdelay $0x1  }
0x14e: {  	s16 =	sor.u32 $0x380, s8  }
0x14f: {  	[tilespmem:v6+s16+$0x0 ss:$0x1] =	vst.idx.msk $0xffff, v12  }
0x150: {  	v12 =	vld.idx.msk [tilespmem:v42+s3+$0x0], $0xffff;
	[tilespmem:v6+s17+$0x0 ss:$0x1] =	vst.idx.msk $0xffff, v16  }
0x151: {  	v44 =	vadd.s32 $0x9, v5;
	v6 =	vld.idx.msk [tilespmem:v43+s3+$0x0], $0xffff  }
0x152: {  	v45 =	vadd.s32 $0x9, v7  }
0x153: {  	s18 =	sadd.s32 $0x2000, s7  }
0x154: {  	s22 =	sadd.s32 s2, s18  }
0x155: {  	s4 =	sadd.s32 s31, s18;
	[tilespmem:s22+$0x0] =	vst v12  }
0x156: {  	v12 =	vld.idx.msk [tilespmem:v44+s3+$0x0], $0xffff;
	[tilespmem:s4+$0x0] =	vst v6  }
0x157: {  	v46 =	vadd.s32 $0xA, v5;
	v6 =	vld.idx.msk [tilespmem:v45+s3+$0x0], $0xffff  }
0x158: {  	v47 =	vadd.s32 $0xA, v7  }
0x159: {  	s23 =	sadd.s32 $0x2080, s7  }
0x15a: {  	s24 =	sadd.s32 s2, s23  }
0x15b: {  	s4 =	sadd.s32 s31, s23;
	[tilespmem:s24+$0x0] =	vst v12  }
0x15c: {  	v12 =	vld.idx.msk [tilespmem:v46+s3+$0x0], $0xffff;
	[tilespmem:s4+$0x0] =	vst v6  }
0x15d: {  	v48 =	vadd.s32 $0xB, v5;
	v6 =	vld.idx.msk [tilespmem:v47+s3+$0x0], $0xffff  }
0x15e: {  	v49 =	vadd.s32 $0xB, v7  }
0x15f: {  	s11 =	sadd.s32 $0x2100, s7  }
0x160: {  	s12 =	sadd.s32 s2, s11  }
0x161: {  	s4 =	sadd.s32 s31, s11;
	[tilespmem:s12+$0x0] =	vst v12  }
0x162: {  	v12 =	vld.idx.msk [tilespmem:v48+s3+$0x0], $0xffff;
	[tilespmem:s4+$0x0] =	vst v6  }
0x163: {  	v50 =	vadd.s32 $0xC, v5;
	v6 =	vld.idx.msk [tilespmem:v49+s3+$0x0], $0xffff  }
0x164: {  	v51 =	vadd.s32 $0xC, v7  }
0x165: {  	s13 =	sadd.s32 $0x2180, s7  }
0x166: {  	s14 =	sadd.s32 s2, s13  }
0x167: {  	s4 =	sadd.s32 s31, s13;
	[tilespmem:s14+$0x0] =	vst v12  }
0x168: {  	v12 =	vld.idx.msk [tilespmem:v50+s3+$0x0], $0xffff;
	[tilespmem:s4+$0x0] =	vst v6  }
0x169: {  	v52 =	vadd.s32 $0xD, v5;
	v6 =	vld.idx.msk [tilespmem:v51+s3+$0x0], $0xffff  }
0x16a: {  	v53 =	vadd.s32 $0xD, v7  }
0x16b: {  	s15 =	sadd.s32 $0x2200, s7  }
0x16c: {  	[tilespmem:s19+$0x0] =	vst v13;
	v54 =	vadd.s32 $0xE, v4;
	s16 =	sadd.s32 s2, s15  }
0x16d: {  	v13 =	vld.idx.msk [tilespmem:v15+s3+$0x0], $0xffff;
	s4 =	sadd.s32 s31, s15;
	[tilespmem:s16+$0x0] =	vst v12  }
0x16e: {  	v55 =	vadd.s32 $0xE, v3;
	s17 =	sadd.s32 $0x2280, s0;
	v16 =	vld.idx.msk [tilespmem:v52+s3+$0x0], $0xffff;
	[tilespmem:s4+$0x0] =	vst v6  }
0x16f: {  	v56 =	vadd.s32 $0xE, v5;
	s18 =	sadd.s32 s30, s17;
	v6 =	vld.idx.msk [tilespmem:v53+s3+$0x0], $0xffff  }
0x170: {  	v57 =	vadd.s32 $0xE, v7;
	[tilespmem:s18+$0x0] =	vst v14  }
0x171: {  	s19 =	sadd.s32 $0x2280, s7;
	v14 =	vld.idx.msk [tilespmem:v54+s3+$0x0], $0xffff;
	s4 =	sadd.s32 s29, s17  }
0x172: {  	v58 =	vadd.s32 $0xF, v4;
	s22 =	sadd.s32 s2, s19;
	[tilespmem:s4+$0x0] =	vst v13  }
0x173: {  	s8 =	sadd.s32 s31, s19;
	v12 =	vld.idx.msk [tilespmem:v55+s3+$0x0], $0xffff;
	[tilespmem:s22+$0x0] =	vst v16  }
0x174: {  	v59 =	vadd.s32 $0xF, v3;
	s23 =	sadd.s32 $0x2300, s0;
	v16 =	vld.idx.msk [tilespmem:v56+s3+$0x0], $0xffff;
	[tilespmem:s8+$0x0] =	vst v6  }
0x175: {  	v60 =	vadd.s32 $0xF, v5;
	s24 =	sadd.s32 s30, s23;
	v6 =	vld.idx.msk [tilespmem:v57+s3+$0x0], $0xffff  }
0x176: {  	v61 =	vadd.s32 $0xF, v7;
	[tilespmem:s24+$0x0] =	vst v14  }
0x177: {  	s11 =	sadd.s32 $0x2300, s7;
	s4 =	sadd.s32 s29, s23;
	v13 =	vld.idx.msk [tilespmem:v58+s3+$0x0], $0xffff  }
0x178: {  	v62 =	vadd.s32 $0x10, v4;
	s12 =	sadd.s32 s2, s11;
	[tilespmem:s4+$0x0] =	vst v12  }
0x179: {  	s8 =	sadd.s32 s31, s11;
	v12 =	vld.idx.msk [tilespmem:v59+s3+$0x0], $0xffff;
	[tilespmem:s12+$0x0] =	vst v16  }
0x17a: {  	v63 =	vadd.s32 $0x10, v3;
	s13 =	sadd.s32 $0x2380, s0;
	v16 =	vld.idx.msk [tilespmem:v60+s3+$0x0], $0xffff;
	[tilespmem:s8+$0x0] =	vst v6  }
0x17b: {  	v21 =	vadd.s32 $0x10, v5;
	s14 =	sadd.s32 s30, s13;
	v6 =	vld.idx.msk [tilespmem:v61+s3+$0x0], $0xffff  }
0x17c: {  	v22 =	vadd.s32 $0x10, v7;
	[tilespmem:s14+$0x0] =	vst v13  }
0x17d: {  	s15 =	sadd.s32 $0x2380, s7;
	s4 =	sadd.s32 s29, s13;
	v13 =	vld.idx.msk [tilespmem:v62+s3+$0x0], $0xffff  }
0x17e: {  	v23 =	vadd.s32 $0x11, v4;
	s16 =	sadd.s32 s2, s15;
	[tilespmem:s4+$0x0] =	vst v12  }
0x17f: {  	s8 =	sadd.s32 s31, s15;
	v12 =	vld.idx.msk [tilespmem:v63+s3+$0x0], $0xffff;
	[tilespmem:s16+$0x0] =	vst v16  }
0x180: {  	v24 =	vadd.s32 $0x11, v3;
	s17 =	sadd.s32 $0x4000, s0;
	v16 =	vld.idx.msk [tilespmem:v21+s3+$0x0], $0xffff;
	[tilespmem:s8+$0x0] =	vst v6  }
0x181: {  	v25 =	vadd.s32 $0x11, v5;
	s18 =	sadd.s32 s30, s17;
	v6 =	vld.idx.msk [tilespmem:v22+s3+$0x0], $0xffff  }
0x182: {  	v26 =	vadd.s32 $0x11, v7;
	[tilespmem:s18+$0x0] =	vst v13  }
0x183: {  	s19 =	sadd.s32 $0x4000, s7;
	s4 =	sadd.s32 s29, s17;
	v13 =	vld.idx.msk [tilespmem:v23+s3+$0x0], $0xffff  }
0x184: {  	v27 =	vadd.s32 $0x12, v4;
	s22 =	sadd.s32 s2, s19;
	[tilespmem:s4+$0x0] =	vst v12  }
0x185: {  	s8 =	sadd.s32 s31, s19;
	v28 =	vld.idx.msk [tilespmem:v24+s3+$0x0], $0xffff;
	[tilespmem:s22+$0x0] =	vst v16  }
0x186: {  	v29 =	vadd.s32 $0x12, v3;
	s23 =	sadd.s32 $0x4080, s0;
	v16 =	vld.idx.msk [tilespmem:v25+s3+$0x0], $0xffff;
	[tilespmem:s8+$0x0] =	vst v6  }
0x187: {  	v30 =	vadd.s32 $0x12, v5;
	s24 =	sadd.s32 s30, s23;
	v31 =	vld.idx.msk [tilespmem:v26+s3+$0x0], $0xffff  }
0x188: {  	v32 =	vadd.s32 $0x12, v7;
	[tilespmem:s24+$0x0] =	vst v13  }
0x189: {  	s11 =	sadd.s32 $0x4080, s7;
	s4 =	sadd.s32 s29, s23;
	v12 =	vld.idx.msk [tilespmem:v27+s3+$0x0], $0xffff  }
0x18a: {  	v33 =	vadd.s32 $0x13, v4;
	s12 =	sadd.s32 s2, s11;
	[tilespmem:s4+$0x0] =	vst v28  }
0x18b: {  	s8 =	sadd.s32 s31, s11;
	v14 =	vld.idx.msk [tilespmem:v29+s3+$0x0], $0xffff;
	[tilespmem:s12+$0x0] =	vst v16  }
0x18c: {  	v34 =	vadd.s32 $0x13, v3;
	s13 =	sadd.s32 $0x4100, s0;
	v6 =	vld.idx.msk [tilespmem:v30+s3+$0x0], $0xffff;
	[tilespmem:s8+$0x0] =	vst v31  }
0x18d: {  	v35 =	vadd.s32 $0x13, v5;
	s14 =	sadd.s32 s30, s13;
	v17 =	vld.idx.msk [tilespmem:v32+s3+$0x0], $0xffff  }
0x18e: {  	v36 =	vadd.s32 $0x13, v7;
	[tilespmem:s14+$0x0] =	vst v12  }
0x18f: {  	[tilespmem:s21+$0x0] =	vst v9;
	s15 =	sadd.s32 $0x4100, s7;
	s4 =	sadd.s32 s29, s13;
	v12 =	vld.idx.msk [tilespmem:v33+s3+$0x0], $0xffff  }
0x190: {  	v45 =	vadd.s32 $0x1C, v2;
	s16 =	sadd.s32 s2, s15;
	[tilespmem:s4+$0x0] =	vst v14  }
0x191: {  	v37 =	vadd.s32 $0x14, v4;
	s8 =	sadd.s32 s31, s15;
	v38 =	vld.idx.msk [tilespmem:v34+s3+$0x0], $0xffff;
	[tilespmem:s16+$0x0] =	vst v6  }
0x192: {  	v39 =	vadd.s32 $0x14, v3;
	s18 =	sadd.s32 $0x4180, s0;
	v40 =	vld.idx.msk [tilespmem:v35+s3+$0x0], $0xffff;
	[tilespmem:s8+$0x0] =	vst v17  }
0x193: {  	[tilespmem:s9+$0x0] =	vst v10;
	v41 =	vadd.s32 $0x14, v5;
	s19 =	sadd.s32 s30, s18;
	s4 =	sadd.s32 $0x4300, s28;
	v42 =	vld.idx.msk [tilespmem:v36+s3+$0x0], $0xffff  }
0x194: {  	v43 =	vadd.s32 $0x14, v7;
	[tilespmem:s19+$0x0] =	vst v12;
	s17 =	sadd.s32 s26, s4  }
0x195: {  	s22 =	sadd.s32 $0x4180, s7;
	v12 =	vld.idx.msk [tilespmem:v45+s3+$0x0], $0xffff;
	[tilespmem:s17+$0x0] =	vst v8;
	s8 =	sadd.s32 s29, s18  }
0x196: {  	v44 =	vadd.s32 $0x16, v0;
	s23 =	sadd.s32 s2, s22;
	v6 =	vld.idx.msk [tilespmem:v37+s3+$0x0], $0xffff;
	[tilespmem:s8+$0x0] =	vst v38  }
0x197: {  	v46 =	vadd.s32 $0x15, v4;
	s9 =	sadd.s32 s31, s22;
	v14 =	vld.idx.msk [tilespmem:v39+s3+$0x0], $0xffff;
	[tilespmem:s23+$0x0] =	vst v40  }
0x198: {  	v47 =	vadd.s32 $0x15, v3;
	v8 =	vld.idx.msk [tilespmem:v41+s3+$0x0], $0xffff;
	[tilespmem:s9+$0x0] =	vst v42  }
0x199: {  	v48 =	vadd.s32 $0x15, v5;
	s13 =	sadd.s32 $0x4200, s0;
	v10 =	vld.idx.msk [tilespmem:v43+s3+$0x0], $0xffff  }
0x19a: {  	v50 =	vadd.s32 $0x15, v7;
	s14 =	sadd.s32 s30, s13;
	v11 =	vld.idx.msk [tilespmem:v11+s3+$0x0], $0xffff;
	[tilespmem:s6+$0x0] =	vst v12  }
0x19b: {  	v49 =	vld.idx.msk [tilespmem:v44+s3+$0x0], $0xffff;
	v58 =	vadd.s32 $0x1D, v2;
	s11 =	sadd.s32 s29, s13;
	s15 =	sadd.s32 $0x4200, s7;
	[tilespmem:s14+$0x0] =	vst v6  }
0x19c: {  	v52 =	vadd.s32 $0x17, v0;
	s16 =	sadd.s32 s2, s15;
	v13 =	vld.idx.msk [tilespmem:v46+s3+$0x0], $0xffff;
	[tilespmem:s11+$0x0] =	vst v14  }
0x19d: {  	v53 =	vadd.s32 $0x16, v4;
	s24 =	sadd.s32 $0x4380, s28;
	s9 =	sadd.s32 s31, s15;
	v14 =	vld.idx.msk [tilespmem:v47+s3+$0x0], $0xffff;
	[tilespmem:s16+$0x0] =	vst v8  }
0x19e: {  	v54 =	vadd.s32 $0x16, v3;
	s12 =	sadd.s32 s26, s24;
	v9 =	vld.idx.msk [tilespmem:v48+s3+$0x0], $0xffff;
	[tilespmem:s9+$0x0] =	vst v10  }
0x19f: {  	v55 =	vadd.s32 $0x16, v5;
	s4 =	sadd.s32 s25, s4;
	s17 =	sadd.s32 $0x4280, s0;
	[tilespmem:s12+$0x0] =	vst v11;
	v11 =	vld.idx.msk [tilespmem:v50+s3+$0x0], $0xffff  }
0x1a0: {  	v57 =	vadd.s32 $0x16, v7;
	[tilespmem:s4+$0x0] =	vst v49;
	s18 =	sadd.s32 s30, s17;
	v20 =	vld.idx.msk [tilespmem:v58+s3+$0x0], $0xffff  }
0x1a1: {  	v51 =	vadd.s32 $0x18, v1;
	s19 =	sadd.s32 $0x4280, s7;
	s4 =	sadd.s32 s29, s17;
	v6 =	vld.idx.msk [tilespmem:v52+s3+$0x0], $0xffff;
	[tilespmem:s18+$0x0] =	vst v13  }
0x1a2: {  	v22 =	vadd.s32 $0x18, v0;
	s21 =	sadd.s32 s2, s19;
	v8 =	vld.idx.msk [tilespmem:v53+s3+$0x0], $0xffff;
	[tilespmem:s4+$0x0] =	vst v14  }
0x1a3: {  	v60 =	vadd.s32 $0x17, v4;
	s6 =	sadd.s32 s31, s19;
	v10 =	vld.idx.msk [tilespmem:v54+s3+$0x0], $0xffff;
	[tilespmem:s21+$0x0] =	vst v9  }
0x1a4: {  	v61 =	vadd.s32 $0x17, v3;
	v62 =	vld.idx.msk [tilespmem:v55+s3+$0x0], $0xffff;
	[tilespmem:s6+$0x0] =	vst v11  }
0x1a5: {  	v63 =	vadd.s32 $0x17, v5;
	s8 =	sadd.s32 s25, s24;
	s24 =	sadd.s32 $0x4300, s0;
	[tilespmem:s5+$0x0] =	vst v20;
	v12 =	vld.idx.msk [tilespmem:v57+s3+$0x0], $0xffff  }
0x1a6: {  	v21 =	vadd.s32 $0x17, v7;
	v56 =	vld.idx.msk [tilespmem:v51+s3+$0x0], $0xffff;
	[tilespmem:s8+$0x0] =	vst v6;
	s9 =	sadd.s32 s30, s24  }
0x1a7: {  	v59 =	vadd.s32 $0x19, v1;
	s11 =	sadd.s32 $0x4300, s7;
	v27 =	vld.idx.msk [tilespmem:v22+s3+$0x0], $0xffff;
	[tilespmem:s9+$0x0] =	vst v8;
	s6 =	sadd.s32 s29, s24  }
0x1a8: {  	v23 =	vadd.s32 $0x1E, v2;
	s12 =	sadd.s32 s2, s11;
	v9 =	vld.idx.msk [tilespmem:v60+s3+$0x0], $0xffff;
	[tilespmem:s6+$0x0] =	vst v10  }
0x1a9: {  	v24 =	vadd.s32 $0x18, v4;
	s22 =	sadd.s32 $0x6000, s28;
	s8 =	sadd.s32 s31, s11;
	v11 =	vld.idx.msk [tilespmem:v61+s3+$0x0], $0xffff;
	[tilespmem:s12+$0x0] =	vst v62  }
0x1aa: {  	v25 =	vadd.s32 $0x18, v3;
	s23 =	sadd.s32 s26, s22;
	v15 =	vld.idx.msk [tilespmem:v63+s3+$0x0], $0xffff;
	[tilespmem:s8+$0x0] =	vst v12  }
0x1ab: {  	v26 =	vadd.s32 $0x18, v5;
	s15 =	sadd.s32 $0x4380, s0;
	[tilespmem:s23+$0x0] =	vst v56;
	s4 =	sadd.s32 s25, s22;
	v6 =	vld.idx.msk [tilespmem:v21+s3+$0x0], $0xffff  }
0x1ac: {  	v28 =	vadd.s32 $0x18, v7;
	v13 =	vld.idx.msk [tilespmem:v59+s3+$0x0], $0xffff;
	s16 =	sadd.s32 s30, s15;
	[tilespmem:s4+$0x0] =	vst v27  }
0x1ad: {  	v29 =	vadd.s32 $0x1A, v1;
	s17 =	sadd.s32 $0x4380, s7;
	v8 =	vld.idx.msk [tilespmem:v23+s3+$0x0], $0xffff;
	[tilespmem:s16+$0x0] =	vst v9;
	s8 =	sadd.s32 s29, s15  }
0x1ae: {  	v30 =	vadd.s32 $0x19, v0;
	s18 =	sadd.s32 s2, s17;
	v10 =	vld.idx.msk [tilespmem:v24+s3+$0x0], $0xffff;
	[tilespmem:s8+$0x0] =	vst v11  }
0x1af: {  	s13 =	sadd.s32 $0x6080, s28;
	v31 =	vadd.s32 $0x19, v4;
	s5 =	sadd.s32 s31, s17;
	v14 =	vld.idx.msk [tilespmem:v25+s3+$0x0], $0xffff;
	[tilespmem:s18+$0x0] =	vst v15  }
0x1b0: {  	v32 =	vadd.s32 $0x19, v3;
	s14 =	sadd.s32 s26, s13;
	v12 =	vld.idx.msk [tilespmem:v26+s3+$0x0], $0xffff;
	[tilespmem:s5+$0x0] =	vst v6  }
0x1b1: {  	v33 =	vadd.s32 $0x19, v5;
	s19 =	sadd.s32 $0x6000, s0;
	[tilespmem:s14+$0x0] =	vst v13;
	v13 =	vld.idx.msk [tilespmem:v28+s3+$0x0], $0xffff  }
0x1b2: {  	v35 =	vadd.s32 $0x19, v7;
	v34 =	vld.idx.msk [tilespmem:v29+s3+$0x0], $0xffff;
	s21 =	sadd.s32 s30, s19;
	[tilespmem:s1+$0x0] =	vst v8  }
0x1b3: {  	v36 =	vadd.s32 $0x1F, v2;
	s22 =	sadd.s32 $0x6000, s7;
	s4 =	sadd.s32 s29, s19;
	v9 =	vld.idx.msk [tilespmem:v30+s3+$0x0], $0xffff;
	[tilespmem:s21+$0x0] =	vst v10  }
0x1b4: {  	v37 =	vadd.s32 $0x1A, v0;
	s23 =	sadd.s32 s2, s22;
	v11 =	vld.idx.msk [tilespmem:v31+s3+$0x0], $0xffff;
	[tilespmem:s4+$0x0] =	vst v14  }
0x1b5: {  	v38 =	vadd.s32 $0x1A, v4;
	s24 =	sadd.s32 $0x6100, s28;
	s1 =	sadd.s32 s31, s22;
	v6 =	vld.idx.msk [tilespmem:v32+s3+$0x0], $0xffff;
	[tilespmem:s23+$0x0] =	vst v12  }
0x1b6: {  	v39 =	vadd.s32 $0x1A, v3;
	s8 =	sadd.s32 s26, s24;
	v40 =	vld.idx.msk [tilespmem:v33+s3+$0x0], $0xffff;
	[tilespmem:s1+$0x0] =	vst v13  }
0x1b7: {  	v41 =	vadd.s32 $0x1A, v5;
	s11 =	sadd.s32 $0x6080, s0;
	s9 =	sadd.s32 s25, s13;
	[tilespmem:s8+$0x0] =	vst v34;
	v8 =	vld.idx.msk [tilespmem:v35+s3+$0x0], $0xffff  }
0x1b8: {  	v42 =	vadd.s32 $0x1A, v7;
	v2 =	vld.idx.msk [tilespmem:v36+s3+$0x0], $0xffff;
	s12 =	sadd.s32 s30, s11;
	[tilespmem:s9+$0x0] =	vst v9  }
0x1b9: {  	v43 =	vadd.s32 $0x1B, v1;
	s13 =	sadd.s32 $0x6080, s7;
	v10 =	vld.idx.msk [tilespmem:v37+s3+$0x0], $0xffff;
	[tilespmem:s12+$0x0] =	vst v11;
	s1 =	sadd.s32 s29, s11  }
0x1ba: {  	v44 =	vadd.s32 $0x1B, v0;
	s14 =	sadd.s32 s2, s13;
	v12 =	vld.idx.msk [tilespmem:v38+s3+$0x0], $0xffff;
	[tilespmem:s1+$0x0] =	vst v6  }
0x1bb: {  	v45 =	vadd.s32 $0x1B, v4;
	s15 =	sadd.s32 s31, s13;
	v13 =	vld.idx.msk [tilespmem:v39+s3+$0x0], $0xffff;
	[tilespmem:s14+$0x0] =	vst v40  }
0x1bc: {  	v46 =	vadd.s32 $0x1B, v3;
	v14 =	vld.idx.msk [tilespmem:v41+s3+$0x0], $0xffff;
	[tilespmem:s15+$0x0] =	vst v8  }
0x1bd: {  	v47 =	vadd.s32 $0x1B, v5;
	s17 =	sadd.s32 $0x6100, s0;
	s16 =	sadd.s32 s25, s24;
	[tilespmem:s10+$0x0] =	vst v2;
	v9 =	vld.idx.msk [tilespmem:v42+s3+$0x0], $0xffff  }
0x1be: {  	v49 =	vadd.s32 $0x1B, v7;
	v48 =	vld.idx.msk [tilespmem:v43+s3+$0x0], $0xffff;
	s18 =	sadd.s32 s30, s17;
	[tilespmem:s16+$0x0] =	vst v10  }
0x1bf: {  	v50 =	vadd.s32 $0x1C, v1;
	s19 =	sadd.s32 $0x6100, s7;
	s4 =	sadd.s32 s29, s17;
	v11 =	vld.idx.msk [tilespmem:v44+s3+$0x0], $0xffff;
	[tilespmem:s18+$0x0] =	vst v12  }
0x1c0: {  	v51 =	vadd.s32 $0x1C, v0;
	s21 =	sadd.s32 s2, s19;
	v6 =	vld.idx.msk [tilespmem:v45+s3+$0x0], $0xffff;
	[tilespmem:s4+$0x0] =	vst v13  }
0x1c1: {  	v52 =	vadd.s32 $0x1C, v4;
	s22 =	sadd.s32 $0x6180, s28;
	s1 =	sadd.s32 s31, s19;
	v8 =	vld.idx.msk [tilespmem:v46+s3+$0x0], $0xffff;
	[tilespmem:s21+$0x0] =	vst v14  }
0x1c2: {  	v53 =	vadd.s32 $0x1C, v3;
	s23 =	sadd.s32 s26, s22;
	v2 =	vld.idx.msk [tilespmem:v47+s3+$0x0], $0xffff;
	[tilespmem:s1+$0x0] =	vst v9  }
0x1c3: {  	v54 =	vadd.s32 $0x1C, v5;
	s24 =	sadd.s32 $0x6180, s0;
	[tilespmem:s23+$0x0] =	vst v48;
	s4 =	sadd.s32 s25, s22;
	v10 =	vld.idx.msk [tilespmem:v49+s3+$0x0], $0xffff  }
0x1c4: {  	v55 =	vadd.s32 $0x1C, v7;
	s5 =	sadd.s32 s30, s24;
	v15 =	vld.idx.msk [tilespmem:v50+s3+$0x0], $0xffff;
	[tilespmem:s4+$0x0] =	vst v11  }
0x1c5: {  	v56 =	vadd.s32 $0x1D, v1;
	s6 =	sadd.s32 $0x6180, s7;
	v12 =	vld.idx.msk [tilespmem:v51+s3+$0x0], $0xffff;
	[tilespmem:s5+$0x0] =	vst v6;
	s1 =	sadd.s32 s29, s24  }
0x1c6: {  	v57 =	vadd.s32 $0x1D, v0;
	s8 =	sadd.s32 s2, s6;
	v13 =	vld.idx.msk [tilespmem:v52+s3+$0x0], $0xffff;
	[tilespmem:s1+$0x0] =	vst v8  }
0x1c7: {  	v58 =	vadd.s32 $0x1D, v4;
	s9 =	sadd.s32 $0x6200, s28;
	s4 =	sadd.s32 s31, s6;
	v8 =	vld.idx.msk [tilespmem:v53+s3+$0x0], $0xffff;
	[tilespmem:s8+$0x0] =	vst v2  }
0x1c8: {  	v59 =	vadd.s32 $0x1D, v3;
	s10 =	sadd.s32 s26, s9;
	v60 =	vld.idx.msk [tilespmem:v54+s3+$0x0], $0xffff;
	[tilespmem:s4+$0x0] =	vst v10  }
0x1c9: {  	v61 =	vadd.s32 $0x1D, v5;
	s11 =	sadd.s32 $0x6200, s0;
	[tilespmem:s10+$0x0] =	vst v15;
	s1 =	sadd.s32 s25, s9;
	v11 =	vld.idx.msk [tilespmem:v55+s3+$0x0], $0xffff  }
0x1ca: {  	v62 =	vadd.s32 $0x1D, v7;
	s12 =	sadd.s32 s30, s11;
	v15 =	vld.idx.msk [tilespmem:v56+s3+$0x0], $0xffff;
	[tilespmem:s1+$0x0] =	vst v12  }
0x1cb: {  	v63 =	vadd.s32 $0x1E, v1;
	s13 =	sadd.s32 s29, s11;
	s14 =	sadd.s32 $0x6200, s7;
	v6 =	vld.idx.msk [tilespmem:v57+s3+$0x0], $0xffff;
	[tilespmem:s12+$0x0] =	vst v13  }
0x1cc: {  	v18 =	vadd.s32 $0x1E, v0;
	s15 =	sadd.s32 s2, s14;
	v2 =	vld.idx.msk [tilespmem:v58+s3+$0x0], $0xffff;
	[tilespmem:s13+$0x0] =	vst v8  }
0x1cd: {  	v19 =	vadd.s32 $0x1E, v4;
	s16 =	sadd.s32 $0x6280, s28;
	s4 =	sadd.s32 s31, s14;
	v9 =	vld.idx.msk [tilespmem:v59+s3+$0x0], $0xffff;
	[tilespmem:s15+$0x0] =	vst v60  }
0x1ce: {  	v20 =	vadd.s32 $0x1E, v3;
	s17 =	sadd.s32 s26, s16;
	v21 =	vld.idx.msk [tilespmem:v61+s3+$0x0], $0xffff;
	[tilespmem:s4+$0x0] =	vst v11  }
0x1cf: {  	v22 =	vadd.s32 $0x1E, v5;
	s18 =	sadd.s32 $0x6280, s0;
	[tilespmem:s17+$0x0] =	vst v15;
	s1 =	sadd.s32 s25, s16;
	v12 =	vld.idx.msk [tilespmem:v62+s3+$0x0], $0xffff  }
0x1d0: {  	v23 =	vadd.s32 $0x1E, v7;
	s19 =	sadd.s32 s30, s18;
	v15 =	vld.idx.msk [tilespmem:v63+s3+$0x0], $0xffff;
	[tilespmem:s1+$0x0] =	vst v6  }
0x1d1: {  	v24 =	vadd.s32 $0x1F, v1;
	s21 =	sadd.s32 $0x6280, s7;
	v13 =	vld.idx.msk [tilespmem:v18+s3+$0x0], $0xffff;
	[tilespmem:s19+$0x0] =	vst v2;
	s4 =	sadd.s32 s29, s18  }
0x1d2: {  	v25 =	vadd.s32 $0x1F, v0;
	s22 =	sadd.s32 s2, s21;
	v2 =	vld.idx.msk [tilespmem:v19+s3+$0x0], $0xffff;
	[tilespmem:s4+$0x0] =	vst v9  }
0x1d3: {  	v26 =	vadd.s32 $0x1F, v4;
	s23 =	sadd.s32 $0x6300, s28;
	s1 =	sadd.s32 s31, s21;
	v27 =	vld.idx.msk [tilespmem:v20+s3+$0x0], $0xffff;
	[tilespmem:s22+$0x0] =	vst v21  }
0x1d4: {  	v28 =	vadd.s32 $0x1F, v3;
	s24 =	sadd.s32 s26, s23;
	v29 =	vld.idx.msk [tilespmem:v22+s3+$0x0], $0xffff;
	[tilespmem:s1+$0x0] =	vst v12  }
0x1d5: {  	v30 =	vadd.s32 $0x1F, v5;
	s5 =	sadd.s32 $0x6300, s0;
	[tilespmem:s24+$0x0] =	vst v15;
	s4 =	sadd.s32 s25, s23;
	v6 =	vld.idx.msk [tilespmem:v23+s3+$0x0], $0xffff  }
0x1d6: {  	v31 =	vadd.s32 $0x1F, v7;
	s6 =	sadd.s32 s30, s5;
	v1 =	vld.idx.msk [tilespmem:v24+s3+$0x0], $0xffff;
	[tilespmem:s4+$0x0] =	vst v13  }
0x1d7: {  	s8 =	sadd.s32 $0x6300, s7;
	v0 =	vld.idx.msk [tilespmem:v25+s3+$0x0], $0xffff;
	[tilespmem:s6+$0x0] =	vst v2;
	s1 =	sadd.s32 s29, s5  }
0x1d8: {  	s9 =	sadd.s32 s2, s8;
	v2 =	vld.idx.msk [tilespmem:v26+s3+$0x0], $0xffff;
	[tilespmem:s1+$0x0] =	vst v27  }
0x1d9: {  	s10 =	sadd.s32 $0x6380, s28;
	s4 =	sadd.s32 s31, s8;
	v3 =	vld.idx.msk [tilespmem:v28+s3+$0x0], $0xffff;
	[tilespmem:s9+$0x0] =	vst v29  }
0x1da: {  	s11 =	sadd.s32 s26, s10;
	v32 =	vld.idx.msk [tilespmem:v30+s3+$0x0], $0xffff;
	[tilespmem:s4+$0x0] =	vst v6  }
0x1db: {  	s12 =	sadd.s32 $0x6380, s0;
	[tilespmem:s11+$0x0] =	vst v1;
	s1 =	sadd.s32 s25, s10;
	v33 =	vld.idx.msk [tilespmem:v31+s3+$0x0], $0xffff  }
0x1dc: {  	s13 =	sadd.s32 s30, s12;
	[tilespmem:s1+$0x0] =	vst v0  }
0x1dd: {  	s0 =	sadd.s32 s29, s12;
	s14 =	sadd.s32 $0x6380, s7;
	[tilespmem:s13+$0x0] =	vst v2  }
0x1de: {  	s15 =	sadd.s32 s2, s14;
	[tilespmem:s0+$0x0] =	vst v3  }
0x1df: {  	s1 =	sadd.s32 s31, s14;
	[tilespmem:s15+$0x0] =	vst v32  }
0x1e0: {  	[tilespmem:s1+$0x0] =	vst v33  }
0x1e1: {  	s0 =	rddreg [dreg:$0x12]  }
0x1e2: {  	v0 =	vld [tilespmem:s0+$0x84D8];
	_ =	sdelay $0x4  }
0x1e3: {  	v0 =	vmul.u32 $0x21, v0;
	_ =	sdelay $0x5  }
0x1e4: {  	v1 =	vld.idx.msk [tilespmem:v0+s3+$0x0], $0xffff  }
0x1e5: {  	v34 =	vadd.s32 $0x1, v0;
	_ =	sdelay $0x2  }
0x1e6: {  	s9 =	rddreg [dreg:$0x11]  }
0x1e7: {  	[tilespmem:s9+$0xA558] =	vst v1  }
0x1e8: {  	v1 =	vld.idx.msk [tilespmem:v34+s3+$0x0], $0xffff  }
0x1e9: {  	v35 =	vadd.s32 $0x2, v0;
	_ =	sdelay $0x3  }
0x1ea: {  	[tilespmem:s9+$0xA5D8] =	vst v1  }
0x1eb: {  	v1 =	vld.idx.msk [tilespmem:v35+s3+$0x0], $0xffff  }
0x1ec: {  	v36 =	vadd.s32 $0x3, v0;
	_ =	sdelay $0x3  }
0x1ed: {  	[tilespmem:s9+$0xA658] =	vst v1  }
0x1ee: {  	v1 =	vld.idx.msk [tilespmem:v36+s3+$0x0], $0xffff  }
0x1ef: {  	v37 =	vadd.s32 $0x4, v0;
	_ =	sdelay $0x3  }
0x1f0: {  	[tilespmem:s9+$0xA6D8] =	vst v1  }
0x1f1: {  	v1 =	vld.idx.msk [tilespmem:v37+s3+$0x0], $0xffff  }
0x1f2: {  	v38 =	vadd.s32 $0x5, v0;
	_ =	sdelay $0x3  }
0x1f3: {  	[tilespmem:s9+$0xA758] =	vst v1  }
0x1f4: {  	v1 =	vld.idx.msk [tilespmem:v38+s3+$0x0], $0xffff  }
0x1f5: {  	v39 =	vadd.s32 $0x6, v0;
	_ =	sdelay $0x3  }
0x1f6: {  	[tilespmem:s9+$0xA7D8] =	vst v1  }
0x1f7: {  	v1 =	vld.idx.msk [tilespmem:v39+s3+$0x0], $0xffff  }
0x1f8: {  	v40 =	vadd.s32 $0x7, v0;
	_ =	sdelay $0x3  }
0x1f9: {  	[tilespmem:s9+$0xA858] =	vst v1  }
0x1fa: {  	v1 =	vld.idx.msk [tilespmem:v40+s3+$0x0], $0xffff  }
0x1fb: {  	v41 =	vadd.s32 $0x8, v0;
	_ =	sdelay $0x3  }
0x1fc: {  	[tilespmem:s9+$0xA8D8] =	vst v1  }
0x1fd: {  	v1 =	vld.idx.msk [tilespmem:v41+s3+$0x0], $0xffff  }
0x1fe: {  	v42 =	vadd.s32 $0x9, v0;
	_ =	sdelay $0x3  }
0x1ff: {  	[tilespmem:s9+$0xC558] =	vst v1  }
0x200: {  	v1 =	vld.idx.msk [tilespmem:v42+s3+$0x0], $0xffff  }
0x201: {  	v43 =	vadd.s32 $0xA, v0;
	_ =	sdelay $0x3  }
0x202: {  	[tilespmem:s9+$0xC5D8] =	vst v1  }
0x203: {  	v1 =	vld.idx.msk [tilespmem:v43+s3+$0x0], $0xffff  }
0x204: {  	v44 =	vadd.s32 $0xB, v0;
	_ =	sdelay $0x3  }
0x205: {  	[tilespmem:s9+$0xC658] =	vst v1  }
0x206: {  	v1 =	vld.idx.msk [tilespmem:v44+s3+$0x0], $0xffff  }
0x207: {  	v45 =	vadd.s32 $0xC, v0;
	_ =	sdelay $0x3  }
0x208: {  	[tilespmem:s9+$0xC6D8] =	vst v1  }
0x209: {  	v1 =	vld.idx.msk [tilespmem:v45+s3+$0x0], $0xffff  }
0x20a: {  	v46 =	vadd.s32 $0xD, v0;
	_ =	sdelay $0x3  }
0x20b: {  	[tilespmem:s9+$0xC758] =	vst v1  }
0x20c: {  	v1 =	vld.idx.msk [tilespmem:v46+s3+$0x0], $0xffff  }
0x20d: {  	v47 =	vadd.s32 $0xE, v0;
	_ =	sdelay $0x3  }
0x20e: {  	[tilespmem:s9+$0xC7D8] =	vst v1  }
0x20f: {  	v1 =	vld.idx.msk [tilespmem:v47+s3+$0x0], $0xffff  }
0x210: {  	v48 =	vadd.s32 $0xF, v0;
	_ =	sdelay $0x3  }
0x211: {  	[tilespmem:s9+$0xC858] =	vst v1  }
0x212: {  	v1 =	vld.idx.msk [tilespmem:v48+s3+$0x0], $0xffff  }
0x213: {  	v49 =	vadd.s32 $0x10, v0;
	_ =	sdelay $0x3  }
0x214: {  	[tilespmem:s9+$0xC8D8] =	vst v1  }
0x215: {  	v1 =	vld.idx.msk [tilespmem:v49+s3+$0x0], $0xffff  }
0x216: {  	v50 =	vadd.s32 $0x11, v0;
	_ =	sdelay $0x3  }
0x217: {  	[tilespmem:s9+$0xE558] =	vst v1  }
0x218: {  	v1 =	vld.idx.msk [tilespmem:v50+s3+$0x0], $0xffff  }
0x219: {  	v51 =	vadd.s32 $0x12, v0;
	_ =	sdelay $0x3  }
0x21a: {  	[tilespmem:s9+$0xE5D8] =	vst v1  }
0x21b: {  	v1 =	vld.idx.msk [tilespmem:v51+s3+$0x0], $0xffff  }
0x21c: {  	v52 =	vadd.s32 $0x13, v0;
	_ =	sdelay $0x3  }
0x21d: {  	[tilespmem:s9+$0xE658] =	vst v1  }
0x21e: {  	v1 =	vld.idx.msk [tilespmem:v52+s3+$0x0], $0xffff  }
0x21f: {  	v53 =	vadd.s32 $0x14, v0;
	_ =	sdelay $0x3  }
0x220: {  	[tilespmem:s9+$0xE6D8] =	vst v1  }
0x221: {  	v1 =	vld.idx.msk [tilespmem:v53+s3+$0x0], $0xffff  }
0x222: {  	v54 =	vadd.s32 $0x15, v0;
	_ =	sdelay $0x3  }
0x223: {  	[tilespmem:s9+$0xE758] =	vst v1  }
0x224: {  	v1 =	vld.idx.msk [tilespmem:v54+s3+$0x0], $0xffff  }
0x225: {  	v55 =	vadd.s32 $0x16, v0;
	_ =	sdelay $0x3  }
0x226: {  	[tilespmem:s9+$0xE7D8] =	vst v1  }
0x227: {  	v1 =	vld.idx.msk [tilespmem:v55+s3+$0x0], $0xffff  }
0x228: {  	v56 =	vadd.s32 $0x17, v0;
	_ =	sdelay $0x3  }
0x229: {  	[tilespmem:s9+$0xE858] =	vst v1  }
0x22a: {  	v1 =	vld.idx.msk [tilespmem:v56+s3+$0x0], $0xffff  }
0x22b: {  	v57 =	vadd.s32 $0x18, v0;
	_ =	sdelay $0x3  }
0x22c: {  	[tilespmem:s9+$0xE8D8] =	vst v1  }
0x22d: {  	v1 =	vld.idx.msk [tilespmem:v57+s3+$0x0], $0xffff  }
0x22e: {  	v58 =	vadd.s32 $0x19, v0;
	_ =	sdelay $0x3  }
0x22f: {  	[tilespmem:s9+$0x10558] =	vst v1  }
0x230: {  	v1 =	vld.idx.msk [tilespmem:v58+s3+$0x0], $0xffff  }
0x231: {  	v59 =	vadd.s32 $0x1A, v0;
	_ =	sdelay $0x3  }
0x232: {  	[tilespmem:s9+$0x105D8] =	vst v1  }
0x233: {  	v1 =	vld.idx.msk [tilespmem:v59+s3+$0x0], $0xffff  }
0x234: {  	v60 =	vadd.s32 $0x1B, v0;
	_ =	sdelay $0x3  }
0x235: {  	[tilespmem:s9+$0x10658] =	vst v1  }
0x236: {  	v1 =	vld.idx.msk [tilespmem:v60+s3+$0x0], $0xffff  }
0x237: {  	v61 =	vadd.s32 $0x1C, v0;
	_ =	sdelay $0x3  }
0x238: {  	[tilespmem:s9+$0x106D8] =	vst v1  }
0x239: {  	v1 =	vld.idx.msk [tilespmem:v61+s3+$0x0], $0xffff  }
0x23a: {  	v62 =	vadd.s32 $0x1D, v0;
	_ =	sdelay $0x2  }
0x23b: {  	s16 =	rddreg [dreg:$0x14]  }
0x23c: {  	s17 =	smulhi.u32 $0x66666667, s16;
	s18 =	sshra.s32 s16, $0x1F;
	[tilespmem:s9+$0x10758] =	vst v1  }
0x23d: {  	s19 =	rddreg [dreg:$0x10];
	s1 =	smul.u32 $0x66666667, s18;
	v1 =	vld.idx.msk [tilespmem:v62+s3+$0x0], $0xffff  }
0x23e: {  	s21 =	smulhi.u32 $0x66666667, s19;
	s22 =	sshra.s32 s19, $0x1F;
	v63 =	vadd.s32 $0x1E, v0  }
0x23f: {  	s2 =	smul.u32 $0x66666667, s22;
	s0 =	sadd.s32 s1, s17  }
0x240: {  	s23 =	sshrl.u32 s0, $0x1F;
	s0 =	sshra.s32 s0, $0x3  }
0x241: {  	s6 =	simm.s32 $0x1;
	s1 =	sadd.s32 s2, s21;
	s4 =	sadd.s32 s23, s0  }
0x242: {  	s2 =	sshrl.u32 s1, $0x1F;
	s1 =	sshra.s32 s1, $0x3;
	s0 =	smul.u32 $0xFFFFFFEC, s4;
	[tilespmem:s9+$0x107D8] =	vst v1  }
0x243: {  	s5 =	simm.s32 $0x1;
	s8 =	rddreg [dreg:$0xe];
	s1 =	sadd.s32 s2, s1;
	v1 =	vld.idx.msk [tilespmem:v63+s3+$0x0], $0xffff  }
0x244: {  	s10 =	rddreg [dreg:$0x13];
	s2 =	smul.u32 $0xFFFFFFEC, s1;
	s0 =	sadd.s32 s16, s0;
	v0 =	vadd.s32 $0x1F, v0  }
0x245: {  	p2 =	slt.s32 s16, $0x1;
	p5 =	slt.s32 s19, $0x1;
	p3 =	sne.s32 s0, $0x0  }
0x246: {  	s24 =	smulhi.u32 $0x66666667, s10;
	s2 =	sadd.s32 s19, s2;
	p2 =	por !p2, !p3  }
0x247: {  	s25 =	sshra.s32 s10, $0x1F;
	p6 =	sne.s32 s2, $0x0;
	p2 =	por !p2, !p2  }
0x248: {  	p4 =	slt.s32 s0, $0x0;
	s5 =	simm.s32 @!p2 $0x0;
	p2 =	por !p5, !p6;
	[tilespmem:s9+$0x10858] =	vst v1  }
0x249: {  	s7 =	sadd.s32 $0x14, s2;
	s4 =	ssub.s32 s4, s5;
	p2 =	por !p2, !p2;
	v0 =	vld.idx.msk [tilespmem:v0+s3+$0x0], $0xffff  }
0x24a: {  	s5 =	sadd.s32 $0x14, s0;
	s6 =	simm.s32 @!p2 $0x0;
	p2 =	slt.s32 s2, $0x0  }
0x24b: {  	s0 =	smov.u32 @p4 s5;
	s1 =	ssub.s32 s1, s6;
	s2 =	smov.u32 @p2 s7  }
0x24c: {  	p5 =	sne.s32 s4, s1;
	p4 =	sne.s32 s0, s2;
	s2 =	smul.u32 $0x66666667, s25  }
0x24d: {  	p2 =	seq.s32 s8, $0x27;
	p3 =	por p4, p5  }
0x24e: {  	p3 =	por p2, p3;
	s1 =	sadd.s32 s2, s24;
	[tilespmem:s9+$0x108D8] =	vst v0  }
0x24f: {  	s5 =	smul.u32 @p3 $0xA0000, s4;
	s6 =	sshll.u32 @p3 s0, $0xF;
	_ =	strace $0x9000004B  }
0x250: {  	s26 =	sshrl.u32 s1, $0x1F;
	s1 =	sshra.s32 s1, $0x3;
	_ =	strace @p3 $0x8000004C  }
0x251: {  	s1 =	sadd.s32 s26, s1;
	s2 =	sadd.s32 @p3 s6, s5;
	s6 =	rddreg [dreg:$0xf]  }
0x252: {  	s28 =	smul.u32 $0xFFFFFFEC, s1;
	s2 =	sshrl.u32 @p3 s2, $0x3;
	s5 =	rddreg [dreg:$0x1]  }
0x253: {  	s6 =	sadd.s32 @p3 $0x3, s6;
	s2 =	sadd.s32 @p3 s5, s2;
	s5 =	simm.s32 @p3 $0x0  }
0x254: {  	[hbm4b:s2+s5] =	stream.linear.scatter @p3 [tilespmem:s20], [sflag:s6], $0x8000, $0x200038;
	[tilespmem:$0x18900] =	vst v63  }
0x255: {  	s2 =	sadd.s32 s10, s28  }
0x256: {  	p6 =	slt.s32 s10, $0x1;
	p5 =	sne.s32 s2, $0x0  }
0x257: {  	p4 =	por !p6, !p5  }
0x258: {  	s5 =	simm.s32 $0x1;
	p4 =	por !p4, !p4  }
0x259: {  	s6 =	sadd.s32 $0x14, s2;
	s5 =	simm.s32 @!p4 $0x0;
	p4 =	slt.s32 s2, $0x0  }
0x25a: {  	s1 =	ssub.s32 s1, s5;
	s2 =	smov.u32 @p4 s6  }
0x25b: {  	p5 =	sne.s32 s4, s1;
	p6 =	sne.s32 s0, s2  }
0x25c: {  	p4 =	por p6, p5;
	p6 =	sne.s32 s8, $0x0  }
0x25d: {  	_ =	strace @p3 $0x9000004C;
	p4 =	por !p6, !p4  }
0x25e: {  	s5 =	rddreg [dreg:$0xa];
	p4 =	por !p4, !p4  }
0x25f: {  	s0 =	sand.u32 @p4 $0x1, s5  }
0x260: {  	_ =	strace @p4 $0x8000004D;
	s0 =	sadd.s32 @p4 $0x3, s0  }
0x261: {  	s1 =	simm.s32 $0x1;
	_ =	swait.ge @p4 [sflag:s0], $0x8000  }
0x262: {  	p0 =	por p2, p0;
	s1 =	simm.s32 @!p1 $0x0;
	s29 =	rddreg [dreg:$0x9]  }
0x263: {  	s8 =	sadd.s32 $0x1, s8;
	s4 =	sadd.s32 s1, s29;
	s1 =	simm.s32 $0x1  }
0x264: {  	s1 =	simm.s32 @!p0 $0x0;
	p0 =	sne.s32 s8, $0x28  }
.Ltmp2:
0x265: {  	s2 =	simm.s32 $0x1;
	(pc) =	sbr.rel @p0 .LBB2_4-.Ltmp2, $4  }
0x266: {  	s2 =	simm.s32 @!p3 $0x0;
	[sflag:s0] =	ssyncset.done @p4 $0x0;
	s30 =	rddreg [dreg:$0xc]  }
0x267: {  	s31 =	rddreg [dreg:$0xd];
	[sflag:s0] =	ssyncadd.s32 @p4 $0xFFFF8000;
	s0 =	simm.s32 $0x1  }
0x268: {  	s6 =	sadd.s32 s2, s30;
	s0 =	simm.s32 @!p4 $0x0;
	_ =	strace @p4 $0x9000004D  }
0x269: {  	s5 =	sadd.s32 s0, s5;
	s7 =	sadd.s32 s1, s31;
	s9 =	rddreg [dreg:$0xb]  }
0x26a: {  	s0 =	sand.u32 $0x1, s5  }
0x26b: {  	_ =	strace $0x8000004E;
	s0 =	sadd.s32 $0x3, s0  }
0x26c: {  	_ =	swait.ge [sflag:s0], $0x8000  }
0x26d: {  	s1 =	rddreg [dreg:$0x8]  }
0x26e: {  	s31 =	rddreg [dreg:$0x7];
	s1 =	sadd.s32 $0x1, s1  }
0x26f: {  	p0 =	sne.s32 s1, s31  }
.Ltmp3:
0x270: {  	_ = 	snop;
	(pc) =	sbr.rel @p0 .LBB2_1-.Ltmp3, $4  }
0x271: {  	_ = 	snop  }
0x272: {  	[sflag:s0] =	ssyncset.done $0x0  }
0x273: {  	[sflag:s0] =	ssyncadd.s32 $0xFFFF8000  }
0x274: {  	_ =	strace $0x9000004E  }
0x275: {  	_ =	sfence.sel $0x180000  }
0x276: {  	[bflag:$0x0] =	sbarrier.arrive $0xFFFF  }
0x277: {  	_ =	strace $0x90000047  }
0x278: {  	s0 =	stileid.u32;
	[bflag:$0x2] =	sbarrier.arrive $0xFFFF  }
0x279: {  	p0 =	sne.s32 s0, $0x0;
	s0 =	rddreg [dreg:$0x2]  }
0x27a: {  	s0 =	sadd.s32 @!p0 $0x100000, s0  }
0x27b: {  	[sflag:s0] =	ssyncadd.tile.s32 @!p0 $0x1;
	_ =	shalt  }
.Lfunc_end2:
_tile_overlayer_lowered:
.L_overlay_start_2:
0x27c: {  	(tag) =	ssettag $0x2  }
0x27d: {  	s0 =	rddreg [dreg:$0x0];
	s2 =	stileid.u32  }
0x27e: {  	s1 =	rddreg [dreg:$0x1];
	p0 =	sne.s32 s2, $0x0  }
0x27f: {  	s3 =	rddreg [dreg:$0x2];
	[bflag:$0x3] =	sbarrier.arrive $0xFFFF;
	s2 =	simm.s32 @!p0 $0x1C01  }
0x280: {  	[timem:s3], [sflag:s2] =	dma.local @!p0 [hbm:s0], s1  }
0x281: {  	s0 =	simm.s32 @!p0 $0x1  }
0x282: {  	_ =	swait.ge @!p0 [sflag:s0], s1  }
0x283: {  	s1 =	ssub.s32 @!p0 $0x0, s1;
	[sflag:s0] =	ssyncset.done @!p0 $0x0  }
0x284: {  	[sflag:s0] =	ssyncadd.s32 @!p0 s1  }
0x285: {  	[bflag:$0x3] =	sbarrier.arrive $0xFFFF  }
0x286: {  	_ =	shalt  }

</sc_bundles>
